<compile_context>
chip_gen: v7x
topology: tpu7x:2x2x1
jax: 0.10.2.dev20260603
libtpu: 0.0.44.dev20260713+nightly
codegen_flags: <defaults>
</compile_context>

<pallas_src>
import jax
import jax.numpy as jnp
from jax import lax
from jax.experimental import pallas as pl
from jax.experimental.pallas import tpu as pltpu
from jax.experimental.pallas import tpu_sc as plsc

F32 = jnp.float32
NC = 2
NS = 16
LN = 16
CH = 128
PAD = 128
WB = 80


def _padded_chunks(src, dst, n):
    import numpy as np
    e = src.shape[0]
    n_real = -(-e // CH)
    kt = -(-n_real // NS)
    kt = -(-kt // 16) * 16
    total = NS * kt
    n_pad = total - n_real
    pad_e = total * CH - e

    src_full = jnp.concatenate([src, jnp.zeros((pad_e,), jnp.int32)])
    dst_full = jnp.concatenate(
        [dst, n + (jnp.arange(pad_e, dtype=jnp.int32) % PAD)])
    src2d = src_full.reshape(total, CH)
    dst2d = dst_full.reshape(total, CH)

    base, extra = divmod(n_real, NS)
    order = []
    next_real, next_pad = 0, n_real
    for s in range(NS):
        n_r = base + (1 if s < extra else 0)
        order.extend(range(next_real, next_real + n_r))
        order.extend(range(next_pad, next_pad + kt - n_r))
        next_real += n_r
        next_pad += kt - n_r
    perm = np.asarray(order, dtype=np.int32)
    return jnp.take(src2d, perm, axis=0), jnp.take(dst2d, perm, axis=0)


def _zero_vmem(ref, rows, cols):
    def body(q, _):
        i = q // (cols // LN)
        j = q % (cols // LN)
        ref[i, pl.ds(j * LN, LN)] = jnp.zeros((LN,), F32)
        return 0
    lax.fori_loop(0, rows * (cols // LN), body, 0)


def _sc_degree(dst2d, n):
    n_chunks = dst2d.shape[0]
    kt = n_chunks // (NC * NS)
    w_chunks = n // WB

    def body(dst_hbm, out_hbm, ones_v, zbuf, dst_v, acc, sem):
        c = lax.axis_index("c")
        s = lax.axis_index("s")
        w = c * NS + s

        def fill_ones(q, _):
            ones_v[q, :] = jnp.ones((LN,), F32)
            return 0
        lax.fori_loop(0, CH, fill_ones, 0)
        _zero_vmem(zbuf, WB, LN)

        pltpu.sync_copy(dst_hbm.at[pl.ds(w * kt, kt)], dst_v)

        def zero_acc(k, _):
            rc = k * NS + s
            @pl.when(rc < w_chunks)
            def _():
                pltpu.sync_copy(zbuf, acc.at[pl.ds(rc * WB, WB)])
            return 0
        lax.fori_loop(0, pl.cdiv(w_chunks, NS), zero_acc, 0)
        plsc.subcore_barrier()

        def edge_step(k, _):
            pltpu.sync_copy(ones_v, acc.at[dst_v.at[k]], add=True)
            return 0
        lax.fori_loop(0, kt, edge_step, 0)
        plsc.subcore_barrier()

        def write_step(k, _):
            rc = k * NS + s
            @pl.when(rc < w_chunks)
            def _():
                pltpu.sync_copy(acc.at[pl.ds(rc * WB, WB)],
                                out_hbm.at[pl.ds(c * n + rc * WB, WB)])
            return 0
        lax.fori_loop(0, pl.cdiv(w_chunks, NS), write_step, 0)

    mesh = plsc.VectorSubcoreMesh(core_axis_name="c", subcore_axis_name="s")
    f = pl.kernel(
        body,
        out_type=jax.ShapeDtypeStruct((2 * n, LN), F32),
        mesh=mesh,
        scratch_types=[
            pltpu.VMEM((CH, LN), F32),
            pltpu.VMEM((WB, LN), F32),
            pltpu.VMEM((kt, CH), jnp.int32),
            pltpu.VMEM_SHARED((n + PAD, LN), F32),
            pltpu.SemaphoreType.DMA,
        ],
    )
    return f(dst2d)


def _sc_aggregate(y2d, src2d, dst2d, n, h):
    n_chunks = src2d.shape[0]
    kt = n_chunks // NS
    n_phases = 2
    kph = kt // n_phases
    pairs = kph // 2
    w_chunks = n // WB

    def body(y_hbm, src_hbm, dst_hbm, out_hbm,
             idxb, dstb, rows0, acc, sem0):
        c = lax.axis_index("c")
        s = lax.axis_index("s")
        cn = c * n

        _zero_vmem(rows0, LN, h)
        z_chunks = (n + PAD) // LN

        def zero_acc(k, _):
            rc = k * NS + s
            @pl.when(rc < z_chunks)
            def _():
                pltpu.sync_copy(rows0.at[pl.ds(0, LN)],
                                acc.at[pl.ds(rc * LN, LN)])
            return 0
        lax.fori_loop(0, pl.cdiv(z_chunks, NS), zero_acc, 0)
        plsc.subcore_barrier()

        def chunk_step(k, _):
            base = (s * kt + k) * CH
            pltpu.sync_copy(src_hbm.at[pl.ds(base, CH)], idxb)

            def off(j, _):
                idxb[pl.ds(j * LN, LN)] = idxb[pl.ds(j * LN, LN)] + cn
                return 0
            lax.fori_loop(0, CH // LN, off, 0)
            pltpu.async_copy(y_hbm.at[idxb], rows0, sem0).wait()
            pltpu.sync_copy(dst_hbm.at[pl.ds(base, CH)], dstb)
            pltpu.sync_copy(rows0, acc.at[dstb], add=True)
            return 0
        lax.fori_loop(0, kt, chunk_step, 0)
        plsc.subcore_barrier()

        def write_step(k, _):
            rc = k * NS + s
            @pl.when(rc < w_chunks)
            def _():
                pltpu.sync_copy(acc.at[pl.ds(rc * WB, WB)],
                                out_hbm.at[pl.ds(cn + rc * WB, WB)])
            return 0
        lax.fori_loop(0, pl.cdiv(w_chunks, NS), write_step, 0)

    mesh = plsc.VectorSubcoreMesh(core_axis_name="c", subcore_axis_name="s")
    f = pl.kernel(
        body,
        out_type=jax.ShapeDtypeStruct((2 * n, h), F32),
        mesh=mesh,
        scratch_types=[
            pltpu.VMEM((CH,), jnp.int32),
            pltpu.VMEM((CH,), jnp.int32),
            pltpu.VMEM((CH, h), F32),
            pltpu.VMEM_SHARED((n + PAD, h), F32),
            pltpu.SemaphoreType.DMA,
        ],
    )
    return f(y2d, src2d.reshape(-1), dst2d.reshape(-1))


def _tc_pre(degs, x, w, n, b_rows):
    f_in = x.shape[1]
    f_out = w.shape[1]
    hh = f_out // 2
    grid = (n // b_rows,)

    def body(degs_ref, x_ref, w_ref, dis_ref, y_ref):
        deg = degs_ref[0, :, 0:1] + degs_ref[1, :, 0:1] + 1.0
        dis = lax.rsqrt(deg)
        xw = jnp.dot(x_ref[...], w_ref[...], preferred_element_type=F32,
                     precision=lax.Precision.HIGHEST)
        dis_ref[...] = dis
        y_ref[0] = dis * xw[:, :hh]
        y_ref[1] = dis * xw[:, hh:]

    return pl.pallas_call(
        body,
        grid=grid,
        in_specs=[
            pl.BlockSpec((2, b_rows, LN), lambda i: (0, i, 0)),
            pl.BlockSpec((b_rows, f_in), lambda i: (i, 0)),
            pl.BlockSpec((f_in, f_out), lambda i: (0, 0)),
        ],
        out_specs=[
            pl.BlockSpec((b_rows, 1), lambda i: (i, 0)),
            pl.BlockSpec((2, b_rows, hh), lambda i: (0, i, 0)),
        ],
        out_shape=[
            jax.ShapeDtypeStruct((n, 1), F32),
            jax.ShapeDtypeStruct((2, n, hh), F32),
        ],
    )(degs, x, w)


def _tc_stats(agg, y, dis, b, n, b_rows):
    hh = agg.shape[2]
    f = 2 * hh
    grid = (n // b_rows,)

    def body(agg_ref, y_ref, dis_ref, b_ref, t_ref, st_ref):
        i = pl.program_id(0)
        dis = dis_ref[...]
        aggc = jnp.concatenate([agg_ref[0] + y_ref[0],
                                agg_ref[1] + y_ref[1]], axis=1)
        t = dis * aggc + b_ref[...]
        t_ref[...] = t

        @pl.when(i == 0)
        def _():
            st_ref[...] = jnp.zeros_like(st_ref)
        st_ref[0:1, :] += jnp.sum(t, axis=0, keepdims=True)
        st_ref[1:2, :] += jnp.sum(t * t, axis=0, keepdims=True)

    return pl.pallas_call(
        body,
        grid=grid,
        in_specs=[
            pl.BlockSpec((2, b_rows, hh), lambda i: (0, i, 0)),
            pl.BlockSpec((2, b_rows, hh), lambda i: (0, i, 0)),
            pl.BlockSpec((b_rows, 1), lambda i: (i, 0)),
            pl.BlockSpec((1, f), lambda i: (0, 0)),
        ],
        out_specs=[
            pl.BlockSpec((b_rows, f), lambda i: (i, 0)),
            pl.BlockSpec((2, f), lambda i: (0, 0)),
        ],
        out_shape=[
            jax.ShapeDtypeStruct((n, f), F32),
            jax.ShapeDtypeStruct((2, f), F32),
        ],
        compiler_params=pltpu.CompilerParams(
            dimension_semantics=("arbitrary",)),
    )(agg, y, dis, b)


def _bn_prelu_l2(t, st_ref, g_ref, be_ref, a_ref, nf):
    mu = st_ref[0:1, :] / nf
    var = st_ref[1:2, :] / nf - mu * mu
    h = (t - mu) / jnp.sqrt(var + 1e-5) * g_ref[...] + be_ref[...]
    a = a_ref[0, 0]
    h = jnp.where(h >= 0, h, a * h)
    nrm = jnp.sqrt(jnp.sum(h * h, axis=1, keepdims=True))
    return h / jnp.maximum(nrm, 1e-12)


def _tc_post(t, st, g, be, a, dis, w, n, b_rows):
    f = t.shape[1]
    f_out = w.shape[1]
    hh = f_out // 2
    grid = (n // b_rows,)
    nf = float(n)

    def body(t_ref, st_ref, g_ref, be_ref, a_ref, dis_ref, w_ref, y_ref):
        h = _bn_prelu_l2(t_ref[...], st_ref, g_ref, be_ref, a_ref, nf)
        xw = jnp.dot(h, w_ref[...], preferred_element_type=F32,
                     precision=lax.Precision.HIGHEST)
        dis = dis_ref[...]
        y_ref[0] = dis * xw[:, :hh]
        y_ref[1] = dis * xw[:, hh:]

    return pl.pallas_call(
        body,
        grid=grid,
        in_specs=[
            pl.BlockSpec((b_rows, f), lambda i: (i, 0)),
            pl.BlockSpec((2, f), lambda i: (0, 0)),
            pl.BlockSpec((1, f), lambda i: (0, 0)),
            pl.BlockSpec((1, f), lambda i: (0, 0)),
            pl.BlockSpec((1, 1), lambda i: (0, 0)),
            pl.BlockSpec((b_rows, 1), lambda i: (i, 0)),
            pl.BlockSpec((f, f_out), lambda i: (0, 0)),
        ],
        out_specs=pl.BlockSpec((2, b_rows, hh), lambda i: (0, i, 0)),
        out_shape=jax.ShapeDtypeStruct((2, n, hh), F32),
    )(t, st, g, be, a, dis, w)


def _tc_final(t, st, g, be, a, batch_col, wf1, bf1, wo, bo, n, n_graphs, b_rows):
    f = t.shape[1]
    fc1 = wf1.shape[1]
    grid = (n // b_rows,)
    last = n // b_rows - 1
    nf = float(n)

    def body(t_ref, st_ref, g_ref, be_ref, a_ref, batch_ref,
             wf1_ref, bf1_ref, wo_ref, bo_ref, out_ref, pool_acc, cnt_acc):
        i = pl.program_id(0)
        h = _bn_prelu_l2(t_ref[...], st_ref, g_ref, be_ref, a_ref, nf)

        gids = lax.broadcasted_iota(jnp.int32, (b_rows, n_graphs), 1)
        onehot = (gids == batch_ref[...]).astype(F32)

        @pl.when(i == 0)
        def _():
            pool_acc[...] = jnp.zeros_like(pool_acc)
            cnt_acc[...] = jnp.zeros_like(cnt_acc)
        dn = (((0,), (0,)), ((), ()))
        pool_acc[...] += lax.dot_general(onehot, h, dimension_numbers=dn,
                                         preferred_element_type=F32,
                                         precision=lax.Precision.HIGHEST)
        cnt_acc[...] += lax.dot_general(onehot, jnp.ones((b_rows, 1), F32),
                                        dimension_numbers=dn,
                                        preferred_element_type=F32,
                                        precision=lax.Precision.HIGHEST)

        @pl.when(i == last)
        def _():
            pooled = pool_acc[...] / jnp.maximum(cnt_acc[...], 1.0)
            hf = jnp.dot(pooled, wf1_ref[...], preferred_element_type=F32,
                         precision=lax.Precision.HIGHEST) + bf1_ref[...]
            hf = jnp.maximum(hf, 0.0)
            out_ref[...] = jnp.dot(hf, wo_ref[...], preferred_element_type=F32,
                                   precision=lax.Precision.HIGHEST) + bo_ref[...]

    return pl.pallas_call(
        body,
        grid=grid,
        in_specs=[
            pl.BlockSpec((b_rows, f), lambda i: (i, 0)),
            pl.BlockSpec((2, f), lambda i: (0, 0)),
            pl.BlockSpec((1, f), lambda i: (0, 0)),
            pl.BlockSpec((1, f), lambda i: (0, 0)),
            pl.BlockSpec((1, 1), lambda i: (0, 0)),
            pl.BlockSpec((b_rows, 1), lambda i: (i, 0)),
            pl.BlockSpec((f, fc1), lambda i: (0, 0)),
            pl.BlockSpec((1, fc1), lambda i: (0, 0)),
            pl.BlockSpec((fc1, 1), lambda i: (0, 0)),
            pl.BlockSpec((1, 1), lambda i: (0, 0)),
        ],
        out_specs=pl.BlockSpec((n_graphs, 1), lambda i: (0, 0)),
        out_shape=jax.ShapeDtypeStruct((n_graphs, 1), F32),
        scratch_shapes=[
            pltpu.VMEM((n_graphs, f), F32),
            pltpu.VMEM((n_graphs, 1), F32),
        ],
        compiler_params=pltpu.CompilerParams(
            dimension_semantics=("arbitrary",)),
    )(t, st, g, be, a, batch_col, wf1, bf1, wo, bo)


def kernel(x, edge_index, batch, W1, b1, g1, be1, a1, W2, b2, g2, be2, a2,
           Wf1, bf1, Wo, bo):
    n, f_in = x.shape
    e = edge_index.shape[1]
    h1 = W1.shape[1]
    h2 = W2.shape[1]
    n_graphs = 64
    b_rows = 1000

    src2d, dst2d = _padded_chunks(edge_index[0], edge_index[1], n)

    degs = _sc_degree(dst2d, n).reshape(2, n, LN)
    dis, y1 = _tc_pre(degs, x, W1, n, b_rows)
    agg1 = _sc_aggregate(y1.reshape(2 * n, h1 // 2), src2d, dst2d, n, h1 // 2)
    t1, st1 = _tc_stats(agg1.reshape(2, n, h1 // 2), y1, dis,
                        b1.reshape(1, h1), n, b_rows)
    y2 = _tc_post(t1, st1, g1.reshape(1, h1), be1.reshape(1, h1),
                  a1.reshape(1, 1), dis, W2, n, b_rows)
    agg2 = _sc_aggregate(y2.reshape(2 * n, h2 // 2), src2d, dst2d, n, h2 // 2)
    t2, st2 = _tc_stats(agg2.reshape(2, n, h2 // 2), y2, dis,
                        b2.reshape(1, h2), n, b_rows)
    out = _tc_final(t2, st2, g2.reshape(1, h2), be2.reshape(1, h2),
                    a2.reshape(1, 1), batch.reshape(n, 1),
                    Wf1, bf1.reshape(1, -1), Wo, bo.reshape(1, 1),
                    n, n_graphs, b_rows)
    return out

# --- scband reference (transcript-rebuilt; emitter-appended) ---
"""Pipeline reference for scband-gcn-18064632447202 (READ-ONLY COPY).

The authoritative reference and input builder live on the scoring server;
editing this copy changes nothing except your own understanding.
"""

import jax, jax.numpy as jnp
import numpy as np

N = 10000
E = 160000
F_IN = 256
H1 = 256
H2 = 256
FC1 = 128
G = 64


def setup_inputs(seed: int = 0):
    key = jax.random.key(seed)
    ks = jax.random.split(key, 16)
    x = jax.random.normal(ks[0], (N, F_IN), dtype=jnp.float32)
    edge_index = jax.random.randint(ks[1], (2, E), 0, N, dtype=jnp.int32)
    batch = jnp.sort(jax.random.randint(ks[2], (N,), 0, G, dtype=jnp.int32))

    def lin(k, fi, fo):
        lim = 1.0 / np.sqrt(fi)
        return jax.random.uniform(k, (fi, fo), jnp.float32, -lim, lim)

    W1 = lin(ks[3], F_IN, H1); b1 = jnp.zeros((H1,), jnp.float32)
    g1 = jnp.ones((H1,), jnp.float32); be1 = jnp.zeros((H1,), jnp.float32)
    a1 = jnp.array(0.25, jnp.float32)
    W2 = lin(ks[4], H1, H2); b2 = jnp.zeros((H2,), jnp.float32)
    g2 = jnp.ones((H2,), jnp.float32); be2 = jnp.zeros((H2,), jnp.float32)
    a2 = jnp.array(0.25, jnp.float32)
    Wf1 = lin(ks[5], H2, FC1); bf1 = jnp.zeros((FC1,), jnp.float32)
    Wo = lin(ks[6], FC1, 1); bo = jnp.zeros((1,), jnp.float32)
    return {"x": x, "edge_index": edge_index, "batch": batch,
            "W1": W1, "b1": b1, "g1": g1, "be1": be1, "a1": a1,
            "W2": W2, "b2": b2, "g2": g2, "be2": be2, "a2": a2,
            "Wf1": Wf1, "bf1": bf1, "Wo": Wo, "bo": bo}


def _gcn_norm(edge_index):
    # GCNConv normalization with added self-loops: D^{-1/2}(A+I)D^{-1/2}
    loop = jnp.arange(N, dtype=edge_index.dtype)
    src = jnp.concatenate([edge_index[0], loop])
    dst = jnp.concatenate([edge_index[1], loop])
    deg = jnp.zeros((N,), jnp.float32).at[dst].add(1.0)
    dis = jnp.where(deg > 0, jax.lax.rsqrt(deg), 0.0)
    norm = dis[src] * dis[dst]
    return src, dst, norm


def _conv_block(x, src, dst, norm, W, b, g, be, a):
    # GCNConv
    xw = x @ W
    msg = xw[src] * norm[:, None]
    out = jnp.zeros((N, W.shape[1]), jnp.float32).at[dst].add(msg) + b
    # BatchNorm (training-mode stats over nodes)
    mu = out.mean(0)
    var = out.var(0)
    out = (out - mu) / jnp.sqrt(var + 1e-5) * g + be
    # PReLU
    out = jnp.where(out >= 0, out, a * out)
    # F.normalize(x, 2, 1)
    nrm = jnp.sqrt(jnp.sum(out * out, axis=1, keepdims=True))
    out = out / jnp.maximum(nrm, 1e-12)
    return out


def reference(x, edge_index, batch, W1, b1, g1, be1, a1, W2, b2, g2, be2, a2, Wf1, bf1, Wo, bo):
    src, dst, norm = _gcn_norm(edge_index)
    h = _conv_block(x, src, dst, norm, W1, b1, g1, be1, a1)
    h = _conv_block(h, src, dst, norm, W2, b2, g2, be2, a2)
    # global_mean_pool
    s = jax.ops.segment_sum(h, batch, num_segments=G)
    cnt = jax.ops.segment_sum(jnp.ones((N,), jnp.float32), batch, num_segments=G)
    pooled = s / jnp.maximum(cnt, 1.0)[:, None]
    h = jax.nn.relu(pooled @ Wf1 + bf1)
    return h @ Wo + bo

if __name__ == "__main__":
    import jax
    _d = setup_inputs()
    print(jax.jit(kernel)(*tuple(_d.values())))

</pallas_src>

<mosaic_0001>
#map = affine_map<(d0, d1) -> (0, 0)>
module attributes {stable_mosaic.version = 14 : i64} {
  func.func @body(%arg0: i32, %arg1: i32, %arg2: memref<1280x128xi32, #tpu.memory_space<hbm>>, %arg3: memref<20000x16xf32, #tpu.memory_space<hbm>>, %arg4: memref<128x16xf32, #tpu.memory_space<vmem>>, %arg5: memref<80x16xf32, #tpu.memory_space<vmem>>, %arg6: memref<40x128xi32, #tpu.memory_space<vmem>>, %arg7: memref<10128x16xf32, #tpu.memory_space<vmem_shared>>, %arg8: memref<!tpu.dma_semaphore, #tpu.memory_space<semaphore_mem>>) attributes {dimension_semantics = [#tpu.dimension_semantics<core_parallel>, #tpu.dimension_semantics<subcore_parallel>], iteration_bounds = array<i64: 2, 16>, scalar_prefetch = 0 : i64, scratch_operands = 5 : i64, tpu.core_type = #tpu.core_type<sc_vector_subcore>, window_params = [{transform_indices = #map}, {transform_indices = #map}]} {
    %mul3A = arith.constant 16 : i32
    %mul3A_0 = arith.muli %arg0, %mul3A : i32
    %add3A = arith.addi %mul3A_0, %arg1 : i32
    %scan3A = arith.constant 0 : i32
    %scan3A_1 = arith.constant 0 : i32
    %scan3A_2 = arith.constant 128 : i32
    %scan3A_3 = arith.addi %scan3A_1, %scan3A_2 : i32
    %scan3A_4 = arith.constant 1 : i32
    %scan3A_5 = scf.for %scan3A_38 = %scan3A_1 to %scan3A_3 step %scan3A_4 iter_args(%scan3A_39 = %scan3A) -> (i32)  : i32 {
      %broadcast_in_dim3A = arith.constant 1.000000e+00 : f32
      %broadcast_in_dim3A_40 = vector.broadcast %broadcast_in_dim3A : f32 to vector<16xf32>
      %swap3A = arith.index_cast %scan3A_38 : i32 to index
      %swap3A_41 = arith.constant 0 : index
      %swap3A_42 = tpu.vector_load %arg4[%swap3A, %swap3A_41] {strides = array<i32>} : memref<128x16xf32, #tpu.memory_space<vmem>>, vector<1x16xf32>,
      %swap3A_43 = vector.shape_cast %swap3A_42 : vector<1x16xf32> to vector<16xf32>
      %swap3A_44 = vector.shape_cast %broadcast_in_dim3A_40 : vector<16xf32> to vector<1x16xf32>
      tpu.vector_store %arg4[%swap3A, %swap3A_41], %swap3A_44 {strides = array<i32>} : memref<128x16xf32, #tpu.memory_space<vmem>>, vector<1x16xf32>,
      %scan3A_45 = arith.constant 0 : i32
      scf.yield %scan3A_45 : i32
    }
    %scan3A_6 = arith.constant 128 : i32
    %scan3A_7 = arith.constant 0 : i32
    %scan3A_8 = arith.constant 0 : i32
    %scan3A_9 = arith.constant 80 : i32
    %scan3A_10 = arith.addi %scan3A_8, %scan3A_9 : i32
    %scan3A_11 = arith.constant 1 : i32
    %scan3A_12 = scf.for %scan3A_38 = %scan3A_8 to %scan3A_10 step %scan3A_11 iter_args(%scan3A_39 = %scan3A_7) -> (i32)  : i32 {
      %jit3A = arith.constant 1 : i32
      %div3A = arith.divsi %scan3A_38, %jit3A : i32
      %sign3A = arith.constant 0 : i32
      %sign3A_40 = arith.cmpi sgt, %scan3A_38, %sign3A : i32
      %sign3A_41 = arith.extui %sign3A_40 : i1 to i32
      %sign3A_42 = arith.constant 0 : i32
      %sign3A_43 = arith.cmpi slt, %scan3A_38, %sign3A_42 : i32
      %sign3A_44 = arith.extui %sign3A_43 : i1 to i32
      %sign3A_45 = arith.subi %sign3A_41, %sign3A_44 : i32
      %sign3A_46 = arith.constant 0 : i32
      %sign3A_47 = arith.cmpi sgt, %jit3A, %sign3A_46 : i32
      %sign3A_48 = arith.extui %sign3A_47 : i1 to i32
      %sign3A_49 = arith.constant 0 : i32
      %sign3A_50 = arith.cmpi slt, %jit3A, %sign3A_49 : i32
      %sign3A_51 = arith.extui %sign3A_50 : i1 to i32
      %sign3A_52 = arith.subi %sign3A_48, %sign3A_51 : i32
      %ne3A = arith.cmpi ne, %sign3A_45, %sign3A_52 : i32
      %rem3A = arith.remsi %scan3A_38, %jit3A : i32
      %ne3A_53 = arith.constant 0 : i32
      %ne3A_54 = arith.cmpi ne, %rem3A, %ne3A_53 : i32
      %and3A = arith.andi %ne3A, %ne3A_54 : i1
      %sub3A = arith.constant 1 : i32
      %sub3A_55 = arith.subi %div3A, %sub3A : i32
      %select_n3A = arith.select %and3A, %sub3A_55, %div3A : i32
      %jit3A_56 = arith.constant 1 : i32
      %eq3A = arith.constant 0 : i32
      %eq3A_57 = arith.cmpi eq, %jit3A_56, %eq3A : i32
      %jit3A_58 = arith.constant 1 : i32
      %select_n3A_59 = arith.select %eq3A_57, %jit3A_58, %jit3A_56 : i32
      %rem3A_60 = arith.remsi %scan3A_38, %select_n3A_59 : i32
      %ne3A_61 = arith.constant 0 : i32
      %ne3A_62 = arith.cmpi ne, %rem3A_60, %ne3A_61 : i32
      %lt3A = arith.constant 0 : i32
      %lt3A_63 = arith.cmpi slt, %rem3A_60, %lt3A : i32
      %lt3A_64 = arith.constant 0 : i32
      %lt3A_65 = arith.cmpi slt, %select_n3A_59, %lt3A_64 : i32
      %ne3A_66 = arith.xori %lt3A_63, %lt3A_65 : i1
      %and3A_67 = arith.andi %ne3A_66, %ne3A_62 : i1
      %add3A_68 = arith.addi %rem3A_60, %select_n3A_59 : i32
      %select_n3A_69 = arith.select %and3A_67, %add3A_68, %rem3A_60 : i32
      %broadcast_in_dim3A = arith.constant 0.000000e+00 : f32
      %broadcast_in_dim3A_70 = vector.broadcast %broadcast_in_dim3A : f32 to vector<16xf32>
      %mul3A_71 = arith.constant 16 : i32
      %mul3A_72 = arith.muli %select_n3A_69, %mul3A_71 : i32
      %swap3A = arith.index_cast %select_n3A : i32 to index
      %swap3A_73 = arith.index_cast %mul3A_72 : i32 to index
      %swap3A_74 = tpu.vector_load %arg5[%swap3A, %swap3A_73] {strides = array<i32>} : memref<80x16xf32, #tpu.memory_space<vmem>>, vector<1x16xf32>,
      %swap3A_75 = vector.shape_cast %swap3A_74 : vector<1x16xf32> to vector<16xf32>
      %swap3A_76 = vector.shape_cast %broadcast_in_dim3A_70 : vector<16xf32> to vector<1x16xf32>
      tpu.vector_store %arg5[%swap3A, %swap3A_73], %swap3A_76 {strides = array<i32>} : memref<80x16xf32, #tpu.memory_space<vmem>>, vector<1x16xf32>,
      %scan3A_77 = arith.constant 0 : i32
      scf.yield %scan3A_77 : i32
    }
    %scan3A_13 = arith.constant 80 : i32
    %mul3A_14 = arith.constant 40 : i32
    %mul3A_15 = arith.muli %add3A, %mul3A_14 : i32
    "tpu.region"() ({
      %run_scoped3A = tpu.sem_alloc : memref<!tpu.dma_semaphore, #tpu.memory_space<semaphore_mem>>
      %dma_start3A = arith.constant 0 : i32
      %dma_start3A_38 = tpu.memref_slice %arg2[%mul3A_15, %dma_start3A] : memref<1280x128xi32, #tpu.memory_space<hbm>> -> memref<40x128xi32, #tpu.memory_space<hbm>>
      %dma_start3A_39 = arith.constant 0 : i32
      %dma_start3A_40 = tpu.memref_slice %arg2[%mul3A_15, %dma_start3A_39] : memref<1280x128xi32, #tpu.memory_space<hbm>> -> memref<40x128xi32, #tpu.memory_space<hbm>>
      tpu.enqueue_dma source(%dma_start3A_40 : memref<40x128xi32, #tpu.memory_space<hbm>>) target(%arg6 : memref<40x128xi32, #tpu.memory_space<vmem>>) target_semaphore(%run_scoped3A : memref<!tpu.dma_semaphore, #tpu.memory_space<semaphore_mem>>)
      %dma_wait3A = arith.constant 0 : i32
      %dma_wait3A_41 = tpu.memref_slice %arg2[%mul3A_15, %dma_wait3A] : memref<1280x128xi32, #tpu.memory_space<hbm>> -> memref<40x128xi32, #tpu.memory_space<hbm>>
      %dma_wait3A_42 = arith.constant 0 : i32
      %dma_wait3A_43 = tpu.memref_slice %arg2[%mul3A_15, %dma_wait3A_42] : memref<1280x128xi32, #tpu.memory_space<hbm>> -> memref<40x128xi32, #tpu.memory_space<hbm>>
      tpu.wait_dma2 semaphore(%run_scoped3A : memref<!tpu.dma_semaphore, #tpu.memory_space<semaphore_mem>>) src(%dma_wait3A_43 : memref<40x128xi32, #tpu.memory_space<hbm>>) dst(%arg6 : memref<40x128xi32, #tpu.memory_space<vmem>>)
      tpu.yield
    }) : () -> ()
    %scan3A_16 = arith.constant 0 : i32
    %scan3A_17 = arith.constant 0 : i32
    %scan3A_18 = arith.constant 8 : i32
    %scan3A_19 = arith.addi %scan3A_17, %scan3A_18 : i32
    %scan3A_20 = arith.constant 1 : i32
    %scan3A_21 = scf.for %scan3A_38 = %scan3A_17 to %scan3A_19 step %scan3A_20 iter_args(%scan3A_39 = %scan3A_16) -> (i32)  : i32 {
      %mul3A_40 = arith.constant 16 : i32
      %mul3A_41 = arith.muli %scan3A_38, %mul3A_40 : i32
      %add3A_42 = arith.addi %mul3A_41, %arg1 : i32
      %lt3A = arith.constant 125 : i32
      %lt3A_43 = arith.cmpi slt, %add3A_42, %lt3A : i32
      %convert_element_type3A = arith.extui %lt3A_43 : i1 to i32
      %cond3A = arith.constant 0 : i32
      %cond3A_44 = arith.cmpi ne, %convert_element_type3A, %cond3A : i32
      scf.if %cond3A_44 {
        %mul3A_46 = arith.constant 80 : i32
        %mul3A_47 = arith.muli %add3A_42, %mul3A_46 : i32
        "tpu.region"() ({
          %run_scoped3A = tpu.sem_alloc : memref<!tpu.dma_semaphore, #tpu.memory_space<semaphore_mem>>
          %dma_start3A = arith.constant 0 : i32
          %dma_start3A_48 = tpu.memref_slice %arg7[%mul3A_47, %dma_start3A] : memref<10128x16xf32, #tpu.memory_space<vmem_shared>> -> memref<80x16xf32, #tpu.memory_space<vmem_shared>>
          %dma_start3A_49 = arith.constant 0 : i32
          %dma_start3A_50 = tpu.memref_slice %arg7[%mul3A_47, %dma_start3A_49] : memref<10128x16xf32, #tpu.memory_space<vmem_shared>> -> memref<80x16xf32, #tpu.memory_space<vmem_shared>>
          tpu.enqueue_dma source(%arg5 : memref<80x16xf32, #tpu.memory_space<vmem>>) target(%dma_start3A_50 : memref<80x16xf32, #tpu.memory_space<vmem_shared>>) target_semaphore(%run_scoped3A : memref<!tpu.dma_semaphore, #tpu.memory_space<semaphore_mem>>)
          %dma_wait3A = arith.constant 0 : i32
          %dma_wait3A_51 = tpu.memref_slice %arg7[%mul3A_47, %dma_wait3A] : memref<10128x16xf32, #tpu.memory_space<vmem_shared>> -> memref<80x16xf32, #tpu.memory_space<vmem_shared>>
          %dma_wait3A_52 = arith.constant 0 : i32
          %dma_wait3A_53 = tpu.memref_slice %arg7[%mul3A_47, %dma_wait3A_52] : memref<10128x16xf32, #tpu.memory_space<vmem_shared>> -> memref<80x16xf32, #tpu.memory_space<vmem_shared>>
          tpu.wait_dma2 semaphore(%run_scoped3A : memref<!tpu.dma_semaphore, #tpu.memory_space<semaphore_mem>>) src(%arg5 : memref<80x16xf32, #tpu.memory_space<vmem>>) dst(%dma_wait3A_53 : memref<80x16xf32, #tpu.memory_space<vmem_shared>>)
          tpu.yield
        }) : () -> ()
      } else {
      }
      %scan3A_45 = arith.constant 0 : i32
      scf.yield %scan3A_45 : i32
    }
    %scan3A_22 = arith.constant 8 : i32
    %barrier3A = arith.constant 0 : index
    tpu.barrier barrier_id(%barrier3A)
    %scan3A_23 = arith.constant 0 : i32
    %scan3A_24 = arith.constant 0 : i32
    %scan3A_25 = arith.constant 40 : i32
    %scan3A_26 = arith.addi %scan3A_24, %scan3A_25 : i32
    %scan3A_27 = arith.constant 1 : i32
    %scan3A_28 = scf.for %scan3A_38 = %scan3A_24 to %scan3A_26 step %scan3A_27 iter_args(%scan3A_39 = %scan3A_23) -> (i32)  : i32 {
      "tpu.region"() ({
        %run_scoped3A = tpu.sem_alloc : memref<!tpu.dma_semaphore, #tpu.memory_space<semaphore_mem>>
        %dma_start3A = arith.constant 0 : i32
        %dma_start3A_41 = tpu.memref_slice %arg6[%scan3A_38, %dma_start3A] : memref<40x128xi32, #tpu.memory_space<vmem>> -> memref<1x128xi32, #tpu.memory_space<vmem>>
        %dma_start3A_42 = tpu.memref_squeeze %dma_start3A_41 : memref<1x128xi32, #tpu.memory_space<vmem>> -> memref<128xi32, #tpu.memory_space<vmem>>
        %dma_start3A_43 = arith.constant 0 : i32
        %dma_start3A_44 = arith.constant 0 : i32
        %dma_start3A_45 = tpu.memref_slice %arg7[%dma_start3A_43, %dma_start3A_44] : memref<10128x16xf32, #tpu.memory_space<vmem_shared>> -> memref<10128x16xf32, #tpu.memory_space<vmem_shared>>
        tpu.enqueue_indirect_dma source(%arg4 : memref<128x16xf32, #tpu.memory_space<vmem>>) target(%dma_start3A_45 : memref<10128x16xf32, #tpu.memory_space<vmem_shared>>) offsets(%dma_start3A_42 : memref<128xi32, #tpu.memory_space<vmem>>) semaphore(%run_scoped3A : memref<!tpu.dma_semaphore, #tpu.memory_space<semaphore_mem>>) {add = true}
        %dma_wait3A = arith.constant 0 : i32
        %dma_wait3A_46 = tpu.memref_slice %arg6[%scan3A_38, %dma_wait3A] : memref<40x128xi32, #tpu.memory_space<vmem>> -> memref<1x128xi32, #tpu.memory_space<vmem>>
        %dma_wait3A_47 = tpu.memref_squeeze %dma_wait3A_46 : memref<1x128xi32, #tpu.memory_space<vmem>> -> memref<128xi32, #tpu.memory_space<vmem>>
        %dma_wait3A_48 = arith.constant 0 : i32
        %dma_wait3A_49 = arith.constant 0 : i32
        %dma_wait3A_50 = tpu.memref_slice %arg7[%dma_wait3A_48, %dma_wait3A_49] : memref<10128x16xf32, #tpu.memory_space<vmem_shared>> -> memref<10128x16xf32, #tpu.memory_space<vmem_shared>>
        tpu.wait_indirect_dma semaphore(%run_scoped3A : memref<!tpu.dma_semaphore, #tpu.memory_space<semaphore_mem>>) src(%arg4 : memref<128x16xf32, #tpu.memory_space<vmem>>) dst(%dma_wait3A_50 : memref<10128x16xf32, #tpu.memory_space<vmem_shared>>)
        tpu.yield
      }) : () -> ()
      %scan3A_40 = arith.constant 0 : i32
      scf.yield %scan3A_40 : i32
    }
    %scan3A_29 = arith.constant 40 : i32
    %barrier3A_30 = arith.constant 0 : index
    tpu.barrier barrier_id(%barrier3A_30)
    %scan3A_31 = arith.constant 0 : i32
    %scan3A_32 = arith.constant 0 : i32
    %scan3A_33 = arith.constant 8 : i32
    %scan3A_34 = arith.addi %scan3A_32, %scan3A_33 : i32
    %scan3A_35 = arith.constant 1 : i32
    %scan3A_36 = scf.for %scan3A_38 = %scan3A_32 to %scan3A_34 step %scan3A_35 iter_args(%scan3A_39 = %scan3A_31) -> (i32)  : i32 {
      %mul3A_40 = arith.constant 16 : i32
      %mul3A_41 = arith.muli %scan3A_38, %mul3A_40 : i32
      %add3A_42 = arith.addi %mul3A_41, %arg1 : i32
      %lt3A = arith.constant 125 : i32
      %lt3A_43 = arith.cmpi slt, %add3A_42, %lt3A : i32
      %convert_element_type3A = arith.extui %lt3A_43 : i1 to i32
      %cond3A = arith.constant 0 : i32
      %cond3A_44 = arith.cmpi ne, %convert_element_type3A, %cond3A : i32
      scf.if %cond3A_44 {
        %mul3A_46 = arith.constant 80 : i32
        %mul3A_47 = arith.muli %add3A_42, %mul3A_46 : i32
        %mul3A_48 = arith.constant 10000 : i32
        %mul3A_49 = arith.muli %arg0, %mul3A_48 : i32
        %mul3A_50 = arith.constant 80 : i32
        %mul3A_51 = arith.muli %add3A_42, %mul3A_50 : i32
        %add3A_52 = arith.addi %mul3A_49, %mul3A_51 : i32
        "tpu.region"() ({
          %run_scoped3A = tpu.sem_alloc : memref<!tpu.dma_semaphore, #tpu.memory_space<semaphore_mem>>
          %dma_start3A = arith.constant 0 : i32
          %dma_start3A_53 = tpu.memref_slice %arg3[%add3A_52, %dma_start3A] : memref<20000x16xf32, #tpu.memory_space<hbm>> -> memref<80x16xf32, #tpu.memory_space<hbm>>
          %dma_start3A_54 = arith.constant 0 : i32
          %dma_start3A_55 = tpu.memref_slice %arg7[%mul3A_47, %dma_start3A_54] : memref<10128x16xf32, #tpu.memory_space<vmem_shared>> -> memref<80x16xf32, #tpu.memory_space<vmem_shared>>
          tpu.enqueue_dma source(%dma_start3A_55 : memref<80x16xf32, #tpu.memory_space<vmem_shared>>) target(%dma_start3A_53 : memref<80x16xf32, #tpu.memory_space<hbm>>) target_semaphore(%run_scoped3A : memref<!tpu.dma_semaphore, #tpu.memory_space<semaphore_mem>>)
          %dma_wait3A = arith.constant 0 : i32
          %dma_wait3A_56 = tpu.memref_slice %arg3[%add3A_52, %dma_wait3A] : memref<20000x16xf32, #tpu.memory_space<hbm>> -> memref<80x16xf32, #tpu.memory_space<hbm>>
          %dma_wait3A_57 = arith.constant 0 : i32
          %dma_wait3A_58 = tpu.memref_slice %arg7[%mul3A_47, %dma_wait3A_57] : memref<10128x16xf32, #tpu.memory_space<vmem_shared>> -> memref<80x16xf32, #tpu.memory_space<vmem_shared>>
          tpu.wait_dma2 semaphore(%run_scoped3A : memref<!tpu.dma_semaphore, #tpu.memory_space<semaphore_mem>>) src(%dma_wait3A_58 : memref<80x16xf32, #tpu.memory_space<vmem_shared>>) dst(%dma_wait3A_56 : memref<80x16xf32, #tpu.memory_space<hbm>>)
          tpu.yield
        }) : () -> ()
      } else {
      }
      %scan3A_45 = arith.constant 0 : i32
      scf.yield %scan3A_45 : i32
    }
    %scan3A_37 = arith.constant 8 : i32
    return
  }
}

#map = affine_map<(d0, d1) -> (0, 0)>
#map1 = affine_map<(d0, d1) -> (0)>
module attributes {stable_mosaic.version = 14 : i64} {
  func.func @body(%arg0: i32, %arg1: i32, %arg2: memref<20000x128xf32, #tpu.memory_space<hbm>>, %arg3: memref<163840xi32, #tpu.memory_space<hbm>>, %arg4: memref<163840xi32, #tpu.memory_space<hbm>>, %arg5: memref<20000x128xf32, #tpu.memory_space<hbm>>, %arg6: memref<128xi32, #tpu.memory_space<vmem>>, %arg7: memref<128xi32, #tpu.memory_space<vmem>>, %arg8: memref<128x128xf32, #tpu.memory_space<vmem>>, %arg9: memref<10128x128xf32, #tpu.memory_space<vmem_shared>>, %arg10: memref<!tpu.dma_semaphore, #tpu.memory_space<semaphore_mem>>) attributes {dimension_semantics = [#tpu.dimension_semantics<core_parallel>, #tpu.dimension_semantics<subcore_parallel>], iteration_bounds = array<i64: 2, 16>, scalar_prefetch = 0 : i64, scratch_operands = 5 : i64, tpu.core_type = #tpu.core_type<sc_vector_subcore>, window_params = [{transform_indices = #map}, {transform_indices = #map1}, {transform_indices = #map1}, {transform_indices = #map}]} {
    %mul3A = arith.constant 10000 : i32
    %mul3A_0 = arith.muli %arg0, %mul3A : i32
    %scan3A = arith.constant 0 : i32
    %scan3A_1 = arith.constant 0 : i32
    %scan3A_2 = arith.constant 128 : i32
    %scan3A_3 = arith.addi %scan3A_1, %scan3A_2 : i32
    %scan3A_4 = arith.constant 1 : i32
    %scan3A_5 = scf.for %scan3A_29 = %scan3A_1 to %scan3A_3 step %scan3A_4 iter_args(%scan3A_30 = %scan3A) -> (i32)  : i32 {
      %jit3A = arith.constant 8 : i32
      %div3A = arith.divsi %scan3A_29, %jit3A : i32
      %sign3A = arith.constant 0 : i32
      %sign3A_31 = arith.cmpi sgt, %scan3A_29, %sign3A : i32
      %sign3A_32 = arith.extui %sign3A_31 : i1 to i32
      %sign3A_33 = arith.constant 0 : i32
      %sign3A_34 = arith.cmpi slt, %scan3A_29, %sign3A_33 : i32
      %sign3A_35 = arith.extui %sign3A_34 : i1 to i32
      %sign3A_36 = arith.subi %sign3A_32, %sign3A_35 : i32
      %sign3A_37 = arith.constant 0 : i32
      %sign3A_38 = arith.cmpi sgt, %jit3A, %sign3A_37 : i32
      %sign3A_39 = arith.extui %sign3A_38 : i1 to i32
      %sign3A_40 = arith.constant 0 : i32
      %sign3A_41 = arith.cmpi slt, %jit3A, %sign3A_40 : i32
      %sign3A_42 = arith.extui %sign3A_41 : i1 to i32
      %sign3A_43 = arith.subi %sign3A_39, %sign3A_42 : i32
      %ne3A = arith.cmpi ne, %sign3A_36, %sign3A_43 : i32
      %rem3A = arith.remsi %scan3A_29, %jit3A : i32
      %ne3A_44 = arith.constant 0 : i32
      %ne3A_45 = arith.cmpi ne, %rem3A, %ne3A_44 : i32
      %and3A = arith.andi %ne3A, %ne3A_45 : i1
      %sub3A = arith.constant 1 : i32
      %sub3A_46 = arith.subi %div3A, %sub3A : i32
      %select_n3A = arith.select %and3A, %sub3A_46, %div3A : i32
      %jit3A_47 = arith.constant 8 : i32
      %eq3A = arith.constant 0 : i32
      %eq3A_48 = arith.cmpi eq, %jit3A_47, %eq3A : i32
      %jit3A_49 = arith.constant 1 : i32
      %select_n3A_50 = arith.select %eq3A_48, %jit3A_49, %jit3A_47 : i32
      %rem3A_51 = arith.remsi %scan3A_29, %select_n3A_50 : i32
      %ne3A_52 = arith.constant 0 : i32
      %ne3A_53 = arith.cmpi ne, %rem3A_51, %ne3A_52 : i32
      %lt3A = arith.constant 0 : i32
      %lt3A_54 = arith.cmpi slt, %rem3A_51, %lt3A : i32
      %lt3A_55 = arith.constant 0 : i32
      %lt3A_56 = arith.cmpi slt, %select_n3A_50, %lt3A_55 : i32
      %ne3A_57 = arith.xori %lt3A_54, %lt3A_56 : i1
      %and3A_58 = arith.andi %ne3A_57, %ne3A_53 : i1
      %add3A = arith.addi %rem3A_51, %select_n3A_50 : i32
      %select_n3A_59 = arith.select %and3A_58, %add3A, %rem3A_51 : i32
      %broadcast_in_dim3A = arith.constant 0.000000e+00 : f32
      %broadcast_in_dim3A_60 = vector.broadcast %broadcast_in_dim3A : f32 to vector<16xf32>
      %mul3A_61 = arith.constant 16 : i32
      %mul3A_62 = arith.muli %select_n3A_59, %mul3A_61 : i32
      %swap3A = arith.index_cast %select_n3A : i32 to index
      %swap3A_63 = arith.index_cast %mul3A_62 : i32 to index
      %swap3A_64 = tpu.vector_load %arg8[%swap3A, %swap3A_63] {strides = array<i32>} : memref<128x128xf32, #tpu.memory_space<vmem>>, vector<1x16xf32>,
      %swap3A_65 = vector.shape_cast %swap3A_64 : vector<1x16xf32> to vector<16xf32>
      %swap3A_66 = vector.shape_cast %broadcast_in_dim3A_60 : vector<16xf32> to vector<1x16xf32>
      tpu.vector_store %arg8[%swap3A, %swap3A_63], %swap3A_66 {strides = array<i32>} : memref<128x128xf32, #tpu.memory_space<vmem>>, vector<1x16xf32>,
      %scan3A_67 = arith.constant 0 : i32
      scf.yield %scan3A_67 : i32
    }
    %scan3A_6 = arith.constant 128 : i32
    %scan3A_7 = arith.constant 0 : i32
    %scan3A_8 = arith.constant 0 : i32
    %scan3A_9 = arith.constant 40 : i32
    %scan3A_10 = arith.addi %scan3A_8, %scan3A_9 : i32
    %scan3A_11 = arith.constant 1 : i32
    %scan3A_12 = scf.for %scan3A_29 = %scan3A_8 to %scan3A_10 step %scan3A_11 iter_args(%scan3A_30 = %scan3A_7) -> (i32)  : i32 {
      %mul3A_31 = arith.constant 16 : i32
      %mul3A_32 = arith.muli %scan3A_29, %mul3A_31 : i32
      %add3A = arith.addi %mul3A_32, %arg1 : i32
      %lt3A = arith.constant 633 : i32
      %lt3A_33 = arith.cmpi slt, %add3A, %lt3A : i32
      %convert_element_type3A = arith.extui %lt3A_33 : i1 to i32
      %cond3A = arith.constant 0 : i32
      %cond3A_34 = arith.cmpi ne, %convert_element_type3A, %cond3A : i32
      scf.if %cond3A_34 {
        %mul3A_36 = arith.constant 16 : i32
        %mul3A_37 = arith.muli %add3A, %mul3A_36 : i32
        "tpu.region"() ({
          %run_scoped3A = tpu.sem_alloc : memref<!tpu.dma_semaphore, #tpu.memory_space<semaphore_mem>>
          %dma_start3A = arith.constant 0 : i32
          %dma_start3A_38 = arith.constant 0 : i32
          %dma_start3A_39 = tpu.memref_slice %arg8[%dma_start3A, %dma_start3A_38] : memref<128x128xf32, #tpu.memory_space<vmem>> -> memref<16x128xf32, #tpu.memory_space<vmem>>
          %dma_start3A_40 = arith.constant 0 : i32
          %dma_start3A_41 = tpu.memref_slice %arg9[%mul3A_37, %dma_start3A_40] : memref<10128x128xf32, #tpu.memory_space<vmem_shared>> -> memref<16x128xf32, #tpu.memory_space<vmem_shared>>
          %dma_start3A_42 = arith.constant 0 : i32
          %dma_start3A_43 = tpu.memref_slice %arg9[%mul3A_37, %dma_start3A_42] : memref<10128x128xf32, #tpu.memory_space<vmem_shared>> -> memref<16x128xf32, #tpu.memory_space<vmem_shared>>
          %dma_start3A_44 = arith.constant 0 : i32
          %dma_start3A_45 = arith.constant 0 : i32
          %dma_start3A_46 = tpu.memref_slice %arg8[%dma_start3A_44, %dma_start3A_45] : memref<128x128xf32, #tpu.memory_space<vmem>> -> memref<16x128xf32, #tpu.memory_space<vmem>>
          tpu.enqueue_dma source(%dma_start3A_46 : memref<16x128xf32, #tpu.memory_space<vmem>>) target(%dma_start3A_43 : memref<16x128xf32, #tpu.memory_space<vmem_shared>>) target_semaphore(%run_scoped3A : memref<!tpu.dma_semaphore, #tpu.memory_space<semaphore_mem>>)
          %dma_wait3A = arith.constant 0 : i32
          %dma_wait3A_47 = arith.constant 0 : i32
          %dma_wait3A_48 = tpu.memref_slice %arg8[%dma_wait3A, %dma_wait3A_47] : memref<128x128xf32, #tpu.memory_space<vmem>> -> memref<16x128xf32, #tpu.memory_space<vmem>>
          %dma_wait3A_49 = arith.constant 0 : i32
          %dma_wait3A_50 = tpu.memref_slice %arg9[%mul3A_37, %dma_wait3A_49] : memref<10128x128xf32, #tpu.memory_space<vmem_shared>> -> memref<16x128xf32, #tpu.memory_space<vmem_shared>>
          %dma_wait3A_51 = arith.constant 0 : i32
          %dma_wait3A_52 = tpu.memref_slice %arg9[%mul3A_37, %dma_wait3A_51] : memref<10128x128xf32, #tpu.memory_space<vmem_shared>> -> memref<16x128xf32, #tpu.memory_space<vmem_shared>>
          %dma_wait3A_53 = arith.constant 0 : i32
          %dma_wait3A_54 = arith.constant 0 : i32
          %dma_wait3A_55 = tpu.memref_slice %arg8[%dma_wait3A_53, %dma_wait3A_54] : memref<128x128xf32, #tpu.memory_space<vmem>> -> memref<16x128xf32, #tpu.memory_space<vmem>>
          tpu.wait_dma2 semaphore(%run_scoped3A : memref<!tpu.dma_semaphore, #tpu.memory_space<semaphore_mem>>) src(%dma_wait3A_55 : memref<16x128xf32, #tpu.memory_space<vmem>>) dst(%dma_wait3A_52 : memref<16x128xf32, #tpu.memory_space<vmem_shared>>)
          tpu.yield
        }) : () -> ()
      } else {
      }
      %scan3A_35 = arith.constant 0 : i32
      scf.yield %scan3A_35 : i32
    }
    %scan3A_13 = arith.constant 40 : i32
    %barrier3A = arith.constant 0 : index
    tpu.barrier barrier_id(%barrier3A)
    %scan3A_14 = arith.constant 0 : i32
    %scan3A_15 = arith.constant 0 : i32
    %scan3A_16 = arith.constant 80 : i32
    %scan3A_17 = arith.addi %scan3A_15, %scan3A_16 : i32
    %scan3A_18 = arith.constant 1 : i32
    %scan3A_19 = scf.for %scan3A_29 = %scan3A_15 to %scan3A_17 step %scan3A_18 iter_args(%scan3A_30 = %scan3A_14) -> (i32)  : i32 {
      %mul3A_31 = arith.constant 80 : i32
      %mul3A_32 = arith.muli %arg1, %mul3A_31 : i32
      %add3A = arith.addi %mul3A_32, %scan3A_29 : i32
      %mul3A_33 = arith.constant 128 : i32
      %mul3A_34 = arith.muli %add3A, %mul3A_33 : i32
      "tpu.region"() ({
        %run_scoped3A = tpu.sem_alloc : memref<!tpu.dma_semaphore, #tpu.memory_space<semaphore_mem>>
        %dma_start3A_47 = tpu.memref_slice %arg3[%mul3A_34] : memref<163840xi32, #tpu.memory_space<hbm>> -> memref<128xi32, #tpu.memory_space<hbm>>
        %dma_start3A_48 = tpu.memref_slice %arg3[%mul3A_34] : memref<163840xi32, #tpu.memory_space<hbm>> -> memref<128xi32, #tpu.memory_space<hbm>>
        tpu.enqueue_dma source(%dma_start3A_48 : memref<128xi32, #tpu.memory_space<hbm>>) target(%arg6 : memref<128xi32, #tpu.memory_space<vmem>>) target_semaphore(%run_scoped3A : memref<!tpu.dma_semaphore, #tpu.memory_space<semaphore_mem>>)
        %dma_wait3A_49 = tpu.memref_slice %arg3[%mul3A_34] : memref<163840xi32, #tpu.memory_space<hbm>> -> memref<128xi32, #tpu.memory_space<hbm>>
        %dma_wait3A_50 = tpu.memref_slice %arg3[%mul3A_34] : memref<163840xi32, #tpu.memory_space<hbm>> -> memref<128xi32, #tpu.memory_space<hbm>>
        tpu.wait_dma2 semaphore(%run_scoped3A : memref<!tpu.dma_semaphore, #tpu.memory_space<semaphore_mem>>) src(%dma_wait3A_50 : memref<128xi32, #tpu.memory_space<hbm>>) dst(%arg6 : memref<128xi32, #tpu.memory_space<vmem>>)
        tpu.yield
      }) : () -> ()
      %scan3A_35 = arith.constant 0 : i32
      %scan3A_36 = arith.constant 0 : i32
      %scan3A_37 = arith.constant 8 : i32
      %scan3A_38 = arith.addi %scan3A_36, %scan3A_37 : i32
      %scan3A_39 = arith.constant 1 : i32
      %scan3A_40 = scf.for %scan3A_47 = %scan3A_36 to %scan3A_38 step %scan3A_39 iter_args(%scan3A_48 = %scan3A_35) -> (i32)  : i32 {
        %mul3A_49 = arith.constant 16 : i32
        %mul3A_50 = arith.muli %scan3A_47, %mul3A_49 : i32
        %get3A = arith.index_cast %mul3A_50 : i32 to index
        %get3A_51 = tpu.vector_load %arg6[%get3A] {strides = array<i32>} : memref<128xi32, #tpu.memory_space<vmem>>, vector<16xi32>,
        %get3A_52 = vector.shape_cast %get3A_51 : vector<16xi32> to vector<16xi32>
        %add3A_53 = vector.broadcast %mul3A_0 : i32 to vector<16xi32>
        %add3A_54 = arith.addi %get3A_52, %add3A_53 : vector<16xi32>
        %mul3A_55 = arith.constant 16 : i32
        %mul3A_56 = arith.muli %scan3A_47, %mul3A_55 : i32
        %swap3A = arith.index_cast %mul3A_56 : i32 to index
        %swap3A_57 = tpu.vector_load %arg6[%swap3A] {strides = array<i32>} : memref<128xi32, #tpu.memory_space<vmem>>, vector<16xi32>,
        %swap3A_58 = vector.shape_cast %swap3A_57 : vector<16xi32> to vector<16xi32>
        %swap3A_59 = vector.shape_cast %add3A_54 : vector<16xi32> to vector<16xi32>
        tpu.vector_store %arg6[%swap3A], %swap3A_59 {strides = array<i32>} : memref<128xi32, #tpu.memory_space<vmem>>, vector<16xi32>,
        %scan3A_60 = arith.constant 0 : i32
        scf.yield %scan3A_60 : i32
      }
      %scan3A_41 = arith.constant 8 : i32
      %dma_start3A = arith.constant 0 : i32
      %dma_start3A_42 = arith.constant 0 : i32
      %dma_start3A_43 = tpu.memref_slice %arg2[%dma_start3A, %dma_start3A_42] : memref<20000x128xf32, #tpu.memory_space<hbm>> -> memref<20000x128xf32, #tpu.memory_space<hbm>>
      tpu.enqueue_indirect_dma source(%dma_start3A_43 : memref<20000x128xf32, #tpu.memory_space<hbm>>) target(%arg8 : memref<128x128xf32, #tpu.memory_space<vmem>>) offsets(%arg6 : memref<128xi32, #tpu.memory_space<vmem>>) semaphore(%arg10 : memref<!tpu.dma_semaphore, #tpu.memory_space<semaphore_mem>>)
      %dma_wait3A = arith.constant 0 : i32
      %dma_wait3A_44 = arith.constant 0 : i32
      %dma_wait3A_45 = tpu.memref_slice %arg2[%dma_wait3A, %dma_wait3A_44] : memref<20000x128xf32, #tpu.memory_space<hbm>> -> memref<20000x128xf32, #tpu.memory_space<hbm>>
      tpu.wait_indirect_dma semaphore(%arg10 : memref<!tpu.dma_semaphore, #tpu.memory_space<semaphore_mem>>) src(%dma_wait3A_45 : memref<20000x128xf32, #tpu.memory_space<hbm>>) dst(%arg8 : memref<128x128xf32, #tpu.memory_space<vmem>>)
      "tpu.region"() ({
        %run_scoped3A = tpu.sem_alloc : memref<!tpu.dma_semaphore, #tpu.memory_space<semaphore_mem>>
        %dma_start3A_47 = tpu.memref_slice %arg4[%mul3A_34] : memref<163840xi32, #tpu.memory_space<hbm>> -> memref<128xi32, #tpu.memory_space<hbm>>
        %dma_start3A_48 = tpu.memref_slice %arg4[%mul3A_34] : memref<163840xi32, #tpu.memory_space<hbm>> -> memref<128xi32, #tpu.memory_space<hbm>>
        tpu.enqueue_dma source(%dma_start3A_48 : memref<128xi32, #tpu.memory_space<hbm>>) target(%arg7 : memref<128xi32, #tpu.memory_space<vmem>>) target_semaphore(%run_scoped3A : memref<!tpu.dma_semaphore, #tpu.memory_space<semaphore_mem>>)
        %dma_wait3A_49 = tpu.memref_slice %arg4[%mul3A_34] : memref<163840xi32, #tpu.memory_space<hbm>> -> memref<128xi32, #tpu.memory_space<hbm>>
        %dma_wait3A_50 = tpu.memref_slice %arg4[%mul3A_34] : memref<163840xi32, #tpu.memory_space<hbm>> -> memref<128xi32, #tpu.memory_space<hbm>>
        tpu.wait_dma2 semaphore(%run_scoped3A : memref<!tpu.dma_semaphore, #tpu.memory_space<semaphore_mem>>) src(%dma_wait3A_50 : memref<128xi32, #tpu.memory_space<hbm>>) dst(%arg7 : memref<128xi32, #tpu.memory_space<vmem>>)
        tpu.yield
      }) : () -> ()
      "tpu.region"() ({
        %run_scoped3A = tpu.sem_alloc : memref<!tpu.dma_semaphore, #tpu.memory_space<semaphore_mem>>
        %dma_start3A_47 = arith.constant 0 : i32
        %dma_start3A_48 = arith.constant 0 : i32
        %dma_start3A_49 = tpu.memref_slice %arg9[%dma_start3A_47, %dma_start3A_48] : memref<10128x128xf32, #tpu.memory_space<vmem_shared>> -> memref<10128x128xf32, #tpu.memory_space<vmem_shared>>
        tpu.enqueue_indirect_dma source(%arg8 : memref<128x128xf32, #tpu.memory_space<vmem>>) target(%dma_start3A_49 : memref<10128x128xf32, #tpu.memory_space<vmem_shared>>) offsets(%arg7 : memref<128xi32, #tpu.memory_space<vmem>>) semaphore(%run_scoped3A : memref<!tpu.dma_semaphore, #tpu.memory_space<semaphore_mem>>) {add = true}
        %dma_wait3A_50 = arith.constant 0 : i32
        %dma_wait3A_51 = arith.constant 0 : i32
        %dma_wait3A_52 = tpu.memref_slice %arg9[%dma_wait3A_50, %dma_wait3A_51] : memref<10128x128xf32, #tpu.memory_space<vmem_shared>> -> memref<10128x128xf32, #tpu.memory_space<vmem_shared>>
        tpu.wait_indirect_dma semaphore(%run_scoped3A : memref<!tpu.dma_semaphore, #tpu.memory_space<semaphore_mem>>) src(%arg8 : memref<128x128xf32, #tpu.memory_space<vmem>>) dst(%dma_wait3A_52 : memref<10128x128xf32, #tpu.memory_space<vmem_shared>>)
        tpu.yield
      }) : () -> ()
      %scan3A_46 = arith.constant 0 : i32
      scf.yield %scan3A_46 : i32
    }
    %scan3A_20 = arith.constant 80 : i32
    %barrier3A_21 = arith.constant 0 : index
    tpu.barrier barrier_id(%barrier3A_21)
    %scan3A_22 = arith.constant 0 : i32
    %scan3A_23 = arith.constant 0 : i32
    %scan3A_24 = arith.constant 8 : i32
    %scan3A_25 = arith.addi %scan3A_23, %scan3A_24 : i32
    %scan3A_26 = arith.constant 1 : i32
    %scan3A_27 = scf.for %scan3A_29 = %scan3A_23 to %scan3A_25 step %scan3A_26 iter_args(%scan3A_30 = %scan3A_22) -> (i32)  : i32 {
      %mul3A_31 = arith.constant 16 : i32
      %mul3A_32 = arith.muli %scan3A_29, %mul3A_31 : i32
      %add3A = arith.addi %mul3A_32, %arg1 : i32
      %lt3A = arith.constant 125 : i32
      %lt3A_33 = arith.cmpi slt, %add3A, %lt3A : i32
      %convert_element_type3A = arith.extui %lt3A_33 : i1 to i32
      %cond3A = arith.constant 0 : i32
      %cond3A_34 = arith.cmpi ne, %convert_element_type3A, %cond3A : i32
      scf.if %cond3A_34 {
        %mul3A_36 = arith.constant 80 : i32
        %mul3A_37 = arith.muli %add3A, %mul3A_36 : i32
        %mul3A_38 = arith.constant 80 : i32
        %mul3A_39 = arith.muli %add3A, %mul3A_38 : i32
        %add3A_40 = arith.addi %mul3A_0, %mul3A_39 : i32
        "tpu.region"() ({
          %run_scoped3A = tpu.sem_alloc : memref<!tpu.dma_semaphore, #tpu.memory_space<semaphore_mem>>
          %dma_start3A = arith.constant 0 : i32
          %dma_start3A_41 = tpu.memref_slice %arg5[%add3A_40, %dma_start3A] : memref<20000x128xf32, #tpu.memory_space<hbm>> -> memref<80x128xf32, #tpu.memory_space<hbm>>
          %dma_start3A_42 = arith.constant 0 : i32
          %dma_start3A_43 = tpu.memref_slice %arg9[%mul3A_37, %dma_start3A_42] : memref<10128x128xf32, #tpu.memory_space<vmem_shared>> -> memref<80x128xf32, #tpu.memory_space<vmem_shared>>
          tpu.enqueue_dma source(%dma_start3A_43 : memref<80x128xf32, #tpu.memory_space<vmem_shared>>) target(%dma_start3A_41 : memref<80x128xf32, #tpu.memory_space<hbm>>) target_semaphore(%run_scoped3A : memref<!tpu.dma_semaphore, #tpu.memory_space<semaphore_mem>>)
          %dma_wait3A = arith.constant 0 : i32
          %dma_wait3A_44 = tpu.memref_slice %arg5[%add3A_40, %dma_wait3A] : memref<20000x128xf32, #tpu.memory_space<hbm>> -> memref<80x128xf32, #tpu.memory_space<hbm>>
          %dma_wait3A_45 = arith.constant 0 : i32
          %dma_wait3A_46 = tpu.memref_slice %arg9[%mul3A_37, %dma_wait3A_45] : memref<10128x128xf32, #tpu.memory_space<vmem_shared>> -> memref<80x128xf32, #tpu.memory_space<vmem_shared>>
          tpu.wait_dma2 semaphore(%run_scoped3A : memref<!tpu.dma_semaphore, #tpu.memory_space<semaphore_mem>>) src(%dma_wait3A_46 : memref<80x128xf32, #tpu.memory_space<vmem_shared>>) dst(%dma_wait3A_44 : memref<80x128xf32, #tpu.memory_space<hbm>>)
          tpu.yield
        }) : () -> ()
      } else {
      }
      %scan3A_35 = arith.constant 0 : i32
      scf.yield %scan3A_35 : i32
    }
    %scan3A_28 = arith.constant 8 : i32
    return
  }
}

#map = affine_map<(d0, d1) -> (0, 0)>
#map1 = affine_map<(d0, d1) -> (0)>
module attributes {stable_mosaic.version = 14 : i64} {
  func.func @body(%arg0: i32, %arg1: i32, %arg2: memref<20000x128xf32, #tpu.memory_space<hbm>>, %arg3: memref<163840xi32, #tpu.memory_space<hbm>>, %arg4: memref<163840xi32, #tpu.memory_space<hbm>>, %arg5: memref<20000x128xf32, #tpu.memory_space<hbm>>, %arg6: memref<128xi32, #tpu.memory_space<vmem>>, %arg7: memref<128xi32, #tpu.memory_space<vmem>>, %arg8: memref<128x128xf32, #tpu.memory_space<vmem>>, %arg9: memref<10128x128xf32, #tpu.memory_space<vmem_shared>>, %arg10: memref<!tpu.dma_semaphore, #tpu.memory_space<semaphore_mem>>) attributes {dimension_semantics = [#tpu.dimension_semantics<core_parallel>, #tpu.dimension_semantics<subcore_parallel>], iteration_bounds = array<i64: 2, 16>, scalar_prefetch = 0 : i64, scratch_operands = 5 : i64, tpu.core_type = #tpu.core_type<sc_vector_subcore>, window_params = [{transform_indices = #map}, {transform_indices = #map1}, {transform_indices = #map1}, {transform_indices = #map}]} {
    %mul3A = arith.constant 10000 : i32
    %mul3A_0 = arith.muli %arg0, %mul3A : i32
    %scan3A = arith.constant 0 : i32
    %scan3A_1 = arith.constant 0 : i32
    %scan3A_2 = arith.constant 128 : i32
    %scan3A_3 = arith.addi %scan3A_1, %scan3A_2 : i32
    %scan3A_4 = arith.constant 1 : i32
    %scan3A_5 = scf.for %scan3A_29 = %scan3A_1 to %scan3A_3 step %scan3A_4 iter_args(%scan3A_30 = %scan3A) -> (i32)  : i32 {
      %jit3A = arith.constant 8 : i32
      %div3A = arith.divsi %scan3A_29, %jit3A : i32
      %sign3A = arith.constant 0 : i32
      %sign3A_31 = arith.cmpi sgt, %scan3A_29, %sign3A : i32
      %sign3A_32 = arith.extui %sign3A_31 : i1 to i32
      %sign3A_33 = arith.constant 0 : i32
      %sign3A_34 = arith.cmpi slt, %scan3A_29, %sign3A_33 : i32
      %sign3A_35 = arith.extui %sign3A_34 : i1 to i32
      %sign3A_36 = arith.subi %sign3A_32, %sign3A_35 : i32
      %sign3A_37 = arith.constant 0 : i32
      %sign3A_38 = arith.cmpi sgt, %jit3A, %sign3A_37 : i32
      %sign3A_39 = arith.extui %sign3A_38 : i1 to i32
      %sign3A_40 = arith.constant 0 : i32
      %sign3A_41 = arith.cmpi slt, %jit3A, %sign3A_40 : i32
      %sign3A_42 = arith.extui %sign3A_41 : i1 to i32
      %sign3A_43 = arith.subi %sign3A_39, %sign3A_42 : i32
      %ne3A = arith.cmpi ne, %sign3A_36, %sign3A_43 : i32
      %rem3A = arith.remsi %scan3A_29, %jit3A : i32
      %ne3A_44 = arith.constant 0 : i32
      %ne3A_45 = arith.cmpi ne, %rem3A, %ne3A_44 : i32
      %and3A = arith.andi %ne3A, %ne3A_45 : i1
      %sub3A = arith.constant 1 : i32
      %sub3A_46 = arith.subi %div3A, %sub3A : i32
      %select_n3A = arith.select %and3A, %sub3A_46, %div3A : i32
      %jit3A_47 = arith.constant 8 : i32
      %eq3A = arith.constant 0 : i32
      %eq3A_48 = arith.cmpi eq, %jit3A_47, %eq3A : i32
      %jit3A_49 = arith.constant 1 : i32
      %select_n3A_50 = arith.select %eq3A_48, %jit3A_49, %jit3A_47 : i32
      %rem3A_51 = arith.remsi %scan3A_29, %select_n3A_50 : i32
      %ne3A_52 = arith.constant 0 : i32
      %ne3A_53 = arith.cmpi ne, %rem3A_51, %ne3A_52 : i32
      %lt3A = arith.constant 0 : i32
      %lt3A_54 = arith.cmpi slt, %rem3A_51, %lt3A : i32
      %lt3A_55 = arith.constant 0 : i32
      %lt3A_56 = arith.cmpi slt, %select_n3A_50, %lt3A_55 : i32
      %ne3A_57 = arith.xori %lt3A_54, %lt3A_56 : i1
      %and3A_58 = arith.andi %ne3A_57, %ne3A_53 : i1
      %add3A = arith.addi %rem3A_51, %select_n3A_50 : i32
      %select_n3A_59 = arith.select %and3A_58, %add3A, %rem3A_51 : i32
      %broadcast_in_dim3A = arith.constant 0.000000e+00 : f32
      %broadcast_in_dim3A_60 = vector.broadcast %broadcast_in_dim3A : f32 to vector<16xf32>
      %mul3A_61 = arith.constant 16 : i32
      %mul3A_62 = arith.muli %select_n3A_59, %mul3A_61 : i32
      %swap3A = arith.index_cast %select_n3A : i32 to index
      %swap3A_63 = arith.index_cast %mul3A_62 : i32 to index
      %swap3A_64 = tpu.vector_load %arg8[%swap3A, %swap3A_63] {strides = array<i32>} : memref<128x128xf32, #tpu.memory_space<vmem>>, vector<1x16xf32>,
      %swap3A_65 = vector.shape_cast %swap3A_64 : vector<1x16xf32> to vector<16xf32>
      %swap3A_66 = vector.shape_cast %broadcast_in_dim3A_60 : vector<16xf32> to vector<1x16xf32>
      tpu.vector_store %arg8[%swap3A, %swap3A_63], %swap3A_66 {strides = array<i32>} : memref<128x128xf32, #tpu.memory_space<vmem>>, vector<1x16xf32>,
      %scan3A_67 = arith.constant 0 : i32
      scf.yield %scan3A_67 : i32
    }
    %scan3A_6 = arith.constant 128 : i32
    %scan3A_7 = arith.constant 0 : i32
    %scan3A_8 = arith.constant 0 : i32
    %scan3A_9 = arith.constant 40 : i32
    %scan3A_10 = arith.addi %scan3A_8, %scan3A_9 : i32
    %scan3A_11 = arith.constant 1 : i32
    %scan3A_12 = scf.for %scan3A_29 = %scan3A_8 to %scan3A_10 step %scan3A_11 iter_args(%scan3A_30 = %scan3A_7) -> (i32)  : i32 {
      %mul3A_31 = arith.constant 16 : i32
      %mul3A_32 = arith.muli %scan3A_29, %mul3A_31 : i32
      %add3A = arith.addi %mul3A_32, %arg1 : i32
      %lt3A = arith.constant 633 : i32
      %lt3A_33 = arith.cmpi slt, %add3A, %lt3A : i32
      %convert_element_type3A = arith.extui %lt3A_33 : i1 to i32
      %cond3A = arith.constant 0 : i32
      %cond3A_34 = arith.cmpi ne, %convert_element_type3A, %cond3A : i32
      scf.if %cond3A_34 {
        %mul3A_36 = arith.constant 16 : i32
        %mul3A_37 = arith.muli %add3A, %mul3A_36 : i32
        "tpu.region"() ({
          %run_scoped3A = tpu.sem_alloc : memref<!tpu.dma_semaphore, #tpu.memory_space<semaphore_mem>>
          %dma_start3A = arith.constant 0 : i32
          %dma_start3A_38 = arith.constant 0 : i32
          %dma_start3A_39 = tpu.memref_slice %arg8[%dma_start3A, %dma_start3A_38] : memref<128x128xf32, #tpu.memory_space<vmem>> -> memref<16x128xf32, #tpu.memory_space<vmem>>
          %dma_start3A_40 = arith.constant 0 : i32
          %dma_start3A_41 = tpu.memref_slice %arg9[%mul3A_37, %dma_start3A_40] : memref<10128x128xf32, #tpu.memory_space<vmem_shared>> -> memref<16x128xf32, #tpu.memory_space<vmem_shared>>
          %dma_start3A_42 = arith.constant 0 : i32
          %dma_start3A_43 = tpu.memref_slice %arg9[%mul3A_37, %dma_start3A_42] : memref<10128x128xf32, #tpu.memory_space<vmem_shared>> -> memref<16x128xf32, #tpu.memory_space<vmem_shared>>
          %dma_start3A_44 = arith.constant 0 : i32
          %dma_start3A_45 = arith.constant 0 : i32
          %dma_start3A_46 = tpu.memref_slice %arg8[%dma_start3A_44, %dma_start3A_45] : memref<128x128xf32, #tpu.memory_space<vmem>> -> memref<16x128xf32, #tpu.memory_space<vmem>>
          tpu.enqueue_dma source(%dma_start3A_46 : memref<16x128xf32, #tpu.memory_space<vmem>>) target(%dma_start3A_43 : memref<16x128xf32, #tpu.memory_space<vmem_shared>>) target_semaphore(%run_scoped3A : memref<!tpu.dma_semaphore, #tpu.memory_space<semaphore_mem>>)
          %dma_wait3A = arith.constant 0 : i32
          %dma_wait3A_47 = arith.constant 0 : i32
          %dma_wait3A_48 = tpu.memref_slice %arg8[%dma_wait3A, %dma_wait3A_47] : memref<128x128xf32, #tpu.memory_space<vmem>> -> memref<16x128xf32, #tpu.memory_space<vmem>>
          %dma_wait3A_49 = arith.constant 0 : i32
          %dma_wait3A_50 = tpu.memref_slice %arg9[%mul3A_37, %dma_wait3A_49] : memref<10128x128xf32, #tpu.memory_space<vmem_shared>> -> memref<16x128xf32, #tpu.memory_space<vmem_shared>>
          %dma_wait3A_51 = arith.constant 0 : i32
          %dma_wait3A_52 = tpu.memref_slice %arg9[%mul3A_37, %dma_wait3A_51] : memref<10128x128xf32, #tpu.memory_space<vmem_shared>> -> memref<16x128xf32, #tpu.memory_space<vmem_shared>>
          %dma_wait3A_53 = arith.constant 0 : i32
          %dma_wait3A_54 = arith.constant 0 : i32
          %dma_wait3A_55 = tpu.memref_slice %arg8[%dma_wait3A_53, %dma_wait3A_54] : memref<128x128xf32, #tpu.memory_space<vmem>> -> memref<16x128xf32, #tpu.memory_space<vmem>>
          tpu.wait_dma2 semaphore(%run_scoped3A : memref<!tpu.dma_semaphore, #tpu.memory_space<semaphore_mem>>) src(%dma_wait3A_55 : memref<16x128xf32, #tpu.memory_space<vmem>>) dst(%dma_wait3A_52 : memref<16x128xf32, #tpu.memory_space<vmem_shared>>)
          tpu.yield
        }) : () -> ()
      } else {
      }
      %scan3A_35 = arith.constant 0 : i32
      scf.yield %scan3A_35 : i32
    }
    %scan3A_13 = arith.constant 40 : i32
    %barrier3A = arith.constant 0 : index
    tpu.barrier barrier_id(%barrier3A)
    %scan3A_14 = arith.constant 0 : i32
    %scan3A_15 = arith.constant 0 : i32
    %scan3A_16 = arith.constant 80 : i32
    %scan3A_17 = arith.addi %scan3A_15, %scan3A_16 : i32
    %scan3A_18 = arith.constant 1 : i32
    %scan3A_19 = scf.for %scan3A_29 = %scan3A_15 to %scan3A_17 step %scan3A_18 iter_args(%scan3A_30 = %scan3A_14) -> (i32)  : i32 {
      %mul3A_31 = arith.constant 80 : i32
      %mul3A_32 = arith.muli %arg1, %mul3A_31 : i32
      %add3A = arith.addi %mul3A_32, %scan3A_29 : i32
      %mul3A_33 = arith.constant 128 : i32
      %mul3A_34 = arith.muli %add3A, %mul3A_33 : i32
      "tpu.region"() ({
        %run_scoped3A = tpu.sem_alloc : memref<!tpu.dma_semaphore, #tpu.memory_space<semaphore_mem>>
        %dma_start3A_47 = tpu.memref_slice %arg3[%mul3A_34] : memref<163840xi32, #tpu.memory_space<hbm>> -> memref<128xi32, #tpu.memory_space<hbm>>
        %dma_start3A_48 = tpu.memref_slice %arg3[%mul3A_34] : memref<163840xi32, #tpu.memory_space<hbm>> -> memref<128xi32, #tpu.memory_space<hbm>>
        tpu.enqueue_dma source(%dma_start3A_48 : memref<128xi32, #tpu.memory_space<hbm>>) target(%arg6 : memref<128xi32, #tpu.memory_space<vmem>>) target_semaphore(%run_scoped3A : memref<!tpu.dma_semaphore, #tpu.memory_space<semaphore_mem>>)
        %dma_wait3A_49 = tpu.memref_slice %arg3[%mul3A_34] : memref<163840xi32, #tpu.memory_space<hbm>> -> memref<128xi32, #tpu.memory_space<hbm>>
        %dma_wait3A_50 = tpu.memref_slice %arg3[%mul3A_34] : memref<163840xi32, #tpu.memory_space<hbm>> -> memref<128xi32, #tpu.memory_space<hbm>>
        tpu.wait_dma2 semaphore(%run_scoped3A : memref<!tpu.dma_semaphore, #tpu.memory_space<semaphore_mem>>) src(%dma_wait3A_50 : memref<128xi32, #tpu.memory_space<hbm>>) dst(%arg6 : memref<128xi32, #tpu.memory_space<vmem>>)
        tpu.yield
      }) : () -> ()
      %scan3A_35 = arith.constant 0 : i32
      %scan3A_36 = arith.constant 0 : i32
      %scan3A_37 = arith.constant 8 : i32
      %scan3A_38 = arith.addi %scan3A_36, %scan3A_37 : i32
      %scan3A_39 = arith.constant 1 : i32
      %scan3A_40 = scf.for %scan3A_47 = %scan3A_36 to %scan3A_38 step %scan3A_39 iter_args(%scan3A_48 = %scan3A_35) -> (i32)  : i32 {
        %mul3A_49 = arith.constant 16 : i32
        %mul3A_50 = arith.muli %scan3A_47, %mul3A_49 : i32
        %get3A = arith.index_cast %mul3A_50 : i32 to index
        %get3A_51 = tpu.vector_load %arg6[%get3A] {strides = array<i32>} : memref<128xi32, #tpu.memory_space<vmem>>, vector<16xi32>,
        %get3A_52 = vector.shape_cast %get3A_51 : vector<16xi32> to vector<16xi32>
        %add3A_53 = vector.broadcast %mul3A_0 : i32 to vector<16xi32>
        %add3A_54 = arith.addi %get3A_52, %add3A_53 : vector<16xi32>
        %mul3A_55 = arith.constant 16 : i32
        %mul3A_56 = arith.muli %scan3A_47, %mul3A_55 : i32
        %swap3A = arith.index_cast %mul3A_56 : i32 to index
        %swap3A_57 = tpu.vector_load %arg6[%swap3A] {strides = array<i32>} : memref<128xi32, #tpu.memory_space<vmem>>, vector<16xi32>,
        %swap3A_58 = vector.shape_cast %swap3A_57 : vector<16xi32> to vector<16xi32>
        %swap3A_59 = vector.shape_cast %add3A_54 : vector<16xi32> to vector<16xi32>
        tpu.vector_store %arg6[%swap3A], %swap3A_59 {strides = array<i32>} : memref<128xi32, #tpu.memory_space<vmem>>, vector<16xi32>,
        %scan3A_60 = arith.constant 0 : i32
        scf.yield %scan3A_60 : i32
      }
      %scan3A_41 = arith.constant 8 : i32
      %dma_start3A = arith.constant 0 : i32
      %dma_start3A_42 = arith.constant 0 : i32
      %dma_start3A_43 = tpu.memref_slice %arg2[%dma_start3A, %dma_start3A_42] : memref<20000x128xf32, #tpu.memory_space<hbm>> -> memref<20000x128xf32, #tpu.memory_space<hbm>>
      tpu.enqueue_indirect_dma source(%dma_start3A_43 : memref<20000x128xf32, #tpu.memory_space<hbm>>) target(%arg8 : memref<128x128xf32, #tpu.memory_space<vmem>>) offsets(%arg6 : memref<128xi32, #tpu.memory_space<vmem>>) semaphore(%arg10 : memref<!tpu.dma_semaphore, #tpu.memory_space<semaphore_mem>>)
      %dma_wait3A = arith.constant 0 : i32
      %dma_wait3A_44 = arith.constant 0 : i32
      %dma_wait3A_45 = tpu.memref_slice %arg2[%dma_wait3A, %dma_wait3A_44] : memref<20000x128xf32, #tpu.memory_space<hbm>> -> memref<20000x128xf32, #tpu.memory_space<hbm>>
      tpu.wait_indirect_dma semaphore(%arg10 : memref<!tpu.dma_semaphore, #tpu.memory_space<semaphore_mem>>) src(%dma_wait3A_45 : memref<20000x128xf32, #tpu.memory_space<hbm>>) dst(%arg8 : memref<128x128xf32, #tpu.memory_space<vmem>>)
      "tpu.region"() ({
        %run_scoped3A = tpu.sem_alloc : memref<!tpu.dma_semaphore, #tpu.memory_space<semaphore_mem>>
        %dma_start3A_47 = tpu.memref_slice %arg4[%mul3A_34] : memref<163840xi32, #tpu.memory_space<hbm>> -> memref<128xi32, #tpu.memory_space<hbm>>
        %dma_start3A_48 = tpu.memref_slice %arg4[%mul3A_34] : memref<163840xi32, #tpu.memory_space<hbm>> -> memref<128xi32, #tpu.memory_space<hbm>>
        tpu.enqueue_dma source(%dma_start3A_48 : memref<128xi32, #tpu.memory_space<hbm>>) target(%arg7 : memref<128xi32, #tpu.memory_space<vmem>>) target_semaphore(%run_scoped3A : memref<!tpu.dma_semaphore, #tpu.memory_space<semaphore_mem>>)
        %dma_wait3A_49 = tpu.memref_slice %arg4[%mul3A_34] : memref<163840xi32, #tpu.memory_space<hbm>> -> memref<128xi32, #tpu.memory_space<hbm>>
        %dma_wait3A_50 = tpu.memref_slice %arg4[%mul3A_34] : memref<163840xi32, #tpu.memory_space<hbm>> -> memref<128xi32, #tpu.memory_space<hbm>>
        tpu.wait_dma2 semaphore(%run_scoped3A : memref<!tpu.dma_semaphore, #tpu.memory_space<semaphore_mem>>) src(%dma_wait3A_50 : memref<128xi32, #tpu.memory_space<hbm>>) dst(%arg7 : memref<128xi32, #tpu.memory_space<vmem>>)
        tpu.yield
      }) : () -> ()
      "tpu.region"() ({
        %run_scoped3A = tpu.sem_alloc : memref<!tpu.dma_semaphore, #tpu.memory_space<semaphore_mem>>
        %dma_start3A_47 = arith.constant 0 : i32
        %dma_start3A_48 = arith.constant 0 : i32
        %dma_start3A_49 = tpu.memref_slice %arg9[%dma_start3A_47, %dma_start3A_48] : memref<10128x128xf32, #tpu.memory_space<vmem_shared>> -> memref<10128x128xf32, #tpu.memory_space<vmem_shared>>
        tpu.enqueue_indirect_dma source(%arg8 : memref<128x128xf32, #tpu.memory_space<vmem>>) target(%dma_start3A_49 : memref<10128x128xf32, #tpu.memory_space<vmem_shared>>) offsets(%arg7 : memref<128xi32, #tpu.memory_space<vmem>>) semaphore(%run_scoped3A : memref<!tpu.dma_semaphore, #tpu.memory_space<semaphore_mem>>) {add = true}
        %dma_wait3A_50 = arith.constant 0 : i32
        %dma_wait3A_51 = arith.constant 0 : i32
        %dma_wait3A_52 = tpu.memref_slice %arg9[%dma_wait3A_50, %dma_wait3A_51] : memref<10128x128xf32, #tpu.memory_space<vmem_shared>> -> memref<10128x128xf32, #tpu.memory_space<vmem_shared>>
        tpu.wait_indirect_dma semaphore(%run_scoped3A : memref<!tpu.dma_semaphore, #tpu.memory_space<semaphore_mem>>) src(%arg8 : memref<128x128xf32, #tpu.memory_space<vmem>>) dst(%dma_wait3A_52 : memref<10128x128xf32, #tpu.memory_space<vmem_shared>>)
        tpu.yield
      }) : () -> ()
      %scan3A_46 = arith.constant 0 : i32
      scf.yield %scan3A_46 : i32
    }
    %scan3A_20 = arith.constant 80 : i32
    %barrier3A_21 = arith.constant 0 : index
    tpu.barrier barrier_id(%barrier3A_21)
    %scan3A_22 = arith.constant 0 : i32
    %scan3A_23 = arith.constant 0 : i32
    %scan3A_24 = arith.constant 8 : i32
    %scan3A_25 = arith.addi %scan3A_23, %scan3A_24 : i32
    %scan3A_26 = arith.constant 1 : i32
    %scan3A_27 = scf.for %scan3A_29 = %scan3A_23 to %scan3A_25 step %scan3A_26 iter_args(%scan3A_30 = %scan3A_22) -> (i32)  : i32 {
      %mul3A_31 = arith.constant 16 : i32
      %mul3A_32 = arith.muli %scan3A_29, %mul3A_31 : i32
      %add3A = arith.addi %mul3A_32, %arg1 : i32
      %lt3A = arith.constant 125 : i32
      %lt3A_33 = arith.cmpi slt, %add3A, %lt3A : i32
      %convert_element_type3A = arith.extui %lt3A_33 : i1 to i32
      %cond3A = arith.constant 0 : i32
      %cond3A_34 = arith.cmpi ne, %convert_element_type3A, %cond3A : i32
      scf.if %cond3A_34 {
        %mul3A_36 = arith.constant 80 : i32
        %mul3A_37 = arith.muli %add3A, %mul3A_36 : i32
        %mul3A_38 = arith.constant 80 : i32
        %mul3A_39 = arith.muli %add3A, %mul3A_38 : i32
        %add3A_40 = arith.addi %mul3A_0, %mul3A_39 : i32
        "tpu.region"() ({
          %run_scoped3A = tpu.sem_alloc : memref<!tpu.dma_semaphore, #tpu.memory_space<semaphore_mem>>
          %dma_start3A = arith.constant 0 : i32
          %dma_start3A_41 = tpu.memref_slice %arg5[%add3A_40, %dma_start3A] : memref<20000x128xf32, #tpu.memory_space<hbm>> -> memref<80x128xf32, #tpu.memory_space<hbm>>
          %dma_start3A_42 = arith.constant 0 : i32
          %dma_start3A_43 = tpu.memref_slice %arg9[%mul3A_37, %dma_start3A_42] : memref<10128x128xf32, #tpu.memory_space<vmem_shared>> -> memref<80x128xf32, #tpu.memory_space<vmem_shared>>
          tpu.enqueue_dma source(%dma_start3A_43 : memref<80x128xf32, #tpu.memory_space<vmem_shared>>) target(%dma_start3A_41 : memref<80x128xf32, #tpu.memory_space<hbm>>) target_semaphore(%run_scoped3A : memref<!tpu.dma_semaphore, #tpu.memory_space<semaphore_mem>>)
          %dma_wait3A = arith.constant 0 : i32
          %dma_wait3A_44 = tpu.memref_slice %arg5[%add3A_40, %dma_wait3A] : memref<20000x128xf32, #tpu.memory_space<hbm>> -> memref<80x128xf32, #tpu.memory_space<hbm>>
          %dma_wait3A_45 = arith.constant 0 : i32
          %dma_wait3A_46 = tpu.memref_slice %arg9[%mul3A_37, %dma_wait3A_45] : memref<10128x128xf32, #tpu.memory_space<vmem_shared>> -> memref<80x128xf32, #tpu.memory_space<vmem_shared>>
          tpu.wait_dma2 semaphore(%run_scoped3A : memref<!tpu.dma_semaphore, #tpu.memory_space<semaphore_mem>>) src(%dma_wait3A_46 : memref<80x128xf32, #tpu.memory_space<vmem_shared>>) dst(%dma_wait3A_44 : memref<80x128xf32, #tpu.memory_space<hbm>>)
          tpu.yield
        }) : () -> ()
      } else {
      }
      %scan3A_35 = arith.constant 0 : i32
      scf.yield %scan3A_35 : i32
    }
    %scan3A_28 = arith.constant 8 : i32
    return
  }
}

module attributes {stable_mosaic.version = 14 : i64} {
  func.func @body(%arg0: i32, %arg1: memref<2x1000x16xf32, #tpu.memory_space<vmem>>, %arg2: memref<1000x256xf32, #tpu.memory_space<vmem>>, %arg3: memref<256x256xf32, #tpu.memory_space<vmem>>, %arg4: memref<1000x1xf32, #tpu.memory_space<vmem>>, %arg5: memref<2x1000x128xf32, #tpu.memory_space<vmem>>) attributes {dimension_semantics = [#tpu.dimension_semantics<arbitrary>], iteration_bounds = array<i64: 10>, scalar_prefetch = 0 : i64, scratch_operands = 0 : i64, tpu.core_type = #tpu.core_type<tc>, window_params = [{transform_indices = @transform_0, window_bounds = array<i64: 2, 1000, 16>}, {transform_indices = @transform_1, window_bounds = array<i64: 1000, 256>}, {pipeline_mode = #tpu.pipeline_mode<synchronous>, transform_indices = @transform_2, window_bounds = array<i64: 256, 256>}, {transform_indices = @transform_3, window_bounds = array<i64: 1000, 1>}, {transform_indices = @transform_4, window_bounds = array<i64: 2, 1000, 128>}]} {
    %get3A = arith.constant 0 : index
    %get3A_0 = arith.constant 0 : index
    %get3A_1 = arith.constant 0 : index
    %get3A_2 = vector.load %arg1[%get3A, %get3A_0, %get3A_1] : memref<2x1000x16xf32, #tpu.memory_space<vmem>>, vector<1x1000x1xf32>
    %get3A_3 = vector.shape_cast %get3A_2 : vector<1x1000x1xf32> to vector<1000x1xf32>
    %get3A_4 = arith.constant 1 : index
    %get3A_5 = arith.constant 0 : index
    %get3A_6 = arith.constant 0 : index
    %get3A_7 = vector.load %arg1[%get3A_4, %get3A_5, %get3A_6] : memref<2x1000x16xf32, #tpu.memory_space<vmem>>, vector<1x1000x1xf32>
    %get3A_8 = vector.shape_cast %get3A_7 : vector<1x1000x1xf32> to vector<1000x1xf32>
    %add3A = arith.addf %get3A_3, %get3A_8 : vector<1000x1xf32>
    %add3A_9 = arith.constant 1.000000e+00 : f32
    %add3A_10 = vector.broadcast %add3A_9 : f32 to vector<1000x1xf32>
    %add3A_11 = arith.addf %add3A, %add3A_10 : vector<1000x1xf32>
    %rsqrt3A = math.rsqrt %add3A_11 : vector<1000x1xf32>
    %get3A_12 = arith.constant 0 : index
    %get3A_13 = arith.constant 0 : index
    %get3A_14 = vector.load %arg2[%get3A_12, %get3A_13] : memref<1000x256xf32, #tpu.memory_space<vmem>>, vector<1000x256xf32>
    %get3A_15 = arith.constant 0 : index
    %get3A_16 = arith.constant 0 : index
    %get3A_17 = vector.load %arg3[%get3A_15, %get3A_16] : memref<256x256xf32, #tpu.memory_space<vmem>>, vector<256x256xf32>
    %dot_general3A = arith.constant dense<0.000000e+00> : vector<1000x256xf32>
    %dot_general3A_18 = tpu.matmul %get3A_14, %get3A_17, %dot_general3A {dimension_numbers = #tpu.dot_dimension_numbers<[1], [0], [0], [1], [0, 0, 1, 1], [], []>, precision = #tpu.contract_precision<fp32>, transpose_lhs_hint = false} : vector<1000x256xf32>, vector<256x256xf32>, vector<1000x256xf32> -> vector<1000x256xf32>
    %swap3A = arith.constant 0 : index
    %swap3A_19 = arith.constant 0 : index
    %swap3A_20 = vector.load %arg4[%swap3A, %swap3A_19] : memref<1000x1xf32, #tpu.memory_space<vmem>>, vector<1000x1xf32>
    tpu.vector_store %arg4[%swap3A, %swap3A_19], %rsqrt3A {strides = array<i32>} : memref<1000x1xf32, #tpu.memory_space<vmem>>, vector<1000x1xf32>,
    %slice3A = vector.extract_strided_slice %dot_general3A_18 {offsets = [0, 0], sizes = [1000, 128], strides = [1, 1]} : vector<1000x256xf32> to vector<1000x128xf32>
    %mul3A = vector.broadcast %rsqrt3A : vector<1000x1xf32> to vector<1000x128xf32>
    %mul3A_21 = arith.mulf %mul3A, %slice3A : vector<1000x128xf32>
    %swap3A_22 = arith.constant 0 : index
    %swap3A_23 = arith.constant 0 : index
    %swap3A_24 = arith.constant 0 : index
    %swap3A_25 = vector.load %arg5[%swap3A_22, %swap3A_23, %swap3A_24] : memref<2x1000x128xf32, #tpu.memory_space<vmem>>, vector<1x1000x128xf32>
    %swap3A_26 = vector.shape_cast %swap3A_25 : vector<1x1000x128xf32> to vector<1000x128xf32>
    %swap3A_27 = vector.shape_cast %mul3A_21 : vector<1000x128xf32> to vector<1x1000x128xf32>
    tpu.vector_store %arg5[%swap3A_22, %swap3A_23, %swap3A_24], %swap3A_27 {strides = array<i32>} : memref<2x1000x128xf32, #tpu.memory_space<vmem>>, vector<1x1000x128xf32>,
    %slice3A_28 = vector.extract_strided_slice %dot_general3A_18 {offsets = [0, 128], sizes = [1000, 128], strides = [1, 1]} : vector<1000x256xf32> to vector<1000x128xf32>
    %mul3A_29 = vector.broadcast %rsqrt3A : vector<1000x1xf32> to vector<1000x128xf32>
    %mul3A_30 = arith.mulf %mul3A_29, %slice3A_28 : vector<1000x128xf32>
    %swap3A_31 = arith.constant 1 : index
    %swap3A_32 = arith.constant 0 : index
    %swap3A_33 = arith.constant 0 : index
    %swap3A_34 = vector.load %arg5[%swap3A_31, %swap3A_32, %swap3A_33] : memref<2x1000x128xf32, #tpu.memory_space<vmem>>, vector<1x1000x128xf32>
    %swap3A_35 = vector.shape_cast %swap3A_34 : vector<1x1000x128xf32> to vector<1000x128xf32>
    %swap3A_36 = vector.shape_cast %mul3A_30 : vector<1000x128xf32> to vector<1x1000x128xf32>
    tpu.vector_store %arg5[%swap3A_31, %swap3A_32, %swap3A_33], %swap3A_36 {strides = array<i32>} : memref<2x1000x128xf32, #tpu.memory_space<vmem>>, vector<1x1000x128xf32>,
    return
  }
  func.func @transform_0(%arg0: i32) -> (i32, i32, i32) {
    %c0_i32 = arith.constant 0 : i32
    %c0_i32_0 = arith.constant 0 : i32
    %c0_i32_1 = arith.constant 0 : i32
    return %c0_i32, %arg0, %c0_i32_0 : i32, i32, i32
  }
  func.func @transform_1(%arg0: i32) -> (i32, i32) {
    %c0_i32 = arith.constant 0 : i32
    %c0_i32_0 = arith.constant 0 : i32
    return %arg0, %c0_i32 : i32, i32
  }
  func.func @transform_2(%arg0: i32) -> (i32, i32) {
    %c0_i32 = arith.constant 0 : i32
    %c0_i32_0 = arith.constant 0 : i32
    %c0_i32_1 = arith.constant 0 : i32
    return %c0_i32, %c0_i32_0 : i32, i32
  }
  func.func @transform_3(%arg0: i32) -> (i32, i32) {
    %c0_i32 = arith.constant 0 : i32
    %c0_i32_0 = arith.constant 0 : i32
    return %arg0, %c0_i32 : i32, i32
  }
  func.func @transform_4(%arg0: i32) -> (i32, i32, i32) {
    %c0_i32 = arith.constant 0 : i32
    %c0_i32_0 = arith.constant 0 : i32
    %c0_i32_1 = arith.constant 0 : i32
    return %c0_i32, %arg0, %c0_i32_0 : i32, i32, i32
  }
}

module attributes {stable_mosaic.version = 14 : i64} {
  func.func @body(%arg0: i32, %arg1: memref<2x1000x128xf32, #tpu.memory_space<vmem>>, %arg2: memref<2x1000x128xf32, #tpu.memory_space<vmem>>, %arg3: memref<1000x1xf32, #tpu.memory_space<vmem>>, %arg4: memref<1x256xf32, #tpu.memory_space<vmem>>, %arg5: memref<1000x256xf32, #tpu.memory_space<vmem>>, %arg6: memref<2x256xf32, #tpu.memory_space<vmem>>) attributes {dimension_semantics = [#tpu.dimension_semantics<arbitrary>], iteration_bounds = array<i64: 10>, scalar_prefetch = 0 : i64, scratch_operands = 0 : i64, tpu.core_type = #tpu.core_type<tc>, window_params = [{transform_indices = @transform_0, window_bounds = array<i64: 2, 1000, 128>}, {transform_indices = @transform_1, window_bounds = array<i64: 2, 1000, 128>}, {transform_indices = @transform_2, window_bounds = array<i64: 1000, 1>}, {pipeline_mode = #tpu.pipeline_mode<synchronous>, transform_indices = @transform_3, window_bounds = array<i64: 1, 256>}, {transform_indices = @transform_4, window_bounds = array<i64: 1000, 256>}, {pipeline_mode = #tpu.pipeline_mode<synchronous>, transform_indices = @transform_5, window_bounds = array<i64: 2, 256>}]} {
    %get3A = arith.constant 0 : index
    %get3A_0 = arith.constant 0 : index
    %get3A_1 = vector.load %arg3[%get3A, %get3A_0] : memref<1000x1xf32, #tpu.memory_space<vmem>>, vector<1000x1xf32>
    %get3A_2 = arith.constant 0 : index
    %get3A_3 = arith.constant 0 : index
    %get3A_4 = arith.constant 0 : index
    %get3A_5 = vector.load %arg1[%get3A_2, %get3A_3, %get3A_4] : memref<2x1000x128xf32, #tpu.memory_space<vmem>>, vector<1x1000x128xf32>
    %get3A_6 = vector.shape_cast %get3A_5 : vector<1x1000x128xf32> to vector<1000x128xf32>
    %get3A_7 = arith.constant 0 : index
    %get3A_8 = arith.constant 0 : index
    %get3A_9 = arith.constant 0 : index
    %get3A_10 = vector.load %arg2[%get3A_7, %get3A_8, %get3A_9] : memref<2x1000x128xf32, #tpu.memory_space<vmem>>, vector<1x1000x128xf32>
    %get3A_11 = vector.shape_cast %get3A_10 : vector<1x1000x128xf32> to vector<1000x128xf32>
    %add3A = arith.addf %get3A_6, %get3A_11 : vector<1000x128xf32>
    %get3A_12 = arith.constant 1 : index
    %get3A_13 = arith.constant 0 : index
    %get3A_14 = arith.constant 0 : index
    %get3A_15 = vector.load %arg1[%get3A_12, %get3A_13, %get3A_14] : memref<2x1000x128xf32, #tpu.memory_space<vmem>>, vector<1x1000x128xf32>
    %get3A_16 = vector.shape_cast %get3A_15 : vector<1x1000x128xf32> to vector<1000x128xf32>
    %get3A_17 = arith.constant 1 : index
    %get3A_18 = arith.constant 0 : index
    %get3A_19 = arith.constant 0 : index
    %get3A_20 = vector.load %arg2[%get3A_17, %get3A_18, %get3A_19] : memref<2x1000x128xf32, #tpu.memory_space<vmem>>, vector<1x1000x128xf32>
    %get3A_21 = vector.shape_cast %get3A_20 : vector<1x1000x128xf32> to vector<1000x128xf32>
    %add3A_22 = arith.addf %get3A_16, %get3A_21 : vector<1000x128xf32>
    %concatenate3A = tpu.concatenate %add3A, %add3A_22 in 1 : vector<1000x128xf32>, vector<1000x128xf32> -> vector<1000x256xf32>
    %mul3A = vector.broadcast %get3A_1 : vector<1000x1xf32> to vector<1000x256xf32>
    %mul3A_23 = arith.mulf %mul3A, %concatenate3A : vector<1000x256xf32>
    %get3A_24 = arith.constant 0 : index
    %get3A_25 = arith.constant 0 : index
    %get3A_26 = vector.load %arg4[%get3A_24, %get3A_25] : memref<1x256xf32, #tpu.memory_space<vmem>>, vector<1x256xf32>
    %add3A_27 = vector.broadcast %get3A_26 : vector<1x256xf32> to vector<1000x256xf32>
    %add3A_28 = arith.addf %mul3A_23, %add3A_27 : vector<1000x256xf32>
    %swap3A = arith.constant 0 : index
    %swap3A_29 = arith.constant 0 : index
    %swap3A_30 = vector.load %arg5[%swap3A, %swap3A_29] : memref<1000x256xf32, #tpu.memory_space<vmem>>, vector<1000x256xf32>
    tpu.vector_store %arg5[%swap3A, %swap3A_29], %add3A_28 {strides = array<i32>} : memref<1000x256xf32, #tpu.memory_space<vmem>>, vector<1000x256xf32>,
    %eq3A = arith.constant 0 : i32
    %eq3A_31 = arith.cmpi eq, %arg0, %eq3A : i32
    %convert_element_type3A = arith.extui %eq3A_31 : i1 to i32
    %cond3A = arith.constant 0 : i32
    %cond3A_32 = arith.cmpi ne, %convert_element_type3A, %cond3A : i32
    scf.if %cond3A_32 {
      %broadcast_in_dim3A_52 = arith.constant 0.000000e+00 : f32
      %broadcast_in_dim3A_53 = vector.broadcast %broadcast_in_dim3A_52 : f32 to vector<2x256xf32>
      %swap3A_54 = arith.constant 0 : index
      %swap3A_55 = arith.constant 0 : index
      %swap3A_56 = vector.load %arg6[%swap3A_54, %swap3A_55] : memref<2x256xf32, #tpu.memory_space<vmem>>, vector<2x256xf32>
      tpu.vector_store %arg6[%swap3A_54, %swap3A_55], %broadcast_in_dim3A_53 {strides = array<i32>} : memref<2x256xf32, #tpu.memory_space<vmem>>, vector<2x256xf32>,
    } else {
    }
    %get3A_33 = arith.constant 0 : index
    %get3A_34 = arith.constant 0 : index
    %get3A_35 = vector.load %arg6[%get3A_33, %get3A_34] : memref<2x256xf32, #tpu.memory_space<vmem>>, vector<1x256xf32>
    %reduce_sum3A = arith.constant dense<0.000000e+00> : vector<256xf32>
    %reduce_sum3A_36 = vector.multi_reduction <add>, %add3A_28, %reduce_sum3A [0] : vector<1000x256xf32> to vector<256xf32>
    %broadcast_in_dim3A = vector.shape_cast %reduce_sum3A_36 : vector<256xf32> to vector<1x256xf32>
    %add3A_37 = arith.addf %get3A_35, %broadcast_in_dim3A : vector<1x256xf32>
    %swap3A_38 = arith.constant 0 : index
    %swap3A_39 = arith.constant 0 : index
    %swap3A_40 = vector.load %arg6[%swap3A_38, %swap3A_39] : memref<2x256xf32, #tpu.memory_space<vmem>>, vector<1x256xf32>
    tpu.vector_store %arg6[%swap3A_38, %swap3A_39], %add3A_37 {strides = array<i32>} : memref<2x256xf32, #tpu.memory_space<vmem>>, vector<1x256xf32>,
    %get3A_41 = arith.constant 1 : index
    %get3A_42 = arith.constant 0 : index
    %get3A_43 = vector.load %arg6[%get3A_41, %get3A_42] : memref<2x256xf32, #tpu.memory_space<vmem>>, vector<1x256xf32>
    %mul3A_44 = arith.mulf %add3A_28, %add3A_28 : vector<1000x256xf32>
    %reduce_sum3A_45 = arith.constant dense<0.000000e+00> : vector<256xf32>
    %reduce_sum3A_46 = vector.multi_reduction <add>, %mul3A_44, %reduce_sum3A_45 [0] : vector<1000x256xf32> to vector<256xf32>
    %broadcast_in_dim3A_47 = vector.shape_cast %reduce_sum3A_46 : vector<256xf32> to vector<1x256xf32>
    %add3A_48 = arith.addf %get3A_43, %broadcast_in_dim3A_47 : vector<1x256xf32>
    %swap3A_49 = arith.constant 1 : index
    %swap3A_50 = arith.constant 0 : index
    %swap3A_51 = vector.load %arg6[%swap3A_49, %swap3A_50] : memref<2x256xf32, #tpu.memory_space<vmem>>, vector<1x256xf32>
    tpu.vector_store %arg6[%swap3A_49, %swap3A_50], %add3A_48 {strides = array<i32>} : memref<2x256xf32, #tpu.memory_space<vmem>>, vector<1x256xf32>,
    return
  }
  func.func @transform_0(%arg0: i32) -> (i32, i32, i32) {
    %c0_i32 = arith.constant 0 : i32
    %c0_i32_0 = arith.constant 0 : i32
    %c0_i32_1 = arith.constant 0 : i32
    return %c0_i32, %arg0, %c0_i32_0 : i32, i32, i32
  }
  func.func @transform_1(%arg0: i32) -> (i32, i32, i32) {
    %c0_i32 = arith.constant 0 : i32
    %c0_i32_0 = arith.constant 0 : i32
    %c0_i32_1 = arith.constant 0 : i32
    return %c0_i32, %arg0, %c0_i32_0 : i32, i32, i32
  }
  func.func @transform_2(%arg0: i32) -> (i32, i32) {
    %c0_i32 = arith.constant 0 : i32
    %c0_i32_0 = arith.constant 0 : i32
    return %arg0, %c0_i32 : i32, i32
  }
  func.func @transform_3(%arg0: i32) -> (i32, i32) {
    %c0_i32 = arith.constant 0 : i32
    %c0_i32_0 = arith.constant 0 : i32
    %c0_i32_1 = arith.constant 0 : i32
    return %c0_i32, %c0_i32_0 : i32, i32
  }
  func.func @transform_4(%arg0: i32) -> (i32, i32) {
    %c0_i32 = arith.constant 0 : i32
    %c0_i32_0 = arith.constant 0 : i32
    return %arg0, %c0_i32 : i32, i32
  }
  func.func @transform_5(%arg0: i32) -> (i32, i32) {
    %c0_i32 = arith.constant 0 : i32
    %c0_i32_0 = arith.constant 0 : i32
    %c0_i32_1 = arith.constant 0 : i32
    return %c0_i32, %c0_i32_0 : i32, i32
  }
}

module attributes {stable_mosaic.version = 14 : i64} {
  func.func @body(%arg0: i32, %arg1: memref<1000x256xf32, #tpu.memory_space<vmem>>, %arg2: memref<2x256xf32, #tpu.memory_space<vmem>>, %arg3: memref<1x256xf32, #tpu.memory_space<vmem>>, %arg4: memref<1x256xf32, #tpu.memory_space<vmem>>, %arg5: memref<1x1xf32, #tpu.memory_space<vmem>>, %arg6: memref<1000x1xf32, #tpu.memory_space<vmem>>, %arg7: memref<256x256xf32, #tpu.memory_space<vmem>>, %arg8: memref<2x1000x128xf32, #tpu.memory_space<vmem>>) attributes {dimension_semantics = [#tpu.dimension_semantics<arbitrary>], iteration_bounds = array<i64: 10>, scalar_prefetch = 0 : i64, scratch_operands = 0 : i64, tpu.core_type = #tpu.core_type<tc>, window_params = [{transform_indices = @transform_0, window_bounds = array<i64: 1000, 256>}, {pipeline_mode = #tpu.pipeline_mode<synchronous>, transform_indices = @transform_1, window_bounds = array<i64: 2, 256>}, {pipeline_mode = #tpu.pipeline_mode<synchronous>, transform_indices = @transform_2, window_bounds = array<i64: 1, 256>}, {pipeline_mode = #tpu.pipeline_mode<synchronous>, transform_indices = @transform_3, window_bounds = array<i64: 1, 256>}, {pipeline_mode = #tpu.pipeline_mode<synchronous>, transform_indices = @transform_4, window_bounds = array<i64: 1, 1>}, {transform_indices = @transform_5, window_bounds = array<i64: 1000, 1>}, {pipeline_mode = #tpu.pipeline_mode<synchronous>, transform_indices = @transform_6, window_bounds = array<i64: 256, 256>}, {transform_indices = @transform_7, window_bounds = array<i64: 2, 1000, 128>}]} {
    %get3A = arith.constant 0 : index
    %get3A_0 = arith.constant 0 : index
    %get3A_1 = vector.load %arg1[%get3A, %get3A_0] : memref<1000x256xf32, #tpu.memory_space<vmem>>, vector<1000x256xf32>
    %get3A_2 = arith.constant 0 : index
    %get3A_3 = arith.constant 0 : index
    %get3A_4 = vector.load %arg2[%get3A_2, %get3A_3] : memref<2x256xf32, #tpu.memory_space<vmem>>, vector<1x256xf32>
    %div3A = arith.constant 1.000000e+04 : f32
    %div3A_5 = vector.broadcast %div3A : f32 to vector<1x256xf32>
    %div3A_6 = arith.divf %get3A_4, %div3A_5 : vector<1x256xf32>
    %get3A_7 = arith.constant 1 : index
    %get3A_8 = arith.constant 0 : index
    %get3A_9 = vector.load %arg2[%get3A_7, %get3A_8] : memref<2x256xf32, #tpu.memory_space<vmem>>, vector<1x256xf32>
    %div3A_10 = arith.constant 1.000000e+04 : f32
    %div3A_11 = vector.broadcast %div3A_10 : f32 to vector<1x256xf32>
    %div3A_12 = arith.divf %get3A_9, %div3A_11 : vector<1x256xf32>
    %mul3A = arith.mulf %div3A_6, %div3A_6 : vector<1x256xf32>
    %sub3A = arith.subf %div3A_12, %mul3A : vector<1x256xf32>
    %sub3A_13 = vector.broadcast %div3A_6 : vector<1x256xf32> to vector<1000x256xf32>
    %sub3A_14 = arith.subf %get3A_1, %sub3A_13 : vector<1000x256xf32>
    %add3A = arith.constant 9.99999974E-6 : f32
    %add3A_15 = vector.broadcast %add3A : f32 to vector<1x256xf32>
    %add3A_16 = arith.addf %sub3A, %add3A_15 : vector<1x256xf32>
    %sqrt3A = math.sqrt %add3A_16 : vector<1x256xf32>
    %div3A_17 = vector.broadcast %sqrt3A : vector<1x256xf32> to vector<1000x256xf32>
    %div3A_18 = arith.divf %sub3A_14, %div3A_17 : vector<1000x256xf32>
    %get3A_19 = arith.constant 0 : index
    %get3A_20 = arith.constant 0 : index
    %get3A_21 = vector.load %arg3[%get3A_19, %get3A_20] : memref<1x256xf32, #tpu.memory_space<vmem>>, vector<1x256xf32>
    %mul3A_22 = vector.broadcast %get3A_21 : vector<1x256xf32> to vector<1000x256xf32>
    %mul3A_23 = arith.mulf %div3A_18, %mul3A_22 : vector<1000x256xf32>
    %get3A_24 = arith.constant 0 : index
    %get3A_25 = arith.constant 0 : index
    %get3A_26 = vector.load %arg4[%get3A_24, %get3A_25] : memref<1x256xf32, #tpu.memory_space<vmem>>, vector<1x256xf32>
    %add3A_27 = vector.broadcast %get3A_26 : vector<1x256xf32> to vector<1000x256xf32>
    %add3A_28 = arith.addf %mul3A_23, %add3A_27 : vector<1000x256xf32>
    %get3A_29 = arith.constant 0 : index
    %get3A_30 = arith.constant 0 : index
    %get3A_31 = vector.load %arg5[%get3A_29, %get3A_30] : memref<1x1xf32, #tpu.memory_space<vmem>>, vector<1x1xf32>
    %get3A_32 = vector.extract %get3A_31[0, 0] : f32 from vector<1x1xf32>
    %ge3A = arith.constant 0.000000e+00 : f32
    %ge3A_33 = vector.broadcast %ge3A : f32 to vector<1000x256xf32>
    %ge3A_34 = arith.cmpf oge, %add3A_28, %ge3A_33 : vector<1000x256xf32>
    %mul3A_35 = vector.broadcast %get3A_32 : f32 to vector<1000x256xf32>
    %mul3A_36 = arith.mulf %mul3A_35, %add3A_28 : vector<1000x256xf32>
    %select_n3A = arith.select %ge3A_34, %add3A_28, %mul3A_36 : vector<1000x256xi1>, vector<1000x256xf32>
    %mul3A_37 = arith.mulf %select_n3A, %select_n3A : vector<1000x256xf32>
    %reduce_sum3A = arith.constant dense<0.000000e+00> : vector<1000xf32>
    %reduce_sum3A_38 = vector.multi_reduction <add>, %mul3A_37, %reduce_sum3A [1] : vector<1000x256xf32> to vector<1000xf32>
    %broadcast_in_dim3A = vector.shape_cast %reduce_sum3A_38 : vector<1000xf32> to vector<1000x1xf32>
    %sqrt3A_39 = math.sqrt %broadcast_in_dim3A : vector<1000x1xf32>
    %max3A = arith.constant 9.99999996E-13 : f32
    %max3A_40 = vector.broadcast %max3A : f32 to vector<1000x1xf32>
    %max3A_41 = arith.maximumf %sqrt3A_39, %max3A_40 : vector<1000x1xf32>
    %div3A_42 = vector.broadcast %max3A_41 : vector<1000x1xf32> to vector<1000x256xf32>
    %div3A_43 = arith.divf %select_n3A, %div3A_42 : vector<1000x256xf32>
    %get3A_44 = arith.constant 0 : index
    %get3A_45 = arith.constant 0 : index
    %get3A_46 = vector.load %arg7[%get3A_44, %get3A_45] : memref<256x256xf32, #tpu.memory_space<vmem>>, vector<256x256xf32>
    %dot_general3A = arith.constant dense<0.000000e+00> : vector<1000x256xf32>
    %dot_general3A_47 = tpu.matmul %div3A_43, %get3A_46, %dot_general3A {dimension_numbers = #tpu.dot_dimension_numbers<[1], [0], [0], [1], [0, 0, 1, 1], [], []>, precision = #tpu.contract_precision<fp32>, transpose_lhs_hint = false} : vector<1000x256xf32>, vector<256x256xf32>, vector<1000x256xf32> -> vector<1000x256xf32>
    %get3A_48 = arith.constant 0 : index
    %get3A_49 = arith.constant 0 : index
    %get3A_50 = vector.load %arg6[%get3A_48, %get3A_49] : memref<1000x1xf32, #tpu.memory_space<vmem>>, vector<1000x1xf32>
    %slice3A = vector.extract_strided_slice %dot_general3A_47 {offsets = [0, 0], sizes = [1000, 128], strides = [1, 1]} : vector<1000x256xf32> to vector<1000x128xf32>
    %mul3A_51 = vector.broadcast %get3A_50 : vector<1000x1xf32> to vector<1000x128xf32>
    %mul3A_52 = arith.mulf %mul3A_51, %slice3A : vector<1000x128xf32>
    %swap3A = arith.constant 0 : index
    %swap3A_53 = arith.constant 0 : index
    %swap3A_54 = arith.constant 0 : index
    %swap3A_55 = vector.load %arg8[%swap3A, %swap3A_53, %swap3A_54] : memref<2x1000x128xf32, #tpu.memory_space<vmem>>, vector<1x1000x128xf32>
    %swap3A_56 = vector.shape_cast %swap3A_55 : vector<1x1000x128xf32> to vector<1000x128xf32>
    %swap3A_57 = vector.shape_cast %mul3A_52 : vector<1000x128xf32> to vector<1x1000x128xf32>
    tpu.vector_store %arg8[%swap3A, %swap3A_53, %swap3A_54], %swap3A_57 {strides = array<i32>} : memref<2x1000x128xf32, #tpu.memory_space<vmem>>, vector<1x1000x128xf32>,
    %slice3A_58 = vector.extract_strided_slice %dot_general3A_47 {offsets = [0, 128], sizes = [1000, 128], strides = [1, 1]} : vector<1000x256xf32> to vector<1000x128xf32>
    %mul3A_59 = vector.broadcast %get3A_50 : vector<1000x1xf32> to vector<1000x128xf32>
    %mul3A_60 = arith.mulf %mul3A_59, %slice3A_58 : vector<1000x128xf32>
    %swap3A_61 = arith.constant 1 : index
    %swap3A_62 = arith.constant 0 : index
    %swap3A_63 = arith.constant 0 : index
    %swap3A_64 = vector.load %arg8[%swap3A_61, %swap3A_62, %swap3A_63] : memref<2x1000x128xf32, #tpu.memory_space<vmem>>, vector<1x1000x128xf32>
    %swap3A_65 = vector.shape_cast %swap3A_64 : vector<1x1000x128xf32> to vector<1000x128xf32>
    %swap3A_66 = vector.shape_cast %mul3A_60 : vector<1000x128xf32> to vector<1x1000x128xf32>
    tpu.vector_store %arg8[%swap3A_61, %swap3A_62, %swap3A_63], %swap3A_66 {strides = array<i32>} : memref<2x1000x128xf32, #tpu.memory_space<vmem>>, vector<1x1000x128xf32>,
    return
  }
  func.func @transform_0(%arg0: i32) -> (i32, i32) {
    %c0_i32 = arith.constant 0 : i32
    %c0_i32_0 = arith.constant 0 : i32
    return %arg0, %c0_i32 : i32, i32
  }
  func.func @transform_1(%arg0: i32) -> (i32, i32) {
    %c0_i32 = arith.constant 0 : i32
    %c0_i32_0 = arith.constant 0 : i32
    %c0_i32_1 = arith.constant 0 : i32
    return %c0_i32, %c0_i32_0 : i32, i32
  }
  func.func @transform_2(%arg0: i32) -> (i32, i32) {
    %c0_i32 = arith.constant 0 : i32
    %c0_i32_0 = arith.constant 0 : i32
    %c0_i32_1 = arith.constant 0 : i32
    return %c0_i32, %c0_i32_0 : i32, i32
  }
  func.func @transform_3(%arg0: i32) -> (i32, i32) {
    %c0_i32 = arith.constant 0 : i32
    %c0_i32_0 = arith.constant 0 : i32
    %c0_i32_1 = arith.constant 0 : i32
    return %c0_i32, %c0_i32_0 : i32, i32
  }
  func.func @transform_4(%arg0: i32) -> (i32, i32) {
    %c0_i32 = arith.constant 0 : i32
    %c0_i32_0 = arith.constant 0 : i32
    %c0_i32_1 = arith.constant 0 : i32
    return %c0_i32, %c0_i32_0 : i32, i32
  }
  func.func @transform_5(%arg0: i32) -> (i32, i32) {
    %c0_i32 = arith.constant 0 : i32
    %c0_i32_0 = arith.constant 0 : i32
    return %arg0, %c0_i32 : i32, i32
  }
  func.func @transform_6(%arg0: i32) -> (i32, i32) {
    %c0_i32 = arith.constant 0 : i32
    %c0_i32_0 = arith.constant 0 : i32
    %c0_i32_1 = arith.constant 0 : i32
    return %c0_i32, %c0_i32_0 : i32, i32
  }
  func.func @transform_7(%arg0: i32) -> (i32, i32, i32) {
    %c0_i32 = arith.constant 0 : i32
    %c0_i32_0 = arith.constant 0 : i32
    %c0_i32_1 = arith.constant 0 : i32
    return %c0_i32, %arg0, %c0_i32_0 : i32, i32, i32
  }
}

module attributes {stable_mosaic.version = 14 : i64} {
  func.func @body(%arg0: i32, %arg1: memref<1000x256xf32, #tpu.memory_space<vmem>>, %arg2: memref<2x256xf32, #tpu.memory_space<vmem>>, %arg3: memref<1x256xf32, #tpu.memory_space<vmem>>, %arg4: memref<1x256xf32, #tpu.memory_space<vmem>>, %arg5: memref<1x1xf32, #tpu.memory_space<vmem>>, %arg6: memref<1000x1xi32, #tpu.memory_space<vmem>>, %arg7: memref<256x128xf32, #tpu.memory_space<vmem>>, %arg8: memref<1x128xf32, #tpu.memory_space<vmem>>, %arg9: memref<128x1xf32, #tpu.memory_space<vmem>>, %arg10: memref<1x1xf32, #tpu.memory_space<vmem>>, %arg11: memref<64x1xf32, #tpu.memory_space<vmem>>, %arg12: memref<64x256xf32, #tpu.memory_space<vmem>>, %arg13: memref<64x1xf32, #tpu.memory_space<vmem>>) attributes {dimension_semantics = [#tpu.dimension_semantics<arbitrary>], iteration_bounds = array<i64: 10>, scalar_prefetch = 0 : i64, scratch_operands = 2 : i64, tpu.core_type = #tpu.core_type<tc>, window_params = [{transform_indices = @transform_0, window_bounds = array<i64: 1000, 256>}, {pipeline_mode = #tpu.pipeline_mode<synchronous>, transform_indices = @transform_1, window_bounds = array<i64: 2, 256>}, {pipeline_mode = #tpu.pipeline_mode<synchronous>, transform_indices = @transform_2, window_bounds = array<i64: 1, 256>}, {pipeline_mode = #tpu.pipeline_mode<synchronous>, transform_indices = @transform_3, window_bounds = array<i64: 1, 256>}, {pipeline_mode = #tpu.pipeline_mode<synchronous>, transform_indices = @transform_4, window_bounds = array<i64: 1, 1>}, {transform_indices = @transform_5, window_bounds = array<i64: 1000, 1>}, {pipeline_mode = #tpu.pipeline_mode<synchronous>, transform_indices = @transform_6, window_bounds = array<i64: 256, 128>}, {pipeline_mode = #tpu.pipeline_mode<synchronous>, transform_indices = @transform_7, window_bounds = array<i64: 1, 128>}, {pipeline_mode = #tpu.pipeline_mode<synchronous>, transform_indices = @transform_8, window_bounds = array<i64: 128, 1>}, {pipeline_mode = #tpu.pipeline_mode<synchronous>, transform_indices = @transform_9, window_bounds = array<i64: 1, 1>}, {pipeline_mode = #tpu.pipeline_mode<synchronous>, transform_indices = @transform_10, window_bounds = array<i64: 64, 1>}]} {
    %get3A = arith.constant 0 : index
    %get3A_0 = arith.constant 0 : index
    %get3A_1 = vector.load %arg1[%get3A, %get3A_0] : memref<1000x256xf32, #tpu.memory_space<vmem>>, vector<1000x256xf32>
    %get3A_2 = arith.constant 0 : index
    %get3A_3 = arith.constant 0 : index
    %get3A_4 = vector.load %arg2[%get3A_2, %get3A_3] : memref<2x256xf32, #tpu.memory_space<vmem>>, vector<1x256xf32>
    %div3A = arith.constant 1.000000e+04 : f32
    %div3A_5 = vector.broadcast %div3A : f32 to vector<1x256xf32>
    %div3A_6 = arith.divf %get3A_4, %div3A_5 : vector<1x256xf32>
    %get3A_7 = arith.constant 1 : index
    %get3A_8 = arith.constant 0 : index
    %get3A_9 = vector.load %arg2[%get3A_7, %get3A_8] : memref<2x256xf32, #tpu.memory_space<vmem>>, vector<1x256xf32>
    %div3A_10 = arith.constant 1.000000e+04 : f32
    %div3A_11 = vector.broadcast %div3A_10 : f32 to vector<1x256xf32>
    %div3A_12 = arith.divf %get3A_9, %div3A_11 : vector<1x256xf32>
    %mul3A = arith.mulf %div3A_6, %div3A_6 : vector<1x256xf32>
    %sub3A = arith.subf %div3A_12, %mul3A : vector<1x256xf32>
    %sub3A_13 = vector.broadcast %div3A_6 : vector<1x256xf32> to vector<1000x256xf32>
    %sub3A_14 = arith.subf %get3A_1, %sub3A_13 : vector<1000x256xf32>
    %add3A = arith.constant 9.99999974E-6 : f32
    %add3A_15 = vector.broadcast %add3A : f32 to vector<1x256xf32>
    %add3A_16 = arith.addf %sub3A, %add3A_15 : vector<1x256xf32>
    %sqrt3A = math.sqrt %add3A_16 : vector<1x256xf32>
    %div3A_17 = vector.broadcast %sqrt3A : vector<1x256xf32> to vector<1000x256xf32>
    %div3A_18 = arith.divf %sub3A_14, %div3A_17 : vector<1000x256xf32>
    %get3A_19 = arith.constant 0 : index
    %get3A_20 = arith.constant 0 : index
    %get3A_21 = vector.load %arg3[%get3A_19, %get3A_20] : memref<1x256xf32, #tpu.memory_space<vmem>>, vector<1x256xf32>
    %mul3A_22 = vector.broadcast %get3A_21 : vector<1x256xf32> to vector<1000x256xf32>
    %mul3A_23 = arith.mulf %div3A_18, %mul3A_22 : vector<1000x256xf32>
    %get3A_24 = arith.constant 0 : index
    %get3A_25 = arith.constant 0 : index
    %get3A_26 = vector.load %arg4[%get3A_24, %get3A_25] : memref<1x256xf32, #tpu.memory_space<vmem>>, vector<1x256xf32>
    %add3A_27 = vector.broadcast %get3A_26 : vector<1x256xf32> to vector<1000x256xf32>
    %add3A_28 = arith.addf %mul3A_23, %add3A_27 : vector<1000x256xf32>
    %get3A_29 = arith.constant 0 : index
    %get3A_30 = arith.constant 0 : index
    %get3A_31 = vector.load %arg5[%get3A_29, %get3A_30] : memref<1x1xf32, #tpu.memory_space<vmem>>, vector<1x1xf32>
    %get3A_32 = vector.extract %get3A_31[0, 0] : f32 from vector<1x1xf32>
    %ge3A = arith.constant 0.000000e+00 : f32
    %ge3A_33 = vector.broadcast %ge3A : f32 to vector<1000x256xf32>
    %ge3A_34 = arith.cmpf oge, %add3A_28, %ge3A_33 : vector<1000x256xf32>
    %mul3A_35 = vector.broadcast %get3A_32 : f32 to vector<1000x256xf32>
    %mul3A_36 = arith.mulf %mul3A_35, %add3A_28 : vector<1000x256xf32>
    %select_n3A = arith.select %ge3A_34, %add3A_28, %mul3A_36 : vector<1000x256xi1>, vector<1000x256xf32>
    %mul3A_37 = arith.mulf %select_n3A, %select_n3A : vector<1000x256xf32>
    %reduce_sum3A = arith.constant dense<0.000000e+00> : vector<1000xf32>
    %reduce_sum3A_38 = vector.multi_reduction <add>, %mul3A_37, %reduce_sum3A [1] : vector<1000x256xf32> to vector<1000xf32>
    %broadcast_in_dim3A = vector.shape_cast %reduce_sum3A_38 : vector<1000xf32> to vector<1000x1xf32>
    %sqrt3A_39 = math.sqrt %broadcast_in_dim3A : vector<1000x1xf32>
    %max3A = arith.constant 9.99999996E-13 : f32
    %max3A_40 = vector.broadcast %max3A : f32 to vector<1000x1xf32>
    %max3A_41 = arith.maximumf %sqrt3A_39, %max3A_40 : vector<1000x1xf32>
    %div3A_42 = vector.broadcast %max3A_41 : vector<1000x1xf32> to vector<1000x256xf32>
    %div3A_43 = arith.divf %select_n3A, %div3A_42 : vector<1000x256xf32>
    %iota3A = tpu.iota {dimensions = array<i32: 1>} : vector<1000x64xi32>
    %get3A_44 = arith.constant 0 : index
    %get3A_45 = arith.constant 0 : index
    %get3A_46 = vector.load %arg6[%get3A_44, %get3A_45] : memref<1000x1xi32, #tpu.memory_space<vmem>>, vector<1000x1xi32>
    %eq3A = vector.broadcast %get3A_46 : vector<1000x1xi32> to vector<1000x64xi32>
    %eq3A_47 = arith.cmpi eq, %iota3A, %eq3A : vector<1000x64xi32>
    %convert_element_type3A = arith.extui %eq3A_47 : vector<1000x64xi1> to vector<1000x64xi32>
    %convert_element_type3A_48 = arith.sitofp %convert_element_type3A : vector<1000x64xi32> to vector<1000x64xf32>
    %eq3A_49 = arith.constant 0 : i32
    %eq3A_50 = arith.cmpi eq, %arg0, %eq3A_49 : i32
    %convert_element_type3A_51 = arith.extui %eq3A_50 : i1 to i32
    %cond3A = arith.constant 0 : i32
    %cond3A_52 = arith.cmpi ne, %convert_element_type3A_51, %cond3A : i32
    scf.if %cond3A_52 {
      %broadcast_in_dim3A_76 = arith.constant 0.000000e+00 : f32
      %broadcast_in_dim3A_77 = vector.broadcast %broadcast_in_dim3A_76 : f32 to vector<64x256xf32>
      %swap3A_78 = arith.constant 0 : index
      %swap3A_79 = arith.constant 0 : index
      %swap3A_80 = vector.load %arg12[%swap3A_78, %swap3A_79] : memref<64x256xf32, #tpu.memory_space<vmem>>, vector<64x256xf32>
      tpu.vector_store %arg12[%swap3A_78, %swap3A_79], %broadcast_in_dim3A_77 {strides = array<i32>} : memref<64x256xf32, #tpu.memory_space<vmem>>, vector<64x256xf32>,
      %broadcast_in_dim3A_81 = arith.constant 0.000000e+00 : f32
      %broadcast_in_dim3A_82 = vector.broadcast %broadcast_in_dim3A_81 : f32 to vector<64x1xf32>
      %swap3A_83 = arith.constant 0 : index
      %swap3A_84 = arith.constant 0 : index
      %swap3A_85 = vector.load %arg13[%swap3A_83, %swap3A_84] : memref<64x1xf32, #tpu.memory_space<vmem>>, vector<64x1xf32>
      tpu.vector_store %arg13[%swap3A_83, %swap3A_84], %broadcast_in_dim3A_82 {strides = array<i32>} : memref<64x1xf32, #tpu.memory_space<vmem>>, vector<64x1xf32>,
    } else {
    }
    %get3A_53 = arith.constant 0 : index
    %get3A_54 = arith.constant 0 : index
    %get3A_55 = vector.load %arg12[%get3A_53, %get3A_54] : memref<64x256xf32, #tpu.memory_space<vmem>>, vector<64x256xf32>
    %dot_general3A = arith.constant dense<0.000000e+00> : vector<64x256xf32>
    %dot_general3A_56 = tpu.matmul %convert_element_type3A_48, %div3A_43, %dot_general3A {dimension_numbers = #tpu.dot_dimension_numbers<[0], [0], [1], [1], [0, 1, 1, 1], [], []>, precision = #tpu.contract_precision<fp32>, transpose_lhs_hint = false} : vector<1000x64xf32>, vector<1000x256xf32>, vector<64x256xf32> -> vector<64x256xf32>
    %add3A_57 = arith.addf %get3A_55, %dot_general3A_56 : vector<64x256xf32>
    %swap3A = arith.constant 0 : index
    %swap3A_58 = arith.constant 0 : index
    %swap3A_59 = vector.load %arg12[%swap3A, %swap3A_58] : memref<64x256xf32, #tpu.memory_space<vmem>>, vector<64x256xf32>
    tpu.vector_store %arg12[%swap3A, %swap3A_58], %add3A_57 {strides = array<i32>} : memref<64x256xf32, #tpu.memory_space<vmem>>, vector<64x256xf32>,
    %get3A_60 = arith.constant 0 : index
    %get3A_61 = arith.constant 0 : index
    %get3A_62 = vector.load %arg13[%get3A_60, %get3A_61] : memref<64x1xf32, #tpu.memory_space<vmem>>, vector<64x1xf32>
    %broadcast_in_dim3A_63 = arith.constant 1.000000e+00 : f32
    %broadcast_in_dim3A_64 = vector.broadcast %broadcast_in_dim3A_63 : f32 to vector<1000x1xf32>
    %dot_general3A_65 = arith.constant dense<0.000000e+00> : vector<64x1xf32>
    %dot_general3A_66 = tpu.matmul %convert_element_type3A_48, %broadcast_in_dim3A_64, %dot_general3A_65 {dimension_numbers = #tpu.dot_dimension_numbers<[0], [0], [1], [1], [0, 1, 1, 1], [], []>, precision = #tpu.contract_precision<fp32>, transpose_lhs_hint = false} : vector<1000x64xf32>, vector<1000x1xf32>, vector<64x1xf32> -> vector<64x1xf32>
    %add3A_67 = arith.addf %get3A_62, %dot_general3A_66 : vector<64x1xf32>
    %swap3A_68 = arith.constant 0 : index
    %swap3A_69 = arith.constant 0 : index
    %swap3A_70 = vector.load %arg13[%swap3A_68, %swap3A_69] : memref<64x1xf32, #tpu.memory_space<vmem>>, vector<64x1xf32>
    tpu.vector_store %arg13[%swap3A_68, %swap3A_69], %add3A_67 {strides = array<i32>} : memref<64x1xf32, #tpu.memory_space<vmem>>, vector<64x1xf32>,
    %eq3A_71 = arith.constant 9 : i32
    %eq3A_72 = arith.cmpi eq, %arg0, %eq3A_71 : i32
    %convert_element_type3A_73 = arith.extui %eq3A_72 : i1 to i32
    %cond3A_74 = arith.constant 0 : i32
    %cond3A_75 = arith.cmpi ne, %convert_element_type3A_73, %cond3A_74 : i32
    scf.if %cond3A_75 {
      %get3A_76 = arith.constant 0 : index
      %get3A_77 = arith.constant 0 : index
      %get3A_78 = vector.load %arg12[%get3A_76, %get3A_77] : memref<64x256xf32, #tpu.memory_space<vmem>>, vector<64x256xf32>
      %get3A_79 = arith.constant 0 : index
      %get3A_80 = arith.constant 0 : index
      %get3A_81 = vector.load %arg13[%get3A_79, %get3A_80] : memref<64x1xf32, #tpu.memory_space<vmem>>, vector<64x1xf32>
      %max3A_82 = arith.constant 1.000000e+00 : f32
      %max3A_83 = vector.broadcast %max3A_82 : f32 to vector<64x1xf32>
      %max3A_84 = arith.maximumf %get3A_81, %max3A_83 : vector<64x1xf32>
      %div3A_85 = vector.broadcast %max3A_84 : vector<64x1xf32> to vector<64x256xf32>
      %div3A_86 = arith.divf %get3A_78, %div3A_85 : vector<64x256xf32>
      %get3A_87 = arith.constant 0 : index
      %get3A_88 = arith.constant 0 : index
      %get3A_89 = vector.load %arg7[%get3A_87, %get3A_88] : memref<256x128xf32, #tpu.memory_space<vmem>>, vector<256x128xf32>
      %dot_general3A_90 = arith.constant dense<0.000000e+00> : vector<64x128xf32>
      %dot_general3A_91 = tpu.matmul %div3A_86, %get3A_89, %dot_general3A_90 {dimension_numbers = #tpu.dot_dimension_numbers<[1], [0], [0], [1], [0, 0, 1, 1], [], []>, precision = #tpu.contract_precision<fp32>, transpose_lhs_hint = false} : vector<64x256xf32>, vector<256x128xf32>, vector<64x128xf32> -> vector<64x128xf32>
      %get3A_92 = arith.constant 0 : index
      %get3A_93 = arith.constant 0 : index
      %get3A_94 = vector.load %arg8[%get3A_92, %get3A_93] : memref<1x128xf32, #tpu.memory_space<vmem>>, vector<1x128xf32>
      %add3A_95 = vector.broadcast %get3A_94 : vector<1x128xf32> to vector<64x128xf32>
      %add3A_96 = arith.addf %dot_general3A_91, %add3A_95 : vector<64x128xf32>
      %max3A_97 = arith.constant 0.000000e+00 : f32
      %max3A_98 = vector.broadcast %max3A_97 : f32 to vector<64x128xf32>
      %max3A_99 = arith.maximumf %add3A_96, %max3A_98 : vector<64x128xf32>
      %get3A_100 = arith.constant 0 : index
      %get3A_101 = arith.constant 0 : index
      %get3A_102 = vector.load %arg9[%get3A_100, %get3A_101] : memref<128x1xf32, #tpu.memory_space<vmem>>, vector<128x1xf32>
      %dot_general3A_103 = arith.constant dense<0.000000e+00> : vector<64x1xf32>
      %dot_general3A_104 = tpu.matmul %max3A_99, %get3A_102, %dot_general3A_103 {dimension_numbers = #tpu.dot_dimension_numbers<[1], [0], [0], [1], [0, 0, 1, 1], [], []>, precision = #tpu.contract_precision<fp32>, transpose_lhs_hint = false} : vector<64x128xf32>, vector<128x1xf32>, vector<64x1xf32> -> vector<64x1xf32>
      %get3A_105 = arith.constant 0 : index
      %get3A_106 = arith.constant 0 : index
      %get3A_107 = vector.load %arg10[%get3A_105, %get3A_106] : memref<1x1xf32, #tpu.memory_space<vmem>>, vector<1x1xf32>
      %add3A_108 = vector.broadcast %get3A_107 : vector<1x1xf32> to vector<64x1xf32>
      %add3A_109 = arith.addf %dot_general3A_104, %add3A_108 : vector<64x1xf32>
      %swap3A_110 = arith.constant 0 : index
      %swap3A_111 = arith.constant 0 : index
      %swap3A_112 = vector.load %arg11[%swap3A_110, %swap3A_111] : memref<64x1xf32, #tpu.memory_space<vmem>>, vector<64x1xf32>
      tpu.vector_store %arg11[%swap3A_110, %swap3A_111], %add3A_109 {strides = array<i32>} : memref<64x1xf32, #tpu.memory_space<vmem>>, vector<64x1xf32>,
    } else {
    }
    return
  }
  func.func @transform_0(%arg0: i32) -> (i32, i32) {
    %c0_i32 = arith.constant 0 : i32
    %c0_i32_0 = arith.constant 0 : i32
    return %arg0, %c0_i32 : i32, i32
  }
  func.func @transform_1(%arg0: i32) -> (i32, i32) {
    %c0_i32 = arith.constant 0 : i32
    %c0_i32_0 = arith.constant 0 : i32
    %c0_i32_1 = arith.constant 0 : i32
    return %c0_i32, %c0_i32_0 : i32, i32
  }
  func.func @transform_2(%arg0: i32) -> (i32, i32) {
    %c0_i32 = arith.constant 0 : i32
    %c0_i32_0 = arith.constant 0 : i32
    %c0_i32_1 = arith.constant 0 : i32
    return %c0_i32, %c0_i32_0 : i32, i32
  }
  func.func @transform_3(%arg0: i32) -> (i32, i32) {
    %c0_i32 = arith.constant 0 : i32
    %c0_i32_0 = arith.constant 0 : i32
    %c0_i32_1 = arith.constant 0 : i32
    return %c0_i32, %c0_i32_0 : i32, i32
  }
  func.func @transform_4(%arg0: i32) -> (i32, i32) {
    %c0_i32 = arith.constant 0 : i32
    %c0_i32_0 = arith.constant 0 : i32
    %c0_i32_1 = arith.constant 0 : i32
    return %c0_i32, %c0_i32_0 : i32, i32
  }
  func.func @transform_5(%arg0: i32) -> (i32, i32) {
    %c0_i32 = arith.constant 0 : i32
    %c0_i32_0 = arith.constant 0 : i32
    return %arg0, %c0_i32 : i32, i32
  }
  func.func @transform_6(%arg0: i32) -> (i32, i32) {
    %c0_i32 = arith.constant 0 : i32
    %c0_i32_0 = arith.constant 0 : i32
    %c0_i32_1 = arith.constant 0 : i32
    return %c0_i32, %c0_i32_0 : i32, i32
  }
  func.func @transform_7(%arg0: i32) -> (i32, i32) {
    %c0_i32 = arith.constant 0 : i32
    %c0_i32_0 = arith.constant 0 : i32
    %c0_i32_1 = arith.constant 0 : i32
    return %c0_i32, %c0_i32_0 : i32, i32
  }
  func.func @transform_8(%arg0: i32) -> (i32, i32) {
    %c0_i32 = arith.constant 0 : i32
    %c0_i32_0 = arith.constant 0 : i32
    %c0_i32_1 = arith.constant 0 : i32
    return %c0_i32, %c0_i32_0 : i32, i32
  }
  func.func @transform_9(%arg0: i32) -> (i32, i32) {
    %c0_i32 = arith.constant 0 : i32
    %c0_i32_0 = arith.constant 0 : i32
    %c0_i32_1 = arith.constant 0 : i32
    return %c0_i32, %c0_i32_0 : i32, i32
  }
  func.func @transform_10(%arg0: i32) -> (i32, i32) {
    %c0_i32 = arith.constant 0 : i32
    %c0_i32_0 = arith.constant 0 : i32
    %c0_i32_1 = arith.constant 0 : i32
    return %c0_i32, %c0_i32_0 : i32, i32
  }
}

</mosaic_0001>

<sc_bundles>
// kernel: gather_offload_async_start.1
scs
__scs_entry_jumppad:
0x0: {  	(pc) =	sbr.rel $0x88, $3  }
0x1: {  	(tag) =	ssettag $0x0;
	lr =	simm.s32 $0x1  }
0x2: {  	[smem:$0x3F90] =	sst lr;
	_ =	strace $0xD0000000  }
0x3: {  	_ = 	snop  }
0x4: {  	_ = 	snop  }
0x5: {  	_ = 	snop  }
0x6: {  	_ = 	snop  }
0x7: {  	_ = 	snop  }
__scs_overlays_trampoline_lowered:
0x8: {  	[smem:$0x3F9F] =	sst s0  }
0x9: {  	[smem:$0x3FA0] =	sst s1  }
0xa: {  	[smem:$0x3FA1] =	sst s2  }
0xb: {  	[smem:$0x3FA2] =	sst s3  }
0xc: {  	[smem:$0x3FA3] =	sst s4  }
0xd: {  	[smem:$0x3FA4] =	sst s5  }
0xe: {  	[smem:$0x3FA5] =	sst s6  }
0xf: {  	[smem:$0x3FA6] =	sst s7  }
0x10: {  	[smem:$0x3FA7] =	sst s8  }
0x11: {  	[smem:$0x3FA8] =	sst s9;
	s0 =	simm.s32 @!p0 $0x0  }
0x12: {  	s1 =	sld [smem:$0x3F8E];
	s0 =	simm.s32 @p0 $0x1  }
0x13: {  	[smem:$0x3FA9] =	sst s0;
	s0 =	simm.s32 @!p1 $0x0  }
0x14: {  	s2 =	sld [smem:$0x3F8D];
	s0 =	simm.s32 @p1 $0x1  }
0x15: {  	[smem:$0x3FAA] =	sst s0;
	s0 =	simm.s32 @!p2 $0x0  }
0x16: {  	s3 =	sld [smem:$0x3FDB];
	s0 =	simm.s32 @p2 $0x1  }
0x17: {  	s4 =	simm.s32 $0x1BF5;
	[smem:$0x3FAC] =	sst s0  }
0x18: {  	s0 =	sld [smem:$0x3F8F];
	_ =	swait.ge [sflag:s4], $0x0  }
0x19: {  	s7 =	sld [smem:$0x3F90]  }
0x1a: {  	s8 =	sadd.s32 $0xFFFFE003, lr  }
0x1b: {  	s9 =	sadd.s32 $0xFFFFFEF7, lr;
	s5 =	simm.s32 $0xFFFFFFFF;
	p2 =	slt.u32 s8, $0xFFFFF086  }
0x1c: {  	p1 =	slt.u32 s9, $0xF7A;
	s5 =	simm.s32 @!p2 $0x0  }
0x1d: {  	s5 =	simm.s32 @p1 $0x1;
	p0 =	seq.s32 s7, s2  }
0x1e: {  	s7 =	smul.u32 @!p0 $0xF7A, s2;
	p2 =	seq.s32 @!p0 s5, $0x0  }
0x1f: {  	s9 =	smul.u32 $0xF7A, s1;
	s8 =	simm.s32 @!p0 $0x1BF5;
	p2 =	por !p2, p0  }
0x20: {  	[sflag:s8] =	ssyncset.s32 @!p0 $0xFFFFF086;
	s6 =	sadd.s32 @!p0 s3, s7;
	s7 =	simm.s32 @!p0 $0x108  }
0x21: {  	s3 =	sadd.s32 s3, s9;
	s6 =	sadd.s32 @!p0 $0x88, s6;
	s7 =	simm.s32 @p2 $0x1082  }
0x22: {  	[simem:s7], [sflag:s8] =	dma.local @!p0 [hbm:s6], $0xF7A  }
0x23: {  	s9 =	sor.u32 $0xD0000000, s2;
	s6 =	simm.s32 $0x108;
	_ =	swait.ge @!p0 [sflag:s8], $0x0  }
0x24: {  	s3 =	sadd.s32 $0x88, s3;
	s6 =	simm.s32 @!p1 $0x1082;
	[sflag:s4] =	ssyncset.s32 $0xFFFFF086  }
0x25: {  	[simem:s6], [sflag:s4] =	dma.local [hbm:s3], $0xF7A  }
0x26: {  	[smem:$0x3F90] =	sst s1;
	(tag) =	ssettag s2;
	_ =	strace s9  }
0x27: {  	s1 =	sld [smem:$0x3FA0]  }
0x28: {  	s2 =	sld [smem:$0x3FA1]  }
0x29: {  	s4 =	sld [smem:$0x3FA3]  }
0x2a: {  	p0 =	seq.s32 s5, $0x0;
	s5 =	sld [smem:$0x3FA4]  }
0x2b: {  	s6 =	sld [smem:$0x3FA5]  }
0x2c: {  	s7 =	sld [smem:$0x3FA6]  }
0x2d: {  	s3 =	simm.s32 $0x108;
	s8 =	sld [smem:$0x3FA7]  }
0x2e: {  	s3 =	simm.s32 @!p0 $0x1082;
	s9 =	sld [smem:$0x3FA8]  }
0x2f: {  	lr =	sadd.s32 s0, s3;
	s0 =	sld [smem:$0x3F9F]  }
0x30: {  	s3 =	sld [smem:$0x3FA2]  }
0x31: {  	[smem:$0x3FAB] =	sst s10  }
0x32: {  	s10 =	sld [smem:$0x3FA9];
	_ =	sdelay $0x3  }
0x33: {  	p0 =	seq.s32 s10, $0x1;
	s10 =	sld [smem:$0x3FAB];
	_ =	sdelay $0x3  }
0x34: {  	[smem:$0x3FAB] =	sst s10  }
0x35: {  	s10 =	sld [smem:$0x3FAA];
	_ =	sdelay $0x3  }
0x36: {  	p1 =	seq.s32 s10, $0x1;
	s10 =	sld [smem:$0x3FAB];
	_ =	sdelay $0x3  }
0x37: {  	[smem:$0x3FAB] =	sst s10  }
0x38: {  	s10 =	sld [smem:$0x3FAC]  }
0x39: {  	_ = 	snop;
	(pc) =	sbr.ind lr, $3  }
0x3a: {  	_ = 	snop  }
0x3b: {  	_ = 	snop  }
0x3c: {  	p2 =	seq.s32 s10, $0x1;
	s10 =	sld [smem:$0x3FAB]  }
0x3d: {  	_ =	shalt  }
0x3e: {  	_ =	shalt  }
0x3f: {  	_ =	shalt  }
0x40: {  	_ =	shalt  }
0x41: {  	_ =	shalt  }
0x42: {  	_ =	shalt  }
0x43: {  	_ =	shalt  }
0x44: {  	_ =	shalt  }
0x45: {  	_ =	shalt  }
0x46: {  	_ =	shalt  }
0x47: {  	_ =	shalt  }
0x48: {  	_ =	shalt  }
0x49: {  	_ =	shalt  }
0x4a: {  	_ =	shalt  }
0x4b: {  	_ =	shalt  }
0x4c: {  	_ =	shalt  }
0x4d: {  	_ =	shalt  }
0x4e: {  	_ =	shalt  }
0x4f: {  	_ =	shalt  }
0x50: {  	_ =	shalt  }
0x51: {  	_ =	shalt  }
0x52: {  	_ =	shalt  }
0x53: {  	_ =	shalt  }
0x54: {  	_ =	shalt  }
0x55: {  	_ =	shalt  }
0x56: {  	_ =	shalt  }
0x57: {  	_ =	shalt  }
0x58: {  	_ =	shalt  }
0x59: {  	_ =	shalt  }
0x5a: {  	_ =	shalt  }
0x5b: {  	_ =	shalt  }
0x5c: {  	_ =	shalt  }
0x5d: {  	_ =	shalt  }
0x5e: {  	_ =	shalt  }
0x5f: {  	_ =	shalt  }
0x60: {  	_ =	shalt  }
0x61: {  	_ =	shalt  }
0x62: {  	_ =	shalt  }
0x63: {  	_ =	shalt  }
0x64: {  	_ =	shalt  }
0x65: {  	_ =	shalt  }
0x66: {  	_ =	shalt  }
0x67: {  	_ =	shalt  }
0x68: {  	_ =	shalt  }
0x69: {  	_ =	shalt  }
0x6a: {  	_ =	shalt  }
0x6b: {  	_ =	shalt  }
0x6c: {  	_ =	shalt  }
0x6d: {  	_ =	shalt  }
0x6e: {  	_ =	shalt  }
0x6f: {  	_ =	shalt  }
0x70: {  	_ =	shalt  }
0x71: {  	_ =	shalt  }
0x72: {  	_ =	shalt  }
0x73: {  	_ =	shalt  }
0x74: {  	_ =	shalt  }
0x75: {  	_ =	shalt  }
0x76: {  	_ =	shalt  }
0x77: {  	_ =	shalt  }
0x78: {  	_ =	shalt  }
0x79: {  	_ =	shalt  }
0x7a: {  	_ =	shalt  }
0x7b: {  	_ =	shalt  }
0x7c: {  	_ =	shalt  }
0x7d: {  	_ =	shalt  }
0x7e: {  	_ =	shalt  }
0x7f: {  	_ =	shalt  }
0x80: {  	_ =	shalt  }
0x81: {  	_ =	shalt  }
0x82: {  	_ =	shalt  }
0x83: {  	_ =	shalt  }
0x84: {  	_ =	shalt  }
0x85: {  	_ =	shalt  }
0x86: {  	_ =	shalt  }
0x87: {  	_ =	shalt  }
.Lfunc_end0:
.L_simem_size_0:
called_computation.1_lowered:
.L_overlay_start_0:
0x88: {  	s2 =	sld [smem:$0x3FD9]  }
0x89: {  	s3 =	sld [smem:$0x3FFE];
	_ =	sdelay $0x1  }
0x8a: {  	s1 =	srdreg.scid  }
0x8b: {  	s0 =	sand.u32 $0x1, s1  }
0x8c: {  	s17 =	sshll.u32 s0, $0xA;
	s2 =	sadd.s32 s3, s2  }
0x8d: {  	s2 =	sadd.s32 s2, s17  }
0x8e: {  	[smem:$0x3FB7] =	sst s2  }
0x8f: {  	_ = 	snop  }
0x90: {  	(tm) =	ssettm $0x1  }
0x91: {  	s18 =	sld [smem:$0x3FFB];
	_ =	sdelay $0x3  }
0x92: {  	_ =	strace s18  }
0x93: {  	s2 =	sld [smem:$0x3FFC];
	_ =	sdelay $0x3  }
0x94: {  	_ =	strace s2  }
0x95: {  	s2 =	sld [smem:$0x3FFD];
	_ =	sdelay $0x3  }
0x96: {  	_ =	strace s2  }
0x97: {  	_ =	strace $0x8FFFFFFF  }
0x98: {  	s19 =	sld [smem:$0x3FDB];
	_ =	sdelay $0x1  }
0x99: {  	s20 =	simm.s32 $_scs_section_size  }
0x9a: {  	s4 =	simm.s32 $_size__tile_overlayer_lowered;
	s5 =	simm.s32 $_tile_overlayer_lowered  }
0x9b: {  	s6 =	simm.s32 $0x1BFF;
	s21 =	sshll.u32 s5, $0x1;
	s3 =	sadd.s32 s20, s19  }
0x9c: {  	s22 =	simm.s32 $0x0;
	s4 =	sshll.u32 s4, $0x1;
	s5 =	sadd.s32 s21, s3  }
0x9d: {  	[timem:s22], [sflag:s6] =	dma.local [hbm:s5], s4  }
0x9e: {  	_ =	swait.ge [sflag:s6], s4  }
0x9f: {  	s4 =	ssub.s32 $0x0, s4;
	[sflag:s6] =	ssyncset.done $0x0  }
0xa0: {  	[sflag:s6] =	ssyncadd.s32 s4;
	_ =	sdelay $0x1  }
0xa1: {  	s23 =	simm.s32 $0x1B8B  }
0xa2: {  	_ =	swait.ge [sflag:s23], $0x1  }
0xa3: {  	[sflag:s23] =	ssyncset.done $0x0  }
0xa4: {  	[sflag:s23] =	ssyncadd.s32 $0xFFFFFFFF  }
0xa5: {  	s4 =	sld [smem:$0x0]  }
0xa6: {  	s5 =	sand.u32 $0xFFFFFFFE, s1  }
0xa7: {  	p0 =	sne.s32 s1, s5  }
0xa8: {  	s5 =	sshll.u32 @p0 s5, $0xE  }
0xa9: {  	s5 =	sadd.s32 @p0 $0x11B8D, s5;
	s6 =	sshll.u32 @p0 s4, $0x11  }
0xaa: {  	s5 =	sor.u32 @p0 s6, s5  }
0xab: {  	[sflag:s5] =	ssyncadd.remote.s32 @p0 $0x1;
	_ =	sdelay $0x1  }
0xac: {  	s5 =	simm.s32 @p0 $0x1B8D  }
0xad: {  	_ =	swait.eq @p0 [sflag:s5], $0x1  }
0xae: {  	[sflag:s5] =	ssyncadd.s32 @p0 $0xFFFFFFFF  }
0xaf: {  	s6 =	sshll.u32 @!p0 s1, $0xE  }
0xb0: {  	s6 =	sor.u32 @!p0 $0x4000, s6;
	s5 =	simm.s32 @!p0 $0x1B8D  }
0xb1: {  	s4 =	sshll.u32 @!p0 s4, $0x11;
	s6 =	sadd.s32 @!p0 $0x11B8D, s6;
	_ =	swait.eq @!p0 [sflag:s5], $0x1  }
0xb2: {  	s4 =	sor.u32 @!p0 s4, s6;
	[sflag:s5] =	ssyncadd.s32 @!p0 $0xFFFFFFFF  }
0xb3: {  	s25 =	simm.s32 $0x1B8E;
	s24 =	sld [smem:$0x3FFE];
	[sflag:s4] =	ssyncadd.remote.s32 @!p0 $0x1  }
0xb4: {  	s26 =	simm.s32 $execute0_lowered;
	[smem:$0x3FD2] =	sst s25  }
0xb5: {  	s5 =	sshll.u32 s26, $0x1;
	_ =	strace $0x8000004C;
	[dreg:$0x1] =	wrdreg $0xFFFFFFFF  }
0xb6: {  	s28 =	simm.s32 $_size_execute0_lowered;
	s3 =	sadd.s32 s3, s5;
	[dreg:$0x0] =	wrdreg $0x0  }
0xb7: {  	s5 =	sshll.u32 s28, $0x1;
	[dreg:$0x2] =	wrdreg s3  }
0xb8: {  	[dreg:$0x3] =	wrdreg s5  }
0xb9: {  	[dreg:$0x4] =	wrdreg $0xC0  }
0xba: {  	_ =	task [dreg:s22], $0x5FFFF  }
0xbb: {  	[dreg:$0x1] =	wrdreg $0xFFFFFFFF  }
0xbc: {  	[dreg:$0x0] =	wrdreg $0x60  }
0xbd: {  	[dreg:$0x2] =	wrdreg s24  }
0xbe: {  	[dreg:$0x3] =	wrdreg $0x9  }
0xbf: {  	_ =	task.clear_ibuf [dreg:s22], $0x4FFFF;
	_ =	strace $0x9000004C  }
0xc0: {  	s29 =	simm.s32 $0x9;
	_ =	strace $0x8000004E  }
0xc1: {  	_ =	swait.ge [sflag:s29], $0x1  }
0xc2: {  	[sflag:s29] =	ssyncadd.s32 $0xFFFFFFFF  }
0xc3: {  	_ =	strace $0x9000004E  }
0xc4: {  	_ =	sfence  }
0xc5: {  	s30 =	sld [smem:$0x0];
	_ =	sdelay $0x2  }
0xc6: {  	s31 =	sshll.u32 s1, $0xD;
	s1 =	sshrl.u32 s1, $0x2  }
0xc7: {  	s4 =	sand.u32 $0x4000, s31;
	s1 =	sadd.s32 s1, s30  }
0xc8: {  	s0 =	sor.u32 s4, s0;
	s1 =	sshll.u32 s1, $0x11  }
0xc9: {  	s0 =	sor.u32 s1, s0  }
0xca: {  	s0 =	sadd.s32 $0x8F2B, s0  }
0xcb: {  	[sflag:s0] =	ssyncadd.remote.s32 $0x1  }
0xcc: {  	_ =	sfence.sel $0xFFFF  }
0xcd: {  	[dreg:$0x0] =	wrdreg $0xFFFFFFFF;
	(pc) =	sbr.abs _section_cstart, $3  }
0xce: {  	[dreg:$0x1] =	wrdreg $0xFFFFFFFF  }
0xcf: {  	_ =	task.clear_ibuf [dreg:s22], $0x2FFFF;
	_ =	strace $0x9FFFFFFF  }
0xd0: {  	(tm) =	ssettm $0x7FFFFFFF  }
0xd1: {  	_ =	shalt  }
tec
execute0_lowered:
.L_overlay_start_1:
0x0: {  	(tag) =	ssettag $0x1  }
0x1: {  	s0 =	srdreg.scid  }
0x2: {  	s1 =	sshll.u32 s0, $0x4  }
0x3: {  	s0 =	stileid.u32;
	s1 =	sand.u32 $0x10, s1  }
0x4: {  	s1 =	sor.u32 s0, s1  }
0x5: {  	s9 =	rddreg [dreg:$0x0];
	s6 =	simm.s32 $0x1;
	s2 =	smin.u32 s1, $0x8  }
0x6: {  	p0 =	slt.u32 s1, $0x8;
	s2 =	sadd.s32 s1, s2;
	s1 =	simm.s32 $0x40  }
0x7: {  	s7 =	simm.s32 $0x2;
	s2 =	sshll.u32 s2, $0x5;
	s1 =	simm.s32 @!p0 $0x20  }
0x8: {  	s10 =	simm.s32 $0x3;
	s13 =	simm.s32 $0x0;
	s3 =	sadd.s32 s1, s2  }
0x9: {  	s12 =	simm.s32 $0x0;
	s4 =	sadd.s32 $0x8800, s9;
	s3 =	smin.u32 s3, $0x500  }
.Ltmp0:
0xa: {  	s5 =	sadd.s32 $0x3600, s9;
	s8 =	ssub.s32 s3, s2;
	(pc) =	sbr.rel .LBB2_1-.Ltmp0, $4  }
0xb: {  	s1 =	rddreg [dreg:$0x1];
	_ =	strace $0x8000004D;
	p0 =	sgt.s32 s8, $0x0  }
0xc: {  	s9 =	sadd.s32 $0x3800, s9;
	[sflag:s6] =	ssyncpa.u1 $0x0;
	s8 =	simm.s32 @!p0 $0x0  }
0xd: {  	s11 =	smov.u32 s2;
	[sflag:s7] =	ssyncpa.u1 $0x0;
	s8 =	sshrl.u32 s8, $0x5  }
0xe: {  	vm0 =	vmmov $0xff;
	vm1 =	vcmask $0x3F20;
	[sflag:s10] =	ssyncpa.u1 $0x0;
	p0 =	por $0x0, $0x0;
	s10 =	sadd.s32 $0x1, s8  }
.LBB2_6:
0xf: {  	[hbm:s17] =	stream.linear.scatter [tilespmem:s14], [sflag:$0x3], $0x400, $0x38;
	[tilespmem:$0x2040] =	vst v63  }
.LBB2_7:
0x10: {  	s13 =	sadd.s32 $0x20, s11  }
0x11: {  	s15 =	smov.u32 s2;
	p2 =	slt.s32 s13, s3  }
0x12: {  	s15 =	smov.u32 @p2 s13;
	p2 =	sne.s32 s12, s10  }
.Ltmp1:
0x13: {  	p1 =	slt.u32 s12, $0x2;
	(pc) =	sbr.rel @!p2 .LBB2_8-.Ltmp1, $4  }
0x14: {  	s14 =	simm.s32 @!p1 $0x3  }
0x15: {  	s16 =	sadd.s32 $0x1, s12;
	_ =	swait.ge @!p1 [sflag:s14], $0x1000  }
0x16: {  	p0 =	por !p0, !p0;
	s13 =	smov.u32 s11;
	[sflag:s14] =	ssyncset.done @!p1 $0x0  }
0x17: {  	s12 =	smov.u32 s16;
	s11 =	smov.u32 s15;
	[sflag:s14] =	ssyncadd.s32 @!p1 $0xFFFFF000  }
.LBB2_1:
0x18: {  	p1 =	sge.u32 s12, s8  }
0x19: {  	s14 =	sxor.u32 @!p1 $0xFFFFFFFF, s12  }
0x1a: {  	s31 =	sadd.s32 $0xFFFFFFFF, s12;
	s15 =	sshrl.u32 @!p1 s11, $0x3;
	s14 =	sshll.u32 @!p1 s14, $0x5  }
0x1b: {  	s16 =	sand.u32 @!p1 $0x7, s11;
	s15 =	sadd.s32 @!p1 s5, s15;
	s14 =	sand.u32 @!p1 $0x20, s14  }
0x1c: {  	[tilespmem:s14], [sflag:$0x2] =	stream.linear.gather @!p1 [hbm4b:s15+s16], $0x20, $0x38;
	[tilespmem:$0x2040] =	vst v63  }
0x1d: {  	p1 =	sge.u32 s31, s8  }
.Ltmp2:
0x1e: {  	_ = 	snop;
	(pc) =	sbr.rel @p1 .LBB2_7-.Ltmp2, $1  }
0x1f: {  	_ =	sdelay $0x3  }
0x20: {  	s14 =	simm.s32 $0x1  }
0x21: {  	_ =	swait.ge [sflag:s7], $0x20;
	s16 =	sand.u32 $0x1, s12;
	s17 =	simm.s32 $0x0  }
0x22: {  	p1 =	por $0x1, $0x1;
	s14 =	simm.s32 @!p0 $0x0;
	[sflag:s7] =	ssyncset.done $0x0  }
0x23: {  	s15 =	sshll.u32 s16, $0x5;
	s16 =	sshll.u32 s16, $0xC;
	s14 =	sshll.u32 s14, $0xC  }
0x24: {  	[sflag:s7] =	ssyncadd.s32 $0xFFFFFFE0;
	s16 =	sor.u32 $0x40, s16;
	s14 =	sor.u32 $0x40, s14  }
.LBB2_3:
0x25: {  	s18 =	sshll.u32 s17, $0x4  }
0x26: {  	s18 =	sand.u32 $0x3FFFFFF0, s18  }
0x27: {  	s18 =	sadd.s32 s18, s15  }
0x28: {  	v0 =	vld.msk [tilespmem:s18+$0x0 ss:$0x1], $0xffff;
	_ =	sdelay $0x4  }
0x29: {  	vm2 =	vgt.s32 v0, $0x0  }
0x2a: {  	v0 =	vnsel vm2, $0x0, v0  }
0x2b: {  	v0 =	vmin.u32 v0, $0x4FF  }
0x2c: {  	v0 =	vshll.u32 v0, $0x4;
	_ =	sdelay $0x1  }
0x2d: {  	s31 =	sshll.u32 s17, $0xB  }
0x2e: {  	p2 =	por p1, p1;
	s17 =	sand.u32 $0x3FFFF800, s31  }
.Ltmp3:
0x2f: {  	s17 =	sadd.s32 s17, s16;
	(pc) =	sbr.rel @p2 .LBB2_3-.Ltmp3, $4  }
0x30: {  	[tilespmem:s17], [sflag:$0x1] =	stream.indirect_vreg.gather [hbm:s4], $0x80, v0, vm0, $0x38;
	[tilespmem:$0x2040] =	vst v63  }
0x31: {  	s17 =	sadd.s32 $0x400, s17  }
0x32: {  	[tilespmem:s17], [sflag:$0x1] =	stream.indirect_vreg.gather [hbm:s4], $0x80, v0, vm1, $0x38;
	[tilespmem:$0x2040] =	vst v63  }
0x33: {  	p1 =	por $0x0, $0x0;
	s17 =	simm.s32 $0x1  }
0x34: {  	_ =	swait.ge [sflag:s6], $0x1000;
	s13 =	sshll.u32 s13, $0x4  }
0x35: {  	s15 =	simm.s32 $0x80;
	[sflag:s6] =	ssyncset.done $0x0;
	s13 =	sadd.s32 s13, s9  }
0x36: {  	s16 =	sadd.s32 $0x400, s14;
	[sflag:s6] =	ssyncadd.s32 $0xFFFFF000;
	s17 =	sadd.s32 $0x0, s13  }
.LBB2_5:
0x37: {  	[hbm:s17] =	stream.linear.scatter [tilespmem:s14], [sflag:$0x3], $0x400, $0x38;
	[tilespmem:$0x2040] =	vst v63  }
0x38: {  	s17 =	smov.u32 s15;
	s14 =	smov.u32 s16;
	p1 =	sne.s32 s15, $0x180  }
.Ltmp4:
0x39: {  	s15 =	sadd.s32 $0x80, s15;
	(pc) =	sbr.rel @p1 .LBB2_5-.Ltmp4, $2  }
0x3a: {  	_ =	sdelay $0x2  }
0x3b: {  	s16 =	sadd.s32 $0x400, s16;
	s17 =	sadd.s32 s17, s13  }
.Ltmp5:
0x3c: {  	_ = 	snop;
	(pc) =	sbr.rel .LBB2_6-.Ltmp5, $1  }
0x3d: {  	_ =	sdelay $0x3  }
.LBB2_8:
0x3e: {  	_ =	sfence.sel $0x180000  }
0x3f: {  	s2 =	simm.s32 $0x2;
	[bflag:$0x0] =	sbarrier.arrive $0xFFFF  }
0x40: {  	s30 =	simm.s32 $0x3;
	[sflag:s2] =	ssyncpa.u1 $0x1  }
0x41: {  	s31 =	simm.s32 $0x1;
	[sflag:s30] =	ssyncpa.u1 $0x1  }
0x42: {  	[sflag:s31] =	ssyncpa.u1 $0x1  }
0x43: {  	p0 =	sne.s32 s0, $0x0;
	_ =	strace $0x9000004D  }
0x44: {  	s0 =	sadd.s32 @!p0 $0x100000, s1;
	[bflag:$0x2] =	sbarrier.arrive $0xFFFF  }
0x45: {  	[sflag:s0] =	ssyncadd.tile.s32 @!p0 $0x1;
	_ =	shalt  }
.Lfunc_end2:
_tile_overlayer_lowered:
.L_overlay_start_2:
0x46: {  	(tag) =	ssettag $0x2  }
0x47: {  	s0 =	rddreg [dreg:$0x0];
	s2 =	stileid.u32  }
0x48: {  	s1 =	rddreg [dreg:$0x1];
	p0 =	sne.s32 s2, $0x0  }
0x49: {  	s3 =	rddreg [dreg:$0x2];
	[bflag:$0x3] =	sbarrier.arrive $0xFFFF;
	s2 =	simm.s32 @!p0 $0x1C01  }
0x4a: {  	[timem:s3], [sflag:s2] =	dma.local @!p0 [hbm:s0], s1  }
0x4b: {  	s0 =	simm.s32 @!p0 $0x1  }
0x4c: {  	_ =	swait.ge @!p0 [sflag:s0], s1  }
0x4d: {  	s1 =	ssub.s32 @!p0 $0x0, s1;
	[sflag:s0] =	ssyncset.done @!p0 $0x0  }
0x4e: {  	[sflag:s0] =	ssyncadd.s32 @!p0 s1  }
0x4f: {  	[bflag:$0x3] =	sbarrier.arrive $0xFFFF  }
0x50: {  	_ =	shalt  }

// kernel: gather_offload_async_start
scs
__scs_entry_jumppad:
0x0: {  	(pc) =	sbr.rel $0x88, $3  }
0x1: {  	(tag) =	ssettag $0x0;
	lr =	simm.s32 $0x1  }
0x2: {  	[smem:$0x3F90] =	sst lr;
	_ =	strace $0xD0000000  }
0x3: {  	_ = 	snop  }
0x4: {  	_ = 	snop  }
0x5: {  	_ = 	snop  }
0x6: {  	_ = 	snop  }
0x7: {  	_ = 	snop  }
__scs_overlays_trampoline_lowered:
0x8: {  	[smem:$0x3F9F] =	sst s0  }
0x9: {  	[smem:$0x3FA0] =	sst s1  }
0xa: {  	[smem:$0x3FA1] =	sst s2  }
0xb: {  	[smem:$0x3FA2] =	sst s3  }
0xc: {  	[smem:$0x3FA3] =	sst s4  }
0xd: {  	[smem:$0x3FA4] =	sst s5  }
0xe: {  	[smem:$0x3FA5] =	sst s6  }
0xf: {  	[smem:$0x3FA6] =	sst s7  }
0x10: {  	[smem:$0x3FA7] =	sst s8  }
0x11: {  	[smem:$0x3FA8] =	sst s9;
	s0 =	simm.s32 @!p0 $0x0  }
0x12: {  	s1 =	sld [smem:$0x3F8E];
	s0 =	simm.s32 @p0 $0x1  }
0x13: {  	[smem:$0x3FA9] =	sst s0;
	s0 =	simm.s32 @!p1 $0x0  }
0x14: {  	s2 =	sld [smem:$0x3F8D];
	s0 =	simm.s32 @p1 $0x1  }
0x15: {  	[smem:$0x3FAA] =	sst s0;
	s0 =	simm.s32 @!p2 $0x0  }
0x16: {  	s3 =	sld [smem:$0x3FDB];
	s0 =	simm.s32 @p2 $0x1  }
0x17: {  	s4 =	simm.s32 $0x1BF5;
	[smem:$0x3FAC] =	sst s0  }
0x18: {  	s0 =	sld [smem:$0x3F8F];
	_ =	swait.ge [sflag:s4], $0x0  }
0x19: {  	s7 =	sld [smem:$0x3F90]  }
0x1a: {  	s8 =	sadd.s32 $0xFFFFE003, lr  }
0x1b: {  	s9 =	sadd.s32 $0xFFFFFEF7, lr;
	s5 =	simm.s32 $0xFFFFFFFF;
	p2 =	slt.u32 s8, $0xFFFFF086  }
0x1c: {  	p1 =	slt.u32 s9, $0xF7A;
	s5 =	simm.s32 @!p2 $0x0  }
0x1d: {  	s5 =	simm.s32 @p1 $0x1;
	p0 =	seq.s32 s7, s2  }
0x1e: {  	s7 =	smul.u32 @!p0 $0xF7A, s2;
	p2 =	seq.s32 @!p0 s5, $0x0  }
0x1f: {  	s9 =	smul.u32 $0xF7A, s1;
	s8 =	simm.s32 @!p0 $0x1BF5;
	p2 =	por !p2, p0  }
0x20: {  	[sflag:s8] =	ssyncset.s32 @!p0 $0xFFFFF086;
	s6 =	sadd.s32 @!p0 s3, s7;
	s7 =	simm.s32 @!p0 $0x108  }
0x21: {  	s3 =	sadd.s32 s3, s9;
	s6 =	sadd.s32 @!p0 $0x88, s6;
	s7 =	simm.s32 @p2 $0x1082  }
0x22: {  	[simem:s7], [sflag:s8] =	dma.local @!p0 [hbm:s6], $0xF7A  }
0x23: {  	s9 =	sor.u32 $0xD0000000, s2;
	s6 =	simm.s32 $0x108;
	_ =	swait.ge @!p0 [sflag:s8], $0x0  }
0x24: {  	s3 =	sadd.s32 $0x88, s3;
	s6 =	simm.s32 @!p1 $0x1082;
	[sflag:s4] =	ssyncset.s32 $0xFFFFF086  }
0x25: {  	[simem:s6], [sflag:s4] =	dma.local [hbm:s3], $0xF7A  }
0x26: {  	[smem:$0x3F90] =	sst s1;
	(tag) =	ssettag s2;
	_ =	strace s9  }
0x27: {  	s1 =	sld [smem:$0x3FA0]  }
0x28: {  	s2 =	sld [smem:$0x3FA1]  }
0x29: {  	s4 =	sld [smem:$0x3FA3]  }
0x2a: {  	p0 =	seq.s32 s5, $0x0;
	s5 =	sld [smem:$0x3FA4]  }
0x2b: {  	s6 =	sld [smem:$0x3FA5]  }
0x2c: {  	s7 =	sld [smem:$0x3FA6]  }
0x2d: {  	s3 =	simm.s32 $0x108;
	s8 =	sld [smem:$0x3FA7]  }
0x2e: {  	s3 =	simm.s32 @!p0 $0x1082;
	s9 =	sld [smem:$0x3FA8]  }
0x2f: {  	lr =	sadd.s32 s0, s3;
	s0 =	sld [smem:$0x3F9F]  }
0x30: {  	s3 =	sld [smem:$0x3FA2]  }
0x31: {  	[smem:$0x3FAB] =	sst s10  }
0x32: {  	s10 =	sld [smem:$0x3FA9];
	_ =	sdelay $0x3  }
0x33: {  	p0 =	seq.s32 s10, $0x1;
	s10 =	sld [smem:$0x3FAB];
	_ =	sdelay $0x3  }
0x34: {  	[smem:$0x3FAB] =	sst s10  }
0x35: {  	s10 =	sld [smem:$0x3FAA];
	_ =	sdelay $0x3  }
0x36: {  	p1 =	seq.s32 s10, $0x1;
	s10 =	sld [smem:$0x3FAB];
	_ =	sdelay $0x3  }
0x37: {  	[smem:$0x3FAB] =	sst s10  }
0x38: {  	s10 =	sld [smem:$0x3FAC]  }
0x39: {  	_ = 	snop;
	(pc) =	sbr.ind lr, $3  }
0x3a: {  	_ = 	snop  }
0x3b: {  	_ = 	snop  }
0x3c: {  	p2 =	seq.s32 s10, $0x1;
	s10 =	sld [smem:$0x3FAB]  }
0x3d: {  	_ =	shalt  }
0x3e: {  	_ =	shalt  }
0x3f: {  	_ =	shalt  }
0x40: {  	_ =	shalt  }
0x41: {  	_ =	shalt  }
0x42: {  	_ =	shalt  }
0x43: {  	_ =	shalt  }
0x44: {  	_ =	shalt  }
0x45: {  	_ =	shalt  }
0x46: {  	_ =	shalt  }
0x47: {  	_ =	shalt  }
0x48: {  	_ =	shalt  }
0x49: {  	_ =	shalt  }
0x4a: {  	_ =	shalt  }
0x4b: {  	_ =	shalt  }
0x4c: {  	_ =	shalt  }
0x4d: {  	_ =	shalt  }
0x4e: {  	_ =	shalt  }
0x4f: {  	_ =	shalt  }
0x50: {  	_ =	shalt  }
0x51: {  	_ =	shalt  }
0x52: {  	_ =	shalt  }
0x53: {  	_ =	shalt  }
0x54: {  	_ =	shalt  }
0x55: {  	_ =	shalt  }
0x56: {  	_ =	shalt  }
0x57: {  	_ =	shalt  }
0x58: {  	_ =	shalt  }
0x59: {  	_ =	shalt  }
0x5a: {  	_ =	shalt  }
0x5b: {  	_ =	shalt  }
0x5c: {  	_ =	shalt  }
0x5d: {  	_ =	shalt  }
0x5e: {  	_ =	shalt  }
0x5f: {  	_ =	shalt  }
0x60: {  	_ =	shalt  }
0x61: {  	_ =	shalt  }
0x62: {  	_ =	shalt  }
0x63: {  	_ =	shalt  }
0x64: {  	_ =	shalt  }
0x65: {  	_ =	shalt  }
0x66: {  	_ =	shalt  }
0x67: {  	_ =	shalt  }
0x68: {  	_ =	shalt  }
0x69: {  	_ =	shalt  }
0x6a: {  	_ =	shalt  }
0x6b: {  	_ =	shalt  }
0x6c: {  	_ =	shalt  }
0x6d: {  	_ =	shalt  }
0x6e: {  	_ =	shalt  }
0x6f: {  	_ =	shalt  }
0x70: {  	_ =	shalt  }
0x71: {  	_ =	shalt  }
0x72: {  	_ =	shalt  }
0x73: {  	_ =	shalt  }
0x74: {  	_ =	shalt  }
0x75: {  	_ =	shalt  }
0x76: {  	_ =	shalt  }
0x77: {  	_ =	shalt  }
0x78: {  	_ =	shalt  }
0x79: {  	_ =	shalt  }
0x7a: {  	_ =	shalt  }
0x7b: {  	_ =	shalt  }
0x7c: {  	_ =	shalt  }
0x7d: {  	_ =	shalt  }
0x7e: {  	_ =	shalt  }
0x7f: {  	_ =	shalt  }
0x80: {  	_ =	shalt  }
0x81: {  	_ =	shalt  }
0x82: {  	_ =	shalt  }
0x83: {  	_ =	shalt  }
0x84: {  	_ =	shalt  }
0x85: {  	_ =	shalt  }
0x86: {  	_ =	shalt  }
0x87: {  	_ =	shalt  }
.Lfunc_end0:
.L_simem_size_0:
called_computation_lowered:
.L_overlay_start_0:
0x88: {  	s2 =	sld [smem:$0x3FD9]  }
0x89: {  	s3 =	sld [smem:$0x3FFE];
	_ =	sdelay $0x1  }
0x8a: {  	s1 =	srdreg.scid  }
0x8b: {  	s0 =	sand.u32 $0x1, s1  }
0x8c: {  	s16 =	sshll.u32 s0, $0xA;
	s2 =	sadd.s32 s3, s2  }
0x8d: {  	s2 =	sadd.s32 s2, s16  }
0x8e: {  	[smem:$0x3FB7] =	sst s2  }
0x8f: {  	_ = 	snop  }
0x90: {  	(tm) =	ssettm $0x1  }
0x91: {  	s17 =	sld [smem:$0x3FFB];
	_ =	sdelay $0x3  }
0x92: {  	_ =	strace s17  }
0x93: {  	s2 =	sld [smem:$0x3FFC];
	_ =	sdelay $0x3  }
0x94: {  	_ =	strace s2  }
0x95: {  	s2 =	sld [smem:$0x3FFD];
	_ =	sdelay $0x3  }
0x96: {  	_ =	strace s2  }
0x97: {  	_ =	strace $0x8FFFFFFF  }
0x98: {  	s18 =	sld [smem:$0x3FDB];
	_ =	sdelay $0x1  }
0x99: {  	s19 =	simm.s32 $_scs_section_size  }
0x9a: {  	s4 =	simm.s32 $_size__tile_overlayer_lowered;
	s5 =	simm.s32 $_tile_overlayer_lowered  }
0x9b: {  	s22 =	simm.s32 $0x1BFF;
	s21 =	sshll.u32 s5, $0x1;
	s2 =	sadd.s32 s19, s18  }
0x9c: {  	s6 =	simm.s32 $0x0;
	s20 =	sshll.u32 s4, $0x1;
	s4 =	sadd.s32 s21, s2  }
0x9d: {  	[timem:s6], [sflag:s22] =	dma.local [hbm:s4], s20  }
0x9e: {  	_ =	swait.ge [sflag:s22], s20  }
0x9f: {  	s3 =	ssub.s32 $0x0, s20;
	[sflag:s22] =	ssyncset.done $0x0  }
0xa0: {  	[sflag:s22] =	ssyncadd.s32 s3;
	_ =	sdelay $0x1  }
0xa1: {  	s23 =	simm.s32 $0x1B8B  }
0xa2: {  	_ =	swait.ge [sflag:s23], $0x1  }
0xa3: {  	[sflag:s23] =	ssyncset.done $0x0  }
0xa4: {  	s25 =	simm.s32 $0x1B8E;
	s24 =	sld [smem:$0x3FFE];
	[sflag:s23] =	ssyncadd.s32 $0xFFFFFFFF  }
0xa5: {  	s26 =	simm.s32 $execute0_lowered;
	[smem:$0x3FD2] =	sst s25  }
0xa6: {  	s4 =	sshll.u32 s26, $0x1;
	_ =	strace $0x80000046;
	[dreg:$0x1] =	wrdreg $0xFFFFFFFF  }
0xa7: {  	s28 =	simm.s32 $_size_execute0_lowered;
	s2 =	sadd.s32 s2, s4;
	[dreg:$0x0] =	wrdreg $0x0  }
0xa8: {  	s4 =	sshll.u32 s28, $0x1;
	[dreg:$0x2] =	wrdreg s2  }
0xa9: {  	[dreg:$0x3] =	wrdreg s4  }
0xaa: {  	[dreg:$0x4] =	wrdreg $0xC0  }
0xab: {  	_ =	task [dreg:s6], $0x5FFFF  }
0xac: {  	[dreg:$0x1] =	wrdreg $0xFFFFFFFF  }
0xad: {  	[dreg:$0x0] =	wrdreg $0x60  }
0xae: {  	[dreg:$0x2] =	wrdreg s24  }
0xaf: {  	[dreg:$0x3] =	wrdreg $0x9  }
0xb0: {  	_ =	task.clear_ibuf [dreg:s6], $0x4FFFF;
	_ =	strace $0x90000046  }
0xb1: {  	s29 =	simm.s32 $0x9;
	_ =	strace $0x80000048  }
0xb2: {  	_ =	swait.ge [sflag:s29], $0x1  }
0xb3: {  	[sflag:s29] =	ssyncadd.s32 $0xFFFFFFFF  }
0xb4: {  	_ =	strace $0x90000048  }
0xb5: {  	_ =	sfence  }
0xb6: {  	s30 =	sld [smem:$0x0];
	_ =	sdelay $0x2  }
0xb7: {  	s31 =	sshll.u32 s1, $0xD;
	s1 =	sshrl.u32 s1, $0x2  }
0xb8: {  	s3 =	sand.u32 $0x4000, s31;
	s1 =	sadd.s32 s1, s30  }
0xb9: {  	s0 =	sor.u32 s3, s0;
	s1 =	sshll.u32 s1, $0x11  }
0xba: {  	s0 =	sor.u32 s1, s0  }
0xbb: {  	s0 =	sadd.s32 $0x8F2B, s0  }
0xbc: {  	[sflag:s0] =	ssyncadd.remote.s32 $0x1  }
0xbd: {  	_ =	sfence.sel $0xFFFF  }
0xbe: {  	[dreg:$0x0] =	wrdreg $0xFFFFFFFF;
	(pc) =	sbr.abs _section_cstart, $3  }
0xbf: {  	[dreg:$0x1] =	wrdreg $0xFFFFFFFF  }
0xc0: {  	_ =	task.clear_ibuf [dreg:s6], $0x2FFFF;
	_ =	strace $0x9FFFFFFF  }
0xc1: {  	(tm) =	ssettm $0x7FFFFFFF  }
tec
execute0_lowered:
.L_overlay_start_1:
0x0: {  	(tag) =	ssettag $0x1  }
0x1: {  	s0 =	srdreg.scid  }
0x2: {  	s1 =	sshll.u32 s0, $0x4  }
0x3: {  	s0 =	stileid.u32;
	s1 =	sand.u32 $0x10, s1  }
0x4: {  	s1 =	sor.u32 s0, s1  }
0x5: {  	s9 =	rddreg [dreg:$0x0];
	s6 =	simm.s32 $0x1;
	s2 =	smin.u32 s1, $0x8  }
0x6: {  	p0 =	slt.u32 s1, $0x8;
	s2 =	sadd.s32 s1, s2;
	s1 =	simm.s32 $0x40  }
0x7: {  	s7 =	simm.s32 $0x2;
	s2 =	sshll.u32 s2, $0x5;
	s1 =	simm.s32 @!p0 $0x20  }
0x8: {  	s10 =	simm.s32 $0x3;
	s13 =	simm.s32 $0x0;
	s3 =	sadd.s32 s1, s2  }
0x9: {  	s12 =	simm.s32 $0x0;
	s4 =	sadd.s32 $0x3800, s9;
	s3 =	smin.u32 s3, $0x500  }
.Ltmp0:
0xa: {  	s5 =	sadd.s32 $0x3600, s9;
	s8 =	ssub.s32 s3, s2;
	(pc) =	sbr.rel .LBB2_1-.Ltmp0, $4  }
0xb: {  	s1 =	rddreg [dreg:$0x1];
	_ =	strace $0x80000047;
	p0 =	sgt.s32 s8, $0x0  }
0xc: {  	s9 =	sadd.s32 $0xD800, s9;
	[sflag:s6] =	ssyncpa.u1 $0x0;
	s8 =	simm.s32 @!p0 $0x0  }
0xd: {  	s11 =	smov.u32 s2;
	[sflag:s7] =	ssyncpa.u1 $0x0;
	s8 =	sshrl.u32 s8, $0x5  }
0xe: {  	vm0 =	vmmov $0xff;
	vm1 =	vcmask $0x3F20;
	[sflag:s10] =	ssyncpa.u1 $0x0;
	p0 =	por $0x0, $0x0;
	s10 =	sadd.s32 $0x1, s8  }
.LBB2_6:
0xf: {  	[hbm:s17] =	stream.linear.scatter [tilespmem:s14], [sflag:$0x3], $0x400, $0x38;
	[tilespmem:$0x2040] =	vst v63  }
.LBB2_7:
0x10: {  	s13 =	sadd.s32 $0x20, s11  }
0x11: {  	s15 =	smov.u32 s2;
	p2 =	slt.s32 s13, s3  }
0x12: {  	s15 =	smov.u32 @p2 s13;
	p2 =	sne.s32 s12, s10  }
.Ltmp1:
0x13: {  	p1 =	slt.u32 s12, $0x2;
	(pc) =	sbr.rel @!p2 .LBB2_8-.Ltmp1, $4  }
0x14: {  	s14 =	simm.s32 @!p1 $0x3  }
0x15: {  	s16 =	sadd.s32 $0x1, s12;
	_ =	swait.ge @!p1 [sflag:s14], $0x1000  }
0x16: {  	p0 =	por !p0, !p0;
	s13 =	smov.u32 s11;
	[sflag:s14] =	ssyncset.done @!p1 $0x0  }
0x17: {  	s12 =	smov.u32 s16;
	s11 =	smov.u32 s15;
	[sflag:s14] =	ssyncadd.s32 @!p1 $0xFFFFF000  }
.LBB2_1:
0x18: {  	p1 =	sge.u32 s12, s8  }
0x19: {  	s14 =	sxor.u32 @!p1 $0xFFFFFFFF, s12  }
0x1a: {  	s31 =	sadd.s32 $0xFFFFFFFF, s12;
	s15 =	sshrl.u32 @!p1 s11, $0x3;
	s14 =	sshll.u32 @!p1 s14, $0x5  }
0x1b: {  	s16 =	sand.u32 @!p1 $0x7, s11;
	s15 =	sadd.s32 @!p1 s5, s15;
	s14 =	sand.u32 @!p1 $0x20, s14  }
0x1c: {  	[tilespmem:s14], [sflag:$0x2] =	stream.linear.gather @!p1 [hbm4b:s15+s16], $0x20, $0x38;
	[tilespmem:$0x2040] =	vst v63  }
0x1d: {  	p1 =	sge.u32 s31, s8  }
.Ltmp2:
0x1e: {  	_ = 	snop;
	(pc) =	sbr.rel @p1 .LBB2_7-.Ltmp2, $1  }
0x1f: {  	_ =	sdelay $0x3  }
0x20: {  	s14 =	simm.s32 $0x1  }
0x21: {  	_ =	swait.ge [sflag:s7], $0x20;
	s16 =	sand.u32 $0x1, s12;
	s17 =	simm.s32 $0x0  }
0x22: {  	p1 =	por $0x1, $0x1;
	s14 =	simm.s32 @!p0 $0x0;
	[sflag:s7] =	ssyncset.done $0x0  }
0x23: {  	s15 =	sshll.u32 s16, $0x5;
	s16 =	sshll.u32 s16, $0xC;
	s14 =	sshll.u32 s14, $0xC  }
0x24: {  	[sflag:s7] =	ssyncadd.s32 $0xFFFFFFE0;
	s16 =	sor.u32 $0x40, s16;
	s14 =	sor.u32 $0x40, s14  }
.LBB2_3:
0x25: {  	s18 =	sshll.u32 s17, $0x4  }
0x26: {  	s18 =	sand.u32 $0x3FFFFFF0, s18  }
0x27: {  	s18 =	sadd.s32 s18, s15  }
0x28: {  	v0 =	vld.msk [tilespmem:s18+$0x0 ss:$0x1], $0xffff;
	_ =	sdelay $0x4  }
0x29: {  	vm2 =	vgt.s32 v0, $0x0  }
0x2a: {  	v0 =	vnsel vm2, $0x0, v0  }
0x2b: {  	v0 =	vmin.u32 v0, $0x4FF  }
0x2c: {  	v0 =	vshll.u32 v0, $0x4;
	_ =	sdelay $0x1  }
0x2d: {  	s31 =	sshll.u32 s17, $0xB  }
0x2e: {  	p2 =	por p1, p1;
	s17 =	sand.u32 $0x3FFFF800, s31  }
.Ltmp3:
0x2f: {  	s17 =	sadd.s32 s17, s16;
	(pc) =	sbr.rel @p2 .LBB2_3-.Ltmp3, $4  }
0x30: {  	[tilespmem:s17], [sflag:$0x1] =	stream.indirect_vreg.gather [hbm:s4], $0x80, v0, vm0, $0x38;
	[tilespmem:$0x2040] =	vst v63  }
0x31: {  	s17 =	sadd.s32 $0x400, s17  }
0x32: {  	[tilespmem:s17], [sflag:$0x1] =	stream.indirect_vreg.gather [hbm:s4], $0x80, v0, vm1, $0x38;
	[tilespmem:$0x2040] =	vst v63  }
0x33: {  	p1 =	por $0x0, $0x0;
	s17 =	simm.s32 $0x1  }
0x34: {  	_ =	swait.ge [sflag:s6], $0x1000;
	s13 =	sshll.u32 s13, $0x4  }
0x35: {  	s15 =	simm.s32 $0x80;
	[sflag:s6] =	ssyncset.done $0x0;
	s13 =	sadd.s32 s13, s9  }
0x36: {  	s16 =	sadd.s32 $0x400, s14;
	[sflag:s6] =	ssyncadd.s32 $0xFFFFF000;
	s17 =	sadd.s32 $0x0, s13  }
.LBB2_5:
0x37: {  	[hbm:s17] =	stream.linear.scatter [tilespmem:s14], [sflag:$0x3], $0x400, $0x38;
	[tilespmem:$0x2040] =	vst v63  }
0x38: {  	s17 =	smov.u32 s15;
	s14 =	smov.u32 s16;
	p1 =	sne.s32 s15, $0x180  }
.Ltmp4:
0x39: {  	s15 =	sadd.s32 $0x80, s15;
	(pc) =	sbr.rel @p1 .LBB2_5-.Ltmp4, $2  }
0x3a: {  	_ =	sdelay $0x2  }
0x3b: {  	s16 =	sadd.s32 $0x400, s16;
	s17 =	sadd.s32 s17, s13  }
.Ltmp5:
0x3c: {  	_ = 	snop;
	(pc) =	sbr.rel .LBB2_6-.Ltmp5, $1  }
0x3d: {  	_ =	sdelay $0x3  }
.LBB2_8:
0x3e: {  	_ =	sfence.sel $0x180000  }
0x3f: {  	s2 =	simm.s32 $0x2;
	[bflag:$0x0] =	sbarrier.arrive $0xFFFF  }
0x40: {  	s30 =	simm.s32 $0x3;
	[sflag:s2] =	ssyncpa.u1 $0x1  }
0x41: {  	s31 =	simm.s32 $0x1;
	[sflag:s30] =	ssyncpa.u1 $0x1  }
0x42: {  	[sflag:s31] =	ssyncpa.u1 $0x1  }
0x43: {  	p0 =	sne.s32 s0, $0x0;
	_ =	strace $0x90000047  }
0x44: {  	s0 =	sadd.s32 @!p0 $0x100000, s1;
	[bflag:$0x2] =	sbarrier.arrive $0xFFFF  }
0x45: {  	[sflag:s0] =	ssyncadd.tile.s32 @!p0 $0x1;
	_ =	shalt  }
.Lfunc_end2:
_tile_overlayer_lowered:
.L_overlay_start_2:
0x46: {  	(tag) =	ssettag $0x2  }
0x47: {  	s0 =	rddreg [dreg:$0x0];
	s2 =	stileid.u32  }
0x48: {  	s1 =	rddreg [dreg:$0x1];
	p0 =	sne.s32 s2, $0x0  }
0x49: {  	s3 =	rddreg [dreg:$0x2];
	[bflag:$0x3] =	sbarrier.arrive $0xFFFF;
	s2 =	simm.s32 @!p0 $0x1C01  }
0x4a: {  	[timem:s3], [sflag:s2] =	dma.local @!p0 [hbm:s0], s1  }
0x4b: {  	s0 =	simm.s32 @!p0 $0x1  }
0x4c: {  	_ =	swait.ge @!p0 [sflag:s0], s1  }
0x4d: {  	s1 =	ssub.s32 @!p0 $0x0, s1;
	[sflag:s0] =	ssyncset.done @!p0 $0x0  }
0x4e: {  	[sflag:s0] =	ssyncadd.s32 @!p0 s1  }
0x4f: {  	[bflag:$0x3] =	sbarrier.arrive $0xFFFF  }
0x50: {  	_ =	shalt  }

// kernel: kernel.10.cloned.1.call-start
scs
__scs_entry_jumppad:
0x0: {  	(pc) =	sbr.rel $0x88, $3  }
0x1: {  	(tag) =	ssettag $0x0;
	lr =	simm.s32 $0x1  }
0x2: {  	[smem:$0x3F90] =	sst lr;
	_ =	strace $0xD0000000  }
0x3: {  	_ = 	snop  }
0x4: {  	_ = 	snop  }
0x5: {  	_ = 	snop  }
0x6: {  	_ = 	snop  }
0x7: {  	_ = 	snop  }
__scs_overlays_trampoline_lowered:
0x8: {  	[smem:$0x3F9F] =	sst s0  }
0x9: {  	[smem:$0x3FA0] =	sst s1  }
0xa: {  	[smem:$0x3FA1] =	sst s2  }
0xb: {  	[smem:$0x3FA2] =	sst s3  }
0xc: {  	[smem:$0x3FA3] =	sst s4  }
0xd: {  	[smem:$0x3FA4] =	sst s5  }
0xe: {  	[smem:$0x3FA5] =	sst s6  }
0xf: {  	[smem:$0x3FA6] =	sst s7  }
0x10: {  	[smem:$0x3FA7] =	sst s8  }
0x11: {  	[smem:$0x3FA8] =	sst s9;
	s0 =	simm.s32 @!p0 $0x0  }
0x12: {  	s1 =	sld [smem:$0x3F8E];
	s0 =	simm.s32 @p0 $0x1  }
0x13: {  	[smem:$0x3FA9] =	sst s0;
	s0 =	simm.s32 @!p1 $0x0  }
0x14: {  	s2 =	sld [smem:$0x3F8D];
	s0 =	simm.s32 @p1 $0x1  }
0x15: {  	[smem:$0x3FAA] =	sst s0;
	s0 =	simm.s32 @!p2 $0x0  }
0x16: {  	s3 =	sld [smem:$0x3FDB];
	s0 =	simm.s32 @p2 $0x1  }
0x17: {  	s4 =	simm.s32 $0x1BF5;
	[smem:$0x3FAC] =	sst s0  }
0x18: {  	s0 =	sld [smem:$0x3F8F];
	_ =	swait.ge [sflag:s4], $0x0  }
0x19: {  	s7 =	sld [smem:$0x3F90]  }
0x1a: {  	s8 =	sadd.s32 $0xFFFFE003, lr  }
0x1b: {  	s9 =	sadd.s32 $0xFFFFFEF7, lr;
	s5 =	simm.s32 $0xFFFFFFFF;
	p2 =	slt.u32 s8, $0xFFFFF086  }
0x1c: {  	p1 =	slt.u32 s9, $0xF7A;
	s5 =	simm.s32 @!p2 $0x0  }
0x1d: {  	s5 =	simm.s32 @p1 $0x1;
	p0 =	seq.s32 s7, s2  }
0x1e: {  	s7 =	smul.u32 @!p0 $0xF7A, s2;
	p2 =	seq.s32 @!p0 s5, $0x0  }
0x1f: {  	s9 =	smul.u32 $0xF7A, s1;
	s8 =	simm.s32 @!p0 $0x1BF5;
	p2 =	por !p2, p0  }
0x20: {  	[sflag:s8] =	ssyncset.s32 @!p0 $0xFFFFF086;
	s6 =	sadd.s32 @!p0 s3, s7;
	s7 =	simm.s32 @!p0 $0x108  }
0x21: {  	s3 =	sadd.s32 s3, s9;
	s6 =	sadd.s32 @!p0 $0x88, s6;
	s7 =	simm.s32 @p2 $0x1082  }
0x22: {  	[simem:s7], [sflag:s8] =	dma.local @!p0 [hbm:s6], $0xF7A  }
0x23: {  	s9 =	sor.u32 $0xD0000000, s2;
	s6 =	simm.s32 $0x108;
	_ =	swait.ge @!p0 [sflag:s8], $0x0  }
0x24: {  	s3 =	sadd.s32 $0x88, s3;
	s6 =	simm.s32 @!p1 $0x1082;
	[sflag:s4] =	ssyncset.s32 $0xFFFFF086  }
0x25: {  	[simem:s6], [sflag:s4] =	dma.local [hbm:s3], $0xF7A  }
0x26: {  	[smem:$0x3F90] =	sst s1;
	(tag) =	ssettag s2;
	_ =	strace s9  }
0x27: {  	s1 =	sld [smem:$0x3FA0]  }
0x28: {  	s2 =	sld [smem:$0x3FA1]  }
0x29: {  	s4 =	sld [smem:$0x3FA3]  }
0x2a: {  	p0 =	seq.s32 s5, $0x0;
	s5 =	sld [smem:$0x3FA4]  }
0x2b: {  	s6 =	sld [smem:$0x3FA5]  }
0x2c: {  	s7 =	sld [smem:$0x3FA6]  }
0x2d: {  	s3 =	simm.s32 $0x108;
	s8 =	sld [smem:$0x3FA7]  }
0x2e: {  	s3 =	simm.s32 @!p0 $0x1082;
	s9 =	sld [smem:$0x3FA8]  }
0x2f: {  	lr =	sadd.s32 s0, s3;
	s0 =	sld [smem:$0x3F9F]  }
0x30: {  	s3 =	sld [smem:$0x3FA2]  }
0x31: {  	[smem:$0x3FAB] =	sst s10  }
0x32: {  	s10 =	sld [smem:$0x3FA9];
	_ =	sdelay $0x3  }
0x33: {  	p0 =	seq.s32 s10, $0x1;
	s10 =	sld [smem:$0x3FAB];
	_ =	sdelay $0x3  }
0x34: {  	[smem:$0x3FAB] =	sst s10  }
0x35: {  	s10 =	sld [smem:$0x3FAA];
	_ =	sdelay $0x3  }
0x36: {  	p1 =	seq.s32 s10, $0x1;
	s10 =	sld [smem:$0x3FAB];
	_ =	sdelay $0x3  }
0x37: {  	[smem:$0x3FAB] =	sst s10  }
0x38: {  	s10 =	sld [smem:$0x3FAC]  }
0x39: {  	_ = 	snop;
	(pc) =	sbr.ind lr, $3  }
0x3a: {  	_ = 	snop  }
0x3b: {  	_ = 	snop  }
0x3c: {  	p2 =	seq.s32 s10, $0x1;
	s10 =	sld [smem:$0x3FAB]  }
0x3d: {  	_ =	shalt  }
0x3e: {  	_ =	shalt  }
0x3f: {  	_ =	shalt  }
0x40: {  	_ =	shalt  }
0x41: {  	_ =	shalt  }
0x42: {  	_ =	shalt  }
0x43: {  	_ =	shalt  }
0x44: {  	_ =	shalt  }
0x45: {  	_ =	shalt  }
0x46: {  	_ =	shalt  }
0x47: {  	_ =	shalt  }
0x48: {  	_ =	shalt  }
0x49: {  	_ =	shalt  }
0x4a: {  	_ =	shalt  }
0x4b: {  	_ =	shalt  }
0x4c: {  	_ =	shalt  }
0x4d: {  	_ =	shalt  }
0x4e: {  	_ =	shalt  }
0x4f: {  	_ =	shalt  }
0x50: {  	_ =	shalt  }
0x51: {  	_ =	shalt  }
0x52: {  	_ =	shalt  }
0x53: {  	_ =	shalt  }
0x54: {  	_ =	shalt  }
0x55: {  	_ =	shalt  }
0x56: {  	_ =	shalt  }
0x57: {  	_ =	shalt  }
0x58: {  	_ =	shalt  }
0x59: {  	_ =	shalt  }
0x5a: {  	_ =	shalt  }
0x5b: {  	_ =	shalt  }
0x5c: {  	_ =	shalt  }
0x5d: {  	_ =	shalt  }
0x5e: {  	_ =	shalt  }
0x5f: {  	_ =	shalt  }
0x60: {  	_ =	shalt  }
0x61: {  	_ =	shalt  }
0x62: {  	_ =	shalt  }
0x63: {  	_ =	shalt  }
0x64: {  	_ =	shalt  }
0x65: {  	_ =	shalt  }
0x66: {  	_ =	shalt  }
0x67: {  	_ =	shalt  }
0x68: {  	_ =	shalt  }
0x69: {  	_ =	shalt  }
0x6a: {  	_ =	shalt  }
0x6b: {  	_ =	shalt  }
0x6c: {  	_ =	shalt  }
0x6d: {  	_ =	shalt  }
0x6e: {  	_ =	shalt  }
0x6f: {  	_ =	shalt  }
0x70: {  	_ =	shalt  }
0x71: {  	_ =	shalt  }
0x72: {  	_ =	shalt  }
0x73: {  	_ =	shalt  }
0x74: {  	_ =	shalt  }
0x75: {  	_ =	shalt  }
0x76: {  	_ =	shalt  }
0x77: {  	_ =	shalt  }
0x78: {  	_ =	shalt  }
0x79: {  	_ =	shalt  }
0x7a: {  	_ =	shalt  }
0x7b: {  	_ =	shalt  }
0x7c: {  	_ =	shalt  }
0x7d: {  	_ =	shalt  }
0x7e: {  	_ =	shalt  }
0x7f: {  	_ =	shalt  }
0x80: {  	_ =	shalt  }
0x81: {  	_ =	shalt  }
0x82: {  	_ =	shalt  }
0x83: {  	_ =	shalt  }
0x84: {  	_ =	shalt  }
0x85: {  	_ =	shalt  }
0x86: {  	_ =	shalt  }
0x87: {  	_ =	shalt  }
.Lfunc_end0:
.L_simem_size_0:
called_computation.2_lowered:
.L_overlay_start_0:
0x88: {  	s2 =	sld [smem:$0x3FD9]  }
0x89: {  	s3 =	sld [smem:$0x3FFE];
	_ =	sdelay $0x1  }
0x8a: {  	s1 =	srdreg.scid  }
0x8b: {  	s0 =	sand.u32 $0x1, s1  }
0x8c: {  	s16 =	sshll.u32 s0, $0xA;
	s2 =	sadd.s32 s3, s2  }
0x8d: {  	s2 =	sadd.s32 s2, s16  }
0x8e: {  	[smem:$0x3FB7] =	sst s2  }
0x8f: {  	_ = 	snop  }
0x90: {  	(tm) =	ssettm $0x1  }
0x91: {  	s17 =	sld [smem:$0x3FFB];
	_ =	sdelay $0x3  }
0x92: {  	_ =	strace s17  }
0x93: {  	s2 =	sld [smem:$0x3FFC];
	_ =	sdelay $0x3  }
0x94: {  	_ =	strace s2  }
0x95: {  	s2 =	sld [smem:$0x3FFD];
	_ =	sdelay $0x3  }
0x96: {  	_ =	strace s2  }
0x97: {  	_ =	strace $0x8FFFFFFF  }
0x98: {  	s18 =	sld [smem:$0x3FDB];
	_ =	sdelay $0x1  }
0x99: {  	s19 =	simm.s32 $_scs_section_size  }
0x9a: {  	s4 =	simm.s32 $_size__tile_overlayer_lowered;
	s5 =	simm.s32 $_tile_overlayer_lowered  }
0x9b: {  	s22 =	simm.s32 $0x1BFF;
	s21 =	sshll.u32 s5, $0x1;
	s2 =	sadd.s32 s19, s18  }
0x9c: {  	s6 =	simm.s32 $0x0;
	s20 =	sshll.u32 s4, $0x1;
	s4 =	sadd.s32 s21, s2  }
0x9d: {  	[timem:s6], [sflag:s22] =	dma.local [hbm:s4], s20  }
0x9e: {  	_ =	swait.ge [sflag:s22], s20  }
0x9f: {  	s3 =	ssub.s32 $0x0, s20;
	[sflag:s22] =	ssyncset.done $0x0  }
0xa0: {  	[sflag:s22] =	ssyncadd.s32 s3;
	_ =	sdelay $0x1  }
0xa1: {  	s23 =	simm.s32 $0x1B8B  }
0xa2: {  	_ =	swait.ge [sflag:s23], $0x1  }
0xa3: {  	[sflag:s23] =	ssyncset.done $0x0  }
0xa4: {  	s25 =	simm.s32 $0x1B8E;
	s24 =	sld [smem:$0x3FFE];
	[sflag:s23] =	ssyncadd.s32 $0xFFFFFFFF  }
0xa5: {  	s26 =	simm.s32 $execute0_lowered;
	[smem:$0x3FD2] =	sst s25  }
0xa6: {  	s4 =	sshll.u32 s26, $0x1;
	_ =	strace $0x80000049;
	[dreg:$0x1] =	wrdreg $0xFFFFFFFF  }
0xa7: {  	s28 =	simm.s32 $_size_execute0_lowered;
	s2 =	sadd.s32 s2, s4;
	[dreg:$0x0] =	wrdreg $0x0  }
0xa8: {  	s4 =	sshll.u32 s28, $0x1;
	[dreg:$0x2] =	wrdreg s2  }
0xa9: {  	[dreg:$0x3] =	wrdreg s4  }
0xaa: {  	[dreg:$0x4] =	wrdreg $0xC0  }
0xab: {  	_ =	task [dreg:s6], $0x5FFFF  }
0xac: {  	[dreg:$0x1] =	wrdreg $0xFFFFFFFF  }
0xad: {  	[dreg:$0x0] =	wrdreg $0x60  }
0xae: {  	[dreg:$0x2] =	wrdreg s24  }
0xaf: {  	[dreg:$0x3] =	wrdreg $0x7C000  }
0xb0: {  	[dreg:$0x4] =	wrdreg $0xA  }
0xb1: {  	_ =	task.clear_ibuf [dreg:s6], $0x5FFFF;
	_ =	strace $0x90000049  }
0xb2: {  	s29 =	simm.s32 $0xA;
	_ =	strace $0x8000004B  }
0xb3: {  	_ =	swait.ge [sflag:s29], $0x1  }
0xb4: {  	[sflag:s29] =	ssyncadd.s32 $0xFFFFFFFF  }
0xb5: {  	_ =	strace $0x9000004B  }
0xb6: {  	_ =	sfence  }
0xb7: {  	s30 =	sld [smem:$0x0];
	_ =	sdelay $0x2  }
0xb8: {  	s31 =	sshll.u32 s1, $0xD;
	s1 =	sshrl.u32 s1, $0x2  }
0xb9: {  	s3 =	sand.u32 $0x4000, s31;
	s1 =	sadd.s32 s1, s30  }
0xba: {  	s0 =	sor.u32 s3, s0;
	s1 =	sshll.u32 s1, $0x11  }
0xbb: {  	s0 =	sor.u32 s1, s0  }
0xbc: {  	s0 =	sadd.s32 $0x8F2B, s0  }
0xbd: {  	[sflag:s0] =	ssyncadd.remote.s32 $0x1  }
0xbe: {  	_ =	sfence.sel $0xFFFF  }
0xbf: {  	[dreg:$0x0] =	wrdreg $0xFFFFFFFF;
	(pc) =	sbr.abs _section_cstart, $3  }
0xc0: {  	[dreg:$0x1] =	wrdreg $0xFFFFFFFF  }
0xc1: {  	_ =	task.clear_ibuf [dreg:s6], $0x2FFFF;
	_ =	strace $0x9FFFFFFF  }
0xc2: {  	(tm) =	ssettm $0x7FFFFFFF  }
0xc3: {  	_ =	shalt  }
tec
execute0_lowered:
.L_overlay_start_1:
0x0: {  	(tag) =	ssettag $0x1  }
0x1: {  	s0 =	srdreg.scid  }
0x2: {  	s4 =	sand.u32 $0x1, s0  }
0x3: {  	s0 =	stileid.u32;
	s7 =	smul.u32 $0x27100, s4  }
0x4: {  	s31 =	smul.u32 $0xA000, s0  }
0x5: {  	s8 =	sor.u32 $0x10, s0;
	s24 =	smul.u32 $0x500, s0  }
0x6: {  	s10 =	sor.u32 $0x20, s0;
	s9 =	smul.u32 $0xA000, s8  }
0x7: {  	s13 =	sor.u32 $0x30, s0;
	s12 =	smul.u32 $0xA000, s10  }
0x8: {  	s15 =	sor.u32 $0x40, s0;
	s14 =	smul.u32 $0xA000, s13  }
0x9: {  	s17 =	sor.u32 $0x50, s0;
	s16 =	smul.u32 $0xA000, s15  }
0xa: {  	s19 =	sor.u32 $0x60, s0;
	s18 =	smul.u32 $0xA000, s17  }
0xb: {  	s22 =	sor.u32 $0x70, s0;
	s20 =	smul.u32 $0xA000, s19  }
0xc: {  	s5 =	rddreg [dreg:$0x0];
	s23 =	smul.u32 $0xA000, s22  }
0xd: {  	s2 =	rddreg [dreg:$0x1];
	s3 =	simm.s32 $0x0;
	s25 =	smul.u32 $0x500, s8  }
0xe: {  	[smem:$0x7FF] =	sst s3;
	s26 =	smul.u32 $0x500, s10  }
0xf: {  	s1 =	sshll.u32 s4, $0x4;
	s4 =	ssub.s32 $0x2, s4;
	s28 =	smul.u32 $0x500, s15  }
0x10: {  	s6 =	sor.u32 s0, s1;
	s1 =	rddreg [dreg:$0x2];
	s29 =	smul.u32 $0x500, s17  }
0x11: {  	_ =	strace $0x8000004A;
	s11 =	sshrl.u32 s4, $0x1;
	s30 =	smul.u32 $0x500, s19  }
0x12: {  	p0 =	sgt.u32 s22, $0x7C;
	s6 =	smul.u32 $0x280, s6;
	s11 =	ssub.s32 s4, s11  }
0x13: {  	s9 =	sshrl.u32 s9, $0x2;
	s20 =	sshrl.u32 s20, $0x2;
	s23 =	sshrl.u32 s23, $0x2  }
0x14: {  	s6 =	sadd.s32 s6, s5;
	s5 =	sadd.s32 s7, s5;
	s7 =	sshrl.u32 s31, $0x2  }
0x15: {  	s31 =	smul.u32 $0x500, s22;
	s22 =	simm.s32 $0x6800;
	s4 =	sadd.s32 $0xD800, s6  }
0x16: {  	s21 =	sadd.s32 $0x12800, s5;
	s5 =	smax.u32 s11, $0x1;
	s6 =	sadd.s32 s7, s2  }
0x17: {  	s7 =	sadd.s32 s9, s2;
	s11 =	sshrl.u32 s12, $0x2;
	s12 =	sshrl.u32 s14, $0x2  }
0x18: {  	s14 =	sshrl.u32 s16, $0x2;
	s16 =	sshrl.u32 s18, $0x2;
	s18 =	smul.u32 $0x500, s13  }
0x19: {  	s13 =	sadd.s32 s23, s2;
	s23 =	simm.s32 $0x1;
	s8 =	sadd.s32 s11, s2  }
0x1a: {  	s9 =	sadd.s32 s12, s2;
	s10 =	sadd.s32 s14, s2;
	s11 =	sadd.s32 s16, s2  }
0x1b: {  	s12 =	sadd.s32 s20, s2;
	s14 =	sadd.s32 s21, s24;
	s15 =	sadd.s32 s21, s25  }
0x1c: {  	s16 =	sadd.s32 s21, s26;
	s19 =	sadd.s32 s21, s29;
	s20 =	sadd.s32 s21, s30  }
0x1d: {  	s24 =	simm.s32 $0x4000;
	s25 =	simm.s32 $0x80;
	s26 =	simm.s32 $0x0  }
0x1e: {  	v0 =	vimm.f32 $1.000000000e+00;
	v1 =	vimm.f32 $0.0e+00;
	s17 =	sadd.s32 s21, s18;
	s18 =	sadd.s32 s21, s28;
	s21 =	sadd.s32 s21, s31  }
.LBB2_1:
0x1f: {  	s28 =	simm.s32 $0x0  }
.LBB2_2:
0x20: {  	p1 =	sne.s32 s28, $0xFE00  }
.Ltmp0:
0x21: {  	_ = 	snop;
	(pc) =	sbr.rel @p1 .LBB2_2-.Ltmp0, $3  }
0x22: {  	_ =	sdelay $0x1  }
0x23: {  	s29 =	sshra.s32 s28, $0x2  }
0x24: {  	s28 =	sadd.s32 $0x200, s28;
	[tilespmem:s29+$0x0] =	vst v0  }
0x25: {  	s28 =	simm.s32 $0x200;
	s29 =	simm.s32 $0x0  }
.LBB2_4:
0x26: {  	p1 =	sne.s32 s28, $0x9E00;
	[tilespmem:s29+$0x4000] =	vst v1;
	s29 =	smov.u32 s28;
	s28 =	sadd.s32 $0x200, s28  }
.Ltmp1:
0x27: {  	(pc) =	sbr.rel @p1 .LBB2_4-.Ltmp1, $2  }
0x28: {  	_ =	sdelay $0x2  }
0x29: {  	s29 =	sshra.s32 s29, $0x2  }
0x2a: {  	[tilespmem:s29+$0x4000] =	vst v1  }
0x2b: {  	[tilespmem:s22], [sflag:$0x1] =	stream.linear.gather [hbm4b:s4+s3], $0x1400, $0x38;
	[tilespmem:$0xA390] =	vst v63  }
0x2c: {  	_ =	swait.ge [sflag:s23], $0x1400  }
0x2d: {  	[sflag:s23] =	ssyncset.done $0x0  }
0x2e: {  	[sflag:s23] =	ssyncadd.s32 $0xFFFFEC00  }
0x2f: {  	[spmem:s6] =	stream.linear.scatter [tilespmem:s24], [sflag:$0x1], $0x2800, $0x38;
	[tilespmem:$0xA390] =	vst v63  }
0x30: {  	_ =	swait.ge [sflag:s23], $0x2800  }
0x31: {  	[sflag:s23] =	ssyncset.done $0x0  }
0x32: {  	[sflag:s23] =	ssyncadd.s32 $0xFFFFD800  }
0x33: {  	[spmem:s7] =	stream.linear.scatter [tilespmem:s24], [sflag:$0x1], $0x2800, $0x38;
	[tilespmem:$0xA390] =	vst v63  }
0x34: {  	_ =	swait.ge [sflag:s23], $0x2800  }
0x35: {  	[sflag:s23] =	ssyncset.done $0x0  }
0x36: {  	[sflag:s23] =	ssyncadd.s32 $0xFFFFD800  }
0x37: {  	[spmem:s8] =	stream.linear.scatter [tilespmem:s24], [sflag:$0x1], $0x2800, $0x38;
	[tilespmem:$0xA390] =	vst v63  }
0x38: {  	_ =	swait.ge [sflag:s23], $0x2800  }
0x39: {  	[sflag:s23] =	ssyncset.done $0x0  }
0x3a: {  	[sflag:s23] =	ssyncadd.s32 $0xFFFFD800  }
0x3b: {  	[spmem:s9] =	stream.linear.scatter [tilespmem:s24], [sflag:$0x1], $0x2800, $0x38;
	[tilespmem:$0xA390] =	vst v63  }
0x3c: {  	_ =	swait.ge [sflag:s23], $0x2800  }
0x3d: {  	[sflag:s23] =	ssyncset.done $0x0  }
0x3e: {  	[sflag:s23] =	ssyncadd.s32 $0xFFFFD800  }
0x3f: {  	[spmem:s10] =	stream.linear.scatter [tilespmem:s24], [sflag:$0x1], $0x2800, $0x38;
	[tilespmem:$0xA390] =	vst v63  }
0x40: {  	_ =	swait.ge [sflag:s23], $0x2800  }
0x41: {  	[sflag:s23] =	ssyncset.done $0x0  }
0x42: {  	[sflag:s23] =	ssyncadd.s32 $0xFFFFD800  }
0x43: {  	[spmem:s11] =	stream.linear.scatter [tilespmem:s24], [sflag:$0x1], $0x2800, $0x38;
	[tilespmem:$0xA390] =	vst v63  }
0x44: {  	_ =	swait.ge [sflag:s23], $0x2800  }
0x45: {  	[sflag:s23] =	ssyncset.done $0x0  }
0x46: {  	[sflag:s23] =	ssyncadd.s32 $0xFFFFD800  }
0x47: {  	[spmem:s12] =	stream.linear.scatter [tilespmem:s24], [sflag:$0x1], $0x2800, $0x38;
	[tilespmem:$0xA390] =	vst v63  }
0x48: {  	_ =	swait.ge [sflag:s23], $0x2800  }
0x49: {  	[sflag:s23] =	ssyncset.done $0x0  }
0x4a: {  	s28 =	simm.s32 @!p0 $0x4000;
	[sflag:s23] =	ssyncadd.s32 $0xFFFFD800  }
0x4b: {  	[spmem:s13] =	stream.linear.scatter @!p0 [tilespmem:s28], [sflag:$0x1], $0x2800, $0x38;
	[tilespmem:$0xA390] =	vst v63  }
0x4c: {  	s28 =	simm.s32 @!p0 $0x1  }
0x4d: {  	_ =	swait.ge @!p0 [sflag:s28], $0x2800  }
0x4e: {  	[sflag:s28] =	ssyncset.done @!p0 $0x0  }
0x4f: {  	[sflag:s28] =	ssyncadd.s32 @!p0 $0xFFFFD800  }
0x50: {  	s28 =	simm.s32 $0x6800;
	[bflag:$0x0] =	sbarrier.arrive $0xFFFF  }
0x51: {  	[spmem:s2] =	stream.indirect.scatter.add.f32 [tilespmem:s3], [sflag:$0x1], $0x10, s28, s25, $0xb8;
	[tilespmem:$0xA390] =	vst v63  }
0x52: {  	s28 =	simm.s32 $0x200;
	_ =	swait.ge [sflag:s23], $0x800  }
.LBB2_6:
0x53: {  	s29 =	sshra.s32 s28, $0x2;
	[sflag:s23] =	ssyncset.done $0x0;
	p1 =	sne.s32 s28, $0x4E00  }
.Ltmp2:
0x54: {  	s29 =	sadd.s32 $0x6800, s29;
	[sflag:s23] =	ssyncadd.s32 $0xFFFFF800;
	(pc) =	sbr.rel @p1 .LBB2_6-.Ltmp2, $3  }
0x55: {  	[spmem:s2] =	stream.indirect.scatter.add.f32 [tilespmem:s3], [sflag:$0x1], $0x10, s29, s25, $0xb8;
	[tilespmem:$0xA390] =	vst v63  }
0x56: {  	s28 =	sadd.s32 $0x200, s28;
	_ =	sdelay $0x1  }
0x57: {  	_ =	swait.ge [sflag:s23], $0x800  }
0x58: {  	[sflag:s23] =	ssyncset.done $0x0  }
0x59: {  	s28 =	sshll.u32 s0, $0x6;
	[sflag:s23] =	ssyncadd.s32 $0xFFFFF800  }
0x5a: {  	s29 =	sshrl.u32 s6, $0x3;
	s28 =	sor.u32 $0x1C01, s28;
	[bflag:$0x0] =	sbarrier.arrive $0xFFFF  }
0x5b: {  	[hbm:s14], [sflag:s28] =	dma.local [spmem:s29], $0x500  }
0x5c: {  	_ =	swait.ge [sflag:s23], $0x500  }
0x5d: {  	[sflag:s23] =	ssyncset.done $0x0  }
0x5e: {  	s30 =	sshrl.u32 s7, $0x3;
	[sflag:s23] =	ssyncadd.s32 $0xFFFFFB00  }
0x5f: {  	[hbm:s15], [sflag:s28] =	dma.local [spmem:s30], $0x500  }
0x60: {  	_ =	swait.ge [sflag:s23], $0x500  }
0x61: {  	[sflag:s23] =	ssyncset.done $0x0  }
0x62: {  	s31 =	sshrl.u32 s8, $0x3;
	[sflag:s23] =	ssyncadd.s32 $0xFFFFFB00  }
0x63: {  	[hbm:s16], [sflag:s28] =	dma.local [spmem:s31], $0x500  }
0x64: {  	_ =	swait.ge [sflag:s23], $0x500  }
0x65: {  	[sflag:s23] =	ssyncset.done $0x0  }
0x66: {  	s30 =	sshrl.u32 s9, $0x3;
	[sflag:s23] =	ssyncadd.s32 $0xFFFFFB00  }
0x67: {  	[hbm:s17], [sflag:s28] =	dma.local [spmem:s30], $0x500  }
0x68: {  	_ =	swait.ge [sflag:s23], $0x500  }
0x69: {  	[sflag:s23] =	ssyncset.done $0x0  }
0x6a: {  	s31 =	sshrl.u32 s10, $0x3;
	[sflag:s23] =	ssyncadd.s32 $0xFFFFFB00  }
0x6b: {  	[hbm:s18], [sflag:s28] =	dma.local [spmem:s31], $0x500  }
0x6c: {  	_ =	swait.ge [sflag:s23], $0x500  }
0x6d: {  	[sflag:s23] =	ssyncset.done $0x0  }
0x6e: {  	s30 =	sshrl.u32 s11, $0x3;
	[sflag:s23] =	ssyncadd.s32 $0xFFFFFB00  }
0x6f: {  	[hbm:s19], [sflag:s28] =	dma.local [spmem:s30], $0x500  }
0x70: {  	_ =	swait.ge [sflag:s23], $0x500  }
0x71: {  	[sflag:s23] =	ssyncset.done $0x0  }
0x72: {  	s31 =	sshrl.u32 s12, $0x3;
	[sflag:s23] =	ssyncadd.s32 $0xFFFFFB00  }
0x73: {  	[hbm:s20], [sflag:s28] =	dma.local [spmem:s31], $0x500  }
0x74: {  	_ =	swait.ge [sflag:s23], $0x500  }
0x75: {  	s26 =	sadd.s32 $0x1, s26;
	[sflag:s23] =	ssyncset.done $0x0  }
0x76: {  	p1 =	sne.s32 s26, s5;
	s29 =	sshrl.u32 @!p0 s13, $0x3;
	[sflag:s23] =	ssyncadd.s32 $0xFFFFFB00  }
0x77: {  	[hbm:s21], [sflag:s28] =	dma.local @!p0 [spmem:s29], $0x500  }
.Ltmp3:
0x78: {  	_ = 	snop;
	(pc) =	sbr.rel @p1 .LBB2_1-.Ltmp3, $4  }
0x79: {  	s28 =	simm.s32 @!p0 $0x1  }
0x7a: {  	_ =	swait.ge @!p0 [sflag:s28], $0x500  }
0x7b: {  	[sflag:s28] =	ssyncset.done @!p0 $0x0  }
0x7c: {  	[sflag:s28] =	ssyncadd.s32 @!p0 $0xFFFFFB00  }
0x7d: {  	_ =	sfence.sel $0x180000  }
0x7e: {  	[bflag:$0x0] =	sbarrier.arrive $0xFFFF  }
0x7f: {  	p0 =	sne.s32 s0, $0x0;
	_ =	strace $0x9000004A  }
0x80: {  	s0 =	sadd.s32 @!p0 $0x100000, s1;
	[bflag:$0x2] =	sbarrier.arrive $0xFFFF  }
0x81: {  	[sflag:s0] =	ssyncadd.tile.s32 @!p0 $0x1;
	_ =	shalt  }
.Lfunc_end2:
_tile_overlayer_lowered:
.L_overlay_start_2:
0x82: {  	(tag) =	ssettag $0x2  }
0x83: {  	s0 =	rddreg [dreg:$0x0];
	s2 =	stileid.u32  }
0x84: {  	s1 =	rddreg [dreg:$0x1];
	p0 =	sne.s32 s2, $0x0  }
0x85: {  	s3 =	rddreg [dreg:$0x2];
	[bflag:$0x3] =	sbarrier.arrive $0xFFFF;
	s2 =	simm.s32 @!p0 $0x1C01  }
0x86: {  	[timem:s3], [sflag:s2] =	dma.local @!p0 [hbm:s0], s1  }
0x87: {  	s0 =	simm.s32 @!p0 $0x1  }
0x88: {  	_ =	swait.ge @!p0 [sflag:s0], s1  }
0x89: {  	s1 =	ssub.s32 @!p0 $0x0, s1;
	[sflag:s0] =	ssyncset.done @!p0 $0x0  }
0x8a: {  	[sflag:s0] =	ssyncadd.s32 @!p0 s1  }
0x8b: {  	[bflag:$0x3] =	sbarrier.arrive $0xFFFF  }
0x8c: {  	_ =	shalt  }

// kernel: kernel.13.cloned.1.call-start
scs
__scs_entry_jumppad:
0x0: {  	(pc) =	sbr.rel $0x88, $3  }
0x1: {  	(tag) =	ssettag $0x0;
	lr =	simm.s32 $0x1  }
0x2: {  	[smem:$0x3F90] =	sst lr;
	_ =	strace $0xD0000000  }
0x3: {  	_ = 	snop  }
0x4: {  	_ = 	snop  }
0x5: {  	_ = 	snop  }
0x6: {  	_ = 	snop  }
0x7: {  	_ = 	snop  }
__scs_overlays_trampoline_lowered:
0x8: {  	[smem:$0x3F9F] =	sst s0  }
0x9: {  	[smem:$0x3FA0] =	sst s1  }
0xa: {  	[smem:$0x3FA1] =	sst s2  }
0xb: {  	[smem:$0x3FA2] =	sst s3  }
0xc: {  	[smem:$0x3FA3] =	sst s4  }
0xd: {  	[smem:$0x3FA4] =	sst s5  }
0xe: {  	[smem:$0x3FA5] =	sst s6  }
0xf: {  	[smem:$0x3FA6] =	sst s7  }
0x10: {  	[smem:$0x3FA7] =	sst s8  }
0x11: {  	[smem:$0x3FA8] =	sst s9;
	s0 =	simm.s32 @!p0 $0x0  }
0x12: {  	s1 =	sld [smem:$0x3F8E];
	s0 =	simm.s32 @p0 $0x1  }
0x13: {  	[smem:$0x3FA9] =	sst s0;
	s0 =	simm.s32 @!p1 $0x0  }
0x14: {  	s2 =	sld [smem:$0x3F8D];
	s0 =	simm.s32 @p1 $0x1  }
0x15: {  	[smem:$0x3FAA] =	sst s0;
	s0 =	simm.s32 @!p2 $0x0  }
0x16: {  	s3 =	sld [smem:$0x3FDB];
	s0 =	simm.s32 @p2 $0x1  }
0x17: {  	s4 =	simm.s32 $0x1BF5;
	[smem:$0x3FAC] =	sst s0  }
0x18: {  	s0 =	sld [smem:$0x3F8F];
	_ =	swait.ge [sflag:s4], $0x0  }
0x19: {  	s7 =	sld [smem:$0x3F90]  }
0x1a: {  	s8 =	sadd.s32 $0xFFFFE003, lr  }
0x1b: {  	s9 =	sadd.s32 $0xFFFFFEF7, lr;
	s5 =	simm.s32 $0xFFFFFFFF;
	p2 =	slt.u32 s8, $0xFFFFF086  }
0x1c: {  	p1 =	slt.u32 s9, $0xF7A;
	s5 =	simm.s32 @!p2 $0x0  }
0x1d: {  	s5 =	simm.s32 @p1 $0x1;
	p0 =	seq.s32 s7, s2  }
0x1e: {  	s7 =	smul.u32 @!p0 $0xF7A, s2;
	p2 =	seq.s32 @!p0 s5, $0x0  }
0x1f: {  	s9 =	smul.u32 $0xF7A, s1;
	s8 =	simm.s32 @!p0 $0x1BF5;
	p2 =	por !p2, p0  }
0x20: {  	[sflag:s8] =	ssyncset.s32 @!p0 $0xFFFFF086;
	s6 =	sadd.s32 @!p0 s3, s7;
	s7 =	simm.s32 @!p0 $0x108  }
0x21: {  	s3 =	sadd.s32 s3, s9;
	s6 =	sadd.s32 @!p0 $0x88, s6;
	s7 =	simm.s32 @p2 $0x1082  }
0x22: {  	[simem:s7], [sflag:s8] =	dma.local @!p0 [hbm:s6], $0xF7A  }
0x23: {  	s9 =	sor.u32 $0xD0000000, s2;
	s6 =	simm.s32 $0x108;
	_ =	swait.ge @!p0 [sflag:s8], $0x0  }
0x24: {  	s3 =	sadd.s32 $0x88, s3;
	s6 =	simm.s32 @!p1 $0x1082;
	[sflag:s4] =	ssyncset.s32 $0xFFFFF086  }
0x25: {  	[simem:s6], [sflag:s4] =	dma.local [hbm:s3], $0xF7A  }
0x26: {  	[smem:$0x3F90] =	sst s1;
	(tag) =	ssettag s2;
	_ =	strace s9  }
0x27: {  	s1 =	sld [smem:$0x3FA0]  }
0x28: {  	s2 =	sld [smem:$0x3FA1]  }
0x29: {  	s4 =	sld [smem:$0x3FA3]  }
0x2a: {  	p0 =	seq.s32 s5, $0x0;
	s5 =	sld [smem:$0x3FA4]  }
0x2b: {  	s6 =	sld [smem:$0x3FA5]  }
0x2c: {  	s7 =	sld [smem:$0x3FA6]  }
0x2d: {  	s3 =	simm.s32 $0x108;
	s8 =	sld [smem:$0x3FA7]  }
0x2e: {  	s3 =	simm.s32 @!p0 $0x1082;
	s9 =	sld [smem:$0x3FA8]  }
0x2f: {  	lr =	sadd.s32 s0, s3;
	s0 =	sld [smem:$0x3F9F]  }
0x30: {  	s3 =	sld [smem:$0x3FA2]  }
0x31: {  	[smem:$0x3FAB] =	sst s10  }
0x32: {  	s10 =	sld [smem:$0x3FA9];
	_ =	sdelay $0x3  }
0x33: {  	p0 =	seq.s32 s10, $0x1;
	s10 =	sld [smem:$0x3FAB];
	_ =	sdelay $0x3  }
0x34: {  	[smem:$0x3FAB] =	sst s10  }
0x35: {  	s10 =	sld [smem:$0x3FAA];
	_ =	sdelay $0x3  }
0x36: {  	p1 =	seq.s32 s10, $0x1;
	s10 =	sld [smem:$0x3FAB];
	_ =	sdelay $0x3  }
0x37: {  	[smem:$0x3FAB] =	sst s10  }
0x38: {  	s10 =	sld [smem:$0x3FAC]  }
0x39: {  	_ = 	snop;
	(pc) =	sbr.ind lr, $3  }
0x3a: {  	_ = 	snop  }
0x3b: {  	_ = 	snop  }
0x3c: {  	p2 =	seq.s32 s10, $0x1;
	s10 =	sld [smem:$0x3FAB]  }
0x3d: {  	_ =	shalt  }
0x3e: {  	_ =	shalt  }
0x3f: {  	_ =	shalt  }
0x40: {  	_ =	shalt  }
0x41: {  	_ =	shalt  }
0x42: {  	_ =	shalt  }
0x43: {  	_ =	shalt  }
0x44: {  	_ =	shalt  }
0x45: {  	_ =	shalt  }
0x46: {  	_ =	shalt  }
0x47: {  	_ =	shalt  }
0x48: {  	_ =	shalt  }
0x49: {  	_ =	shalt  }
0x4a: {  	_ =	shalt  }
0x4b: {  	_ =	shalt  }
0x4c: {  	_ =	shalt  }
0x4d: {  	_ =	shalt  }
0x4e: {  	_ =	shalt  }
0x4f: {  	_ =	shalt  }
0x50: {  	_ =	shalt  }
0x51: {  	_ =	shalt  }
0x52: {  	_ =	shalt  }
0x53: {  	_ =	shalt  }
0x54: {  	_ =	shalt  }
0x55: {  	_ =	shalt  }
0x56: {  	_ =	shalt  }
0x57: {  	_ =	shalt  }
0x58: {  	_ =	shalt  }
0x59: {  	_ =	shalt  }
0x5a: {  	_ =	shalt  }
0x5b: {  	_ =	shalt  }
0x5c: {  	_ =	shalt  }
0x5d: {  	_ =	shalt  }
0x5e: {  	_ =	shalt  }
0x5f: {  	_ =	shalt  }
0x60: {  	_ =	shalt  }
0x61: {  	_ =	shalt  }
0x62: {  	_ =	shalt  }
0x63: {  	_ =	shalt  }
0x64: {  	_ =	shalt  }
0x65: {  	_ =	shalt  }
0x66: {  	_ =	shalt  }
0x67: {  	_ =	shalt  }
0x68: {  	_ =	shalt  }
0x69: {  	_ =	shalt  }
0x6a: {  	_ =	shalt  }
0x6b: {  	_ =	shalt  }
0x6c: {  	_ =	shalt  }
0x6d: {  	_ =	shalt  }
0x6e: {  	_ =	shalt  }
0x6f: {  	_ =	shalt  }
0x70: {  	_ =	shalt  }
0x71: {  	_ =	shalt  }
0x72: {  	_ =	shalt  }
0x73: {  	_ =	shalt  }
0x74: {  	_ =	shalt  }
0x75: {  	_ =	shalt  }
0x76: {  	_ =	shalt  }
0x77: {  	_ =	shalt  }
0x78: {  	_ =	shalt  }
0x79: {  	_ =	shalt  }
0x7a: {  	_ =	shalt  }
0x7b: {  	_ =	shalt  }
0x7c: {  	_ =	shalt  }
0x7d: {  	_ =	shalt  }
0x7e: {  	_ =	shalt  }
0x7f: {  	_ =	shalt  }
0x80: {  	_ =	shalt  }
0x81: {  	_ =	shalt  }
0x82: {  	_ =	shalt  }
0x83: {  	_ =	shalt  }
0x84: {  	_ =	shalt  }
0x85: {  	_ =	shalt  }
0x86: {  	_ =	shalt  }
0x87: {  	_ =	shalt  }
.Lfunc_end0:
.L_simem_size_0:
called_computation.3_lowered:
.L_overlay_start_0:
0x88: {  	s2 =	sld [smem:$0x3FD9]  }
0x89: {  	s3 =	sld [smem:$0x3FFE];
	_ =	sdelay $0x1  }
0x8a: {  	s1 =	srdreg.scid  }
0x8b: {  	s0 =	sand.u32 $0x1, s1  }
0x8c: {  	s16 =	sshll.u32 s0, $0xA;
	s2 =	sadd.s32 s3, s2  }
0x8d: {  	s2 =	sadd.s32 s2, s16  }
0x8e: {  	[smem:$0x3FB7] =	sst s2  }
0x8f: {  	_ = 	snop  }
0x90: {  	(tm) =	ssettm $0x1  }
0x91: {  	s17 =	sld [smem:$0x3FFB];
	_ =	sdelay $0x3  }
0x92: {  	_ =	strace s17  }
0x93: {  	s2 =	sld [smem:$0x3FFC];
	_ =	sdelay $0x3  }
0x94: {  	_ =	strace s2  }
0x95: {  	s2 =	sld [smem:$0x3FFD];
	_ =	sdelay $0x3  }
0x96: {  	_ =	strace s2  }
0x97: {  	_ =	strace $0x8FFFFFFF  }
0x98: {  	s18 =	sld [smem:$0x3FDB];
	_ =	sdelay $0x1  }
0x99: {  	s19 =	simm.s32 $_scs_section_size  }
0x9a: {  	s4 =	simm.s32 $_size__tile_overlayer_lowered;
	s5 =	simm.s32 $_tile_overlayer_lowered  }
0x9b: {  	s22 =	simm.s32 $0x1BFF;
	s21 =	sshll.u32 s5, $0x1;
	s2 =	sadd.s32 s19, s18  }
0x9c: {  	s6 =	simm.s32 $0x0;
	s20 =	sshll.u32 s4, $0x1;
	s4 =	sadd.s32 s21, s2  }
0x9d: {  	[timem:s6], [sflag:s22] =	dma.local [hbm:s4], s20  }
0x9e: {  	_ =	swait.ge [sflag:s22], s20  }
0x9f: {  	s3 =	ssub.s32 $0x0, s20;
	[sflag:s22] =	ssyncset.done $0x0  }
0xa0: {  	[sflag:s22] =	ssyncadd.s32 s3;
	_ =	sdelay $0x1  }
0xa1: {  	s23 =	simm.s32 $0x1B8B  }
0xa2: {  	_ =	swait.ge [sflag:s23], $0x1  }
0xa3: {  	[sflag:s23] =	ssyncset.done $0x0  }
0xa4: {  	s25 =	simm.s32 $0x1B8E;
	s24 =	sld [smem:$0x3FFE];
	[sflag:s23] =	ssyncadd.s32 $0xFFFFFFFF  }
0xa5: {  	s26 =	simm.s32 $execute0_lowered;
	[smem:$0x3FD2] =	sst s25  }
0xa6: {  	s4 =	sshll.u32 s26, $0x1;
	_ =	strace $0x8000004F;
	[dreg:$0x1] =	wrdreg $0xFFFFFFFF  }
0xa7: {  	s28 =	simm.s32 $_size_execute0_lowered;
	s2 =	sadd.s32 s2, s4;
	[dreg:$0x0] =	wrdreg $0x0  }
0xa8: {  	s4 =	sshll.u32 s28, $0x1;
	[dreg:$0x2] =	wrdreg s2  }
0xa9: {  	[dreg:$0x3] =	wrdreg s4  }
0xaa: {  	[dreg:$0x4] =	wrdreg $0xC0  }
0xab: {  	_ =	task [dreg:s6], $0x5FFFF  }
0xac: {  	[dreg:$0x1] =	wrdreg $0xFFFFFFFF  }
0xad: {  	[dreg:$0x0] =	wrdreg $0x60  }
0xae: {  	[dreg:$0x2] =	wrdreg s24  }
0xaf: {  	[dreg:$0x3] =	wrdreg $0x41000  }
0xb0: {  	[dreg:$0x4] =	wrdreg $0x9  }
0xb1: {  	_ =	task.clear_ibuf [dreg:s6], $0x5FFFF;
	_ =	strace $0x9000004F  }
0xb2: {  	s29 =	simm.s32 $0x9;
	_ =	strace $0x80000051  }
0xb3: {  	_ =	swait.ge [sflag:s29], $0x1  }
0xb4: {  	[sflag:s29] =	ssyncadd.s32 $0xFFFFFFFF  }
0xb5: {  	_ =	strace $0x90000051  }
0xb6: {  	_ =	sfence  }
0xb7: {  	s30 =	sld [smem:$0x0];
	_ =	sdelay $0x2  }
0xb8: {  	s31 =	sshll.u32 s1, $0xD;
	s1 =	sshrl.u32 s1, $0x2  }
0xb9: {  	s3 =	sand.u32 $0x4000, s31;
	s1 =	sadd.s32 s1, s30  }
0xba: {  	s0 =	sor.u32 s3, s0;
	s1 =	sshll.u32 s1, $0x11  }
0xbb: {  	s0 =	sor.u32 s1, s0  }
0xbc: {  	s0 =	sadd.s32 $0x8F2B, s0  }
0xbd: {  	[sflag:s0] =	ssyncadd.remote.s32 $0x1  }
0xbe: {  	_ =	sfence.sel $0xFFFF  }
0xbf: {  	[dreg:$0x0] =	wrdreg $0xFFFFFFFF;
	(pc) =	sbr.abs _section_cstart, $3  }
0xc0: {  	[dreg:$0x1] =	wrdreg $0xFFFFFFFF  }
0xc1: {  	_ =	task.clear_ibuf [dreg:s6], $0x2FFFF;
	_ =	strace $0x9FFFFFFF  }
0xc2: {  	(tm) =	ssettm $0x7FFFFFFF  }
0xc3: {  	_ =	shalt  }
tec
execute0_lowered:
.L_overlay_start_1:
0x0: {  	(tag) =	ssettag $0x1  }
0x1: {  	s5 =	rddreg [dreg:$0x0];
	s1 =	stileid.u32  }
0x2: {  	s2 =	rddreg [dreg:$0x1];
	s6 =	smul.u32 $0x500, s1  }
0x3: {  	s3 =	simm.s32 $0x0;
	s0 =	srdreg.scid;
	s9 =	smul.u32 $0x50, s1  }
0x4: {  	[smem:$0x7FF] =	sst s3;
	s0 =	sand.u32 $0x1, s0;
	s24 =	smul.u32 $0xA000, s1  }
0x5: {  	s4 =	sadd.s32 $0x12800, s5;
	s25 =	sor.u32 $0x10, s1;
	s28 =	smul.u32 $0x2710, s0  }
0x6: {  	s11 =	sor.u32 $0x20, s1;
	s22 =	sor.u32 $0x50, s1;
	s31 =	smul.u32 $0xA000, s25  }
0x7: {  	_ =	strace $0x80000050;
	s7 =	ssub.s32 $0x2, s0;
	s12 =	smul.u32 $0x50, s11  }
0x8: {  	s8 =	sshrl.u32 s7, $0x1;
	s0 =	sadd.s32 s6, s5;
	s5 =	sadd.s32 $0x60A00, s5  }
0x9: {  	s23 =	ssub.s32 s7, s8;
	s7 =	sshrl.u32 s24, $0x2;
	s26 =	sadd.s32 s28, s9  }
0xa: {  	s10 =	sshrl.u32 s31, $0x2;
	s13 =	sadd.s32 s28, s12;
	s12 =	smul.u32 $0xA000, s22  }
0xb: {  	s6 =	smax.u32 s23, $0x1;
	s17 =	sadd.s32 s7, s2;
	s8 =	sshll.u32 s26, $0x4  }
0xc: {  	s18 =	sadd.s32 s10, s2;
	[dreg:$0x3] =	wrdreg s6;
	s6 =	smul.u32 $0x50, s25  }
0xd: {  	s10 =	sor.u32 $0x30, s1;
	s7 =	sadd.s32 s5, s8;
	s8 =	smul.u32 $0xA000, s11  }
0xe: {  	s14 =	smul.u32 $0xA000, s10  }
0xf: {  	s29 =	simm.s32 $0x1;
	s15 =	sor.u32 $0x40, s1;
	s10 =	smul.u32 $0x50, s10  }
0x10: {  	s30 =	simm.s32 $0x0;
	s31 =	sshll.u32 s1, $0xB;
	s11 =	smul.u32 $0xA000, s15  }
0x11: {  	s23 =	sshrl.u32 s12, $0x2;
	s17 =	sshrl.u32 s17, $0x3;
	s18 =	sshrl.u32 s18, $0x3  }
0x12: {  	[dreg:$0x4] =	wrdreg s7;
	s6 =	sadd.s32 s28, s6;
	s8 =	sshrl.u32 s8, $0x2  }
0x13: {  	s9 =	sshrl.u32 s14, $0x2;
	s10 =	sadd.s32 s28, s10;
	s21 =	sshrl.u32 s11, $0x2  }
0x14: {  	s11 =	smul.u32 $0x50, s22;
	s6 =	sshll.u32 s6, $0x4;
	s19 =	sadd.s32 s8, s2  }
0x15: {  	s20 =	sadd.s32 s9, s2;
	s16 =	sshll.u32 s10, $0x4;
	s6 =	sadd.s32 s5, s6  }
0x16: {  	s21 =	sadd.s32 s21, s2;
	[dreg:$0x5] =	wrdreg s6;
	s6 =	sshll.u32 s13, $0x4  }
0x17: {  	s13 =	sor.u32 $0x60, s1;
	s8 =	sadd.s32 s5, s6;
	s6 =	smul.u32 $0x50, s15  }
0x18: {  	s9 =	sadd.s32 s5, s16;
	s11 =	sadd.s32 s28, s11;
	s24 =	smul.u32 $0xA000, s13  }
0x19: {  	s19 =	sshrl.u32 s19, $0x3;
	s13 =	smul.u32 $0x50, s13;
	s15 =	sor.u32 $0x70, s1  }
0x1a: {  	s20 =	sshrl.u32 s20, $0x3;
	s11 =	sshll.u32 s11, $0x4;
	s14 =	smul.u32 $0x50, s15  }
0x1b: {  	s21 =	sshrl.u32 s21, $0x3;
	s11 =	sadd.s32 s5, s11;
	s16 =	smul.u32 $0xA000, s15  }
0x1c: {  	p0 =	sgt.u32 s15, $0x7C;
	s15 =	sadd.s32 $0xD800, s0;
	s6 =	sadd.s32 s28, s6  }
0x1d: {  	s12 =	sshrl.u32 s24, $0x2;
	s13 =	sadd.s32 s28, s13;
	s6 =	sshll.u32 s6, $0x4  }
0x1e: {  	s13 =	sshll.u32 s13, $0x4;
	s14 =	sadd.s32 s28, s14;
	s26 =	sshrl.u32 s16, $0x2  }
0x1f: {  	v0 =	vmov s28;
	s16 =	sadd.s32 $0x3800, s0;
	s28 =	simm.s32 $0x100;
	s10 =	sadd.s32 s5, s6  }
0x20: {  	s6 =	sadd.s32 s23, s2;
	s23 =	sadd.s32 s12, s2;
	s12 =	sadd.s32 s5, s13  }
0x21: {  	s25 =	sshll.u32 s14, $0x4;
	s24 =	sadd.s32 s26, s2;
	s14 =	sadd.s32 s31, s2  }
0x22: {  	s26 =	simm.s32 $0x80;
	s13 =	sadd.s32 s5, s25;
	s22 =	sshrl.u32 s6, $0x3  }
0x23: {  	v1 =	vimm.f32 $0.0e+00;
	s23 =	sshrl.u32 s23, $0x3;
	s24 =	sshrl.u32 @!p0 s24, $0x3;
	s25 =	simm.s32 $0x2  }
.LBB2_1:
0x24: {  	s0 =	simm.s32 $0x0;
	s5 =	simm.s32 $0x0  }
.LBB2_2:
0x25: {  	p1 =	sne.s32 s5, $0x1FC0  }
.Ltmp0:
0x26: {  	_ = 	snop;
	(pc) =	sbr.rel @p1 .LBB2_2-.Ltmp0, $4  }
0x27: {  	s6 =	sand.u32 $0x1E00, s5  }
0x28: {  	s31 =	sand.u32 $0x70, s0;
	s6 =	sshrl.u32 s6, $0x2  }
0x29: {  	s6 =	sor.u32 s31, s6  }
0x2a: {  	s0 =	sadd.s32 $0x10, s0;
	s5 =	sadd.s32 $0x40, s5;
	[tilespmem:s6+$0x100] =	vst v1  }
0x2b: {  	s0 =	sadd.s32 $0x0, s1  }
0x2c: {  	p1 =	sgt.u32 s0, $0x278  }
0x2d: {  	s0 =	simm.s32 @!p1 $0x100;
	s6 =	simm.s32 @!p1 $0x2  }
0x2e: {  	[spmem:s14] =	stream.linear.scatter @!p1 [tilespmem:s0], [sflag:$0x2], $0x800, $0x38;
	[tilespmem:$0x17D80] =	vst v63  }
0x2f: {  	s31 =	simm.s32 $0x10;
	_ =	swait.ge @!p1 [sflag:s6], $0x800  }
0x30: {  	s5 =	simm.s32 $0x20;
	s0 =	sadd.s32 $0x8000, s14;
	[sflag:s6] =	ssyncset.done @!p1 $0x0  }
.LBB2_4:
0x31: {  	s7 =	sadd.s32 s31, s1;
	s31 =	smov.u32 s5;
	s5 =	sadd.s32 $0x10, s5  }
0x32: {  	[sflag:s6] =	ssyncadd.s32 @!p1 $0xFFFFF800;
	p2 =	sne.s32 s5, $0x280  }
.Ltmp1:
0x33: {  	p1 =	sgt.u32 s7, $0x278;
	(pc) =	sbr.rel @p2 .LBB2_4-.Ltmp1, $4  }
0x34: {  	s7 =	simm.s32 @!p1 $0x100;
	s6 =	simm.s32 @!p1 $0x2  }
0x35: {  	[spmem:s0] =	stream.linear.scatter @!p1 [tilespmem:s7], [sflag:$0x2], $0x800, $0x38;
	[tilespmem:$0x17D80] =	vst v63  }
0x36: {  	_ =	swait.ge @!p1 [sflag:s6], $0x800  }
0x37: {  	s0 =	sadd.s32 $0x8000, s0;
	[sflag:s6] =	ssyncset.done @!p1 $0x0  }
0x38: {  	s5 =	sadd.s32 s31, s1  }
0x39: {  	p2 =	sgt.u32 s5, $0x278  }
0x3a: {  	[sflag:s6] =	ssyncadd.s32 @!p1 $0xFFFFF800;
	s5 =	simm.s32 @!p2 $0x100;
	s6 =	simm.s32 @!p2 $0x2  }
0x3b: {  	[spmem:s0] =	stream.linear.scatter @!p2 [tilespmem:s5], [sflag:$0x2], $0x800, $0x38;
	[tilespmem:$0x17D80] =	vst v63  }
0x3c: {  	_ =	swait.ge @!p2 [sflag:s6], $0x800  }
0x3d: {  	[sflag:s6] =	ssyncset.done @!p2 $0x0  }
0x3e: {  	[sflag:s6] =	ssyncadd.s32 @!p2 $0xFFFFF800  }
0x3f: {  	s7 =	sadd.s32 $0x0, s16;
	[bflag:$0x0] =	sbarrier.arrive $0xFFFF  }
0x40: {  	[tilespmem:s3], [sflag:$0x2] =	stream.linear.gather [hbm4b:s7+s3], $0x80, $0x38;
	[tilespmem:$0x17D80] =	vst v63  }
0x41: {  	_ =	swait.ge [sflag:s25], $0x80  }
0x42: {  	[sflag:s25] =	ssyncset.done $0x0  }
0x43: {  	[sflag:s25] =	ssyncadd.s32 $0xFFFFFF80  }
0x44: {  	v2 =	vld [tilespmem:$0x70]  }
0x45: {  	v3 =	vld [tilespmem:$0x30]  }
0x46: {  	v6 =	vld [tilespmem:$0x20]  }
0x47: {  	v4 =	vld [tilespmem:$0x50]  }
0x48: {  	v5 =	vld [tilespmem:$0x60]  }
0x49: {  	v7 =	vld [tilespmem:$0x10];
	v2 =	vadd.s32 v0, v2  }
0x4a: {  	v8 =	vld [tilespmem:$0x40];
	v3 =	vadd.s32 v0, v3;
	[tilespmem:$0x70] =	vst v2  }
0x4b: {  	v63 =	vadd.s32 v0, v6;
	v2 =	vld [tilespmem:$0x0];
	[tilespmem:$0x30] =	vst v3  }
0x4c: {  	v3 =	vadd.s32 v0, v4;
	[tilespmem:$0x20] =	vst v63  }
0x4d: {  	[tilespmem:$0x50] =	vst v3;
	v3 =	vadd.s32 v0, v5  }
0x4e: {  	[tilespmem:$0x60] =	vst v3;
	v3 =	vadd.s32 v0, v7  }
0x4f: {  	[tilespmem:$0x10] =	vst v3;
	v3 =	vadd.s32 v0, v8  }
0x50: {  	[tilespmem:$0x40] =	vst v3;
	v2 =	vadd.s32 v0, v2  }
0x51: {  	[tilespmem:$0x0] =	vst v2  }
0x52: {  	[tilespmem:s28], [sflag:$0x1] =	stream.indirect.gather [hbm4b:s4+s26], $0x80, s3, s26, $0xb8;
	[tilespmem:$0x17D80] =	vst v63  }
0x53: {  	_ =	swait.ge [sflag:s29], $0x4000  }
0x54: {  	[sflag:s29] =	ssyncset.done $0x0  }
0x55: {  	s31 =	simm.s32 $0x10;
	s0 =	sadd.s32 $0x0, s15;
	[sflag:s29] =	ssyncadd.s32 $0xFFFFC000  }
.LBB2_6:
0x56: {  	[tilespmem:s26], [sflag:$0x2] =	stream.linear.gather [hbm4b:s0+s3], $0x80, $0x38;
	[tilespmem:$0x17D80] =	vst v63  }
0x57: {  	s0 =	smov.u32 s31  }
0x58: {  	p1 =	sne.s32 s31, $0x4F0;
	s31 =	sadd.s32 $0x10, s31;
	_ =	swait.ge [sflag:s25], $0x80  }
0x59: {  	[sflag:s25] =	ssyncset.done $0x0  }
0x5a: {  	[sflag:s25] =	ssyncadd.s32 $0xFFFFFF80  }
0x5b: {  	[spmem:s2] =	stream.indirect.scatter.add.f32 [tilespmem:s28], [sflag:$0x2], $0x80, s26, s26, $0xb8;
	[tilespmem:$0x17D80] =	vst v63  }
0x5c: {  	_ =	swait.ge [sflag:s25], $0x4000  }
0x5d: {  	[sflag:s25] =	ssyncset.done $0x0  }
0x5e: {  	s5 =	sadd.s32 s0, s16;
	[sflag:s25] =	ssyncadd.s32 $0xFFFFC000  }
0x5f: {  	[tilespmem:s3], [sflag:$0x2] =	stream.linear.gather [hbm4b:s5+s3], $0x80, $0x38;
	[tilespmem:$0x17D80] =	vst v63  }
0x60: {  	_ =	swait.ge [sflag:s25], $0x80  }
0x61: {  	[sflag:s25] =	ssyncset.done $0x0  }
0x62: {  	[sflag:s25] =	ssyncadd.s32 $0xFFFFFF80  }
0x63: {  	v2 =	vld [tilespmem:$0x70]  }
0x64: {  	v3 =	vld [tilespmem:$0x30]  }
0x65: {  	v4 =	vld [tilespmem:$0x50]  }
0x66: {  	v5 =	vld [tilespmem:$0x60]  }
0x67: {  	v6 =	vld [tilespmem:$0x20]  }
0x68: {  	v7 =	vld [tilespmem:$0x10];
	v2 =	vadd.s32 v0, v2  }
0x69: {  	v3 =	vadd.s32 v0, v3;
	v8 =	vld [tilespmem:$0x40];
	[tilespmem:$0x70] =	vst v2  }
0x6a: {  	v2 =	vld [tilespmem:$0x0];
	[tilespmem:$0x30] =	vst v3;
	v3 =	vadd.s32 v0, v4  }
0x6b: {  	[tilespmem:$0x50] =	vst v3;
	v3 =	vadd.s32 v0, v5  }
0x6c: {  	v4 =	vadd.s32 v0, v6;
	[tilespmem:$0x60] =	vst v3  }
0x6d: {  	v3 =	vadd.s32 v0, v7;
	[tilespmem:$0x20] =	vst v4  }
0x6e: {  	[tilespmem:$0x10] =	vst v3;
	v3 =	vadd.s32 v0, v8  }
0x6f: {  	v2 =	vadd.s32 v0, v2;
	[tilespmem:$0x40] =	vst v3  }
.Ltmp2:
0x70: {  	[tilespmem:$0x0] =	vst v2;
	(pc) =	sbr.rel @p1 .LBB2_6-.Ltmp2, $4  }
0x71: {  	[tilespmem:s28], [sflag:$0x1] =	stream.indirect.gather [hbm4b:s4+s26], $0x80, s3, s26, $0xb8;
	[tilespmem:$0x17D80] =	vst v63  }
0x72: {  	_ =	swait.ge [sflag:s29], $0x4000  }
0x73: {  	[sflag:s29] =	ssyncset.done $0x0  }
0x74: {  	s0 =	sadd.s32 s0, s15;
	[sflag:s29] =	ssyncadd.s32 $0xFFFFC000  }
0x75: {  	[tilespmem:s26], [sflag:$0x2] =	stream.linear.gather [hbm4b:s0+s3], $0x80, $0x38;
	[tilespmem:$0x17D80] =	vst v63  }
0x76: {  	_ =	swait.ge [sflag:s25], $0x80  }
0x77: {  	[sflag:s25] =	ssyncset.done $0x0  }
0x78: {  	[sflag:s25] =	ssyncadd.s32 $0xFFFFFF80  }
0x79: {  	[spmem:s2] =	stream.indirect.scatter.add.f32 [tilespmem:s28], [sflag:$0x2], $0x80, s26, s26, $0xb8;
	[tilespmem:$0x17D80] =	vst v63  }
0x7a: {  	_ =	swait.ge [sflag:s25], $0x4000  }
0x7b: {  	[sflag:s25] =	ssyncset.done $0x0  }
0x7c: {  	[sflag:s25] =	ssyncadd.s32 $0xFFFFC000  }
0x7d: {  	s6 =	sshll.u32 s1, $0x6;
	[bflag:$0x0] =	sbarrier.arrive $0xFFFF  }
0x7e: {  	s0 =	sor.u32 $0x1C02, s6;
	s5 =	rddreg [dreg:$0x4]  }
0x7f: {  	[hbm:s5], [sflag:s0] =	dma.local [spmem:s17], $0x500  }
0x80: {  	_ =	swait.ge [sflag:s25], $0x500  }
0x81: {  	[sflag:s25] =	ssyncset.done $0x0  }
0x82: {  	s7 =	rddreg [dreg:$0x5];
	[sflag:s25] =	ssyncadd.s32 $0xFFFFFB00  }
0x83: {  	[hbm:s7], [sflag:s0] =	dma.local [spmem:s18], $0x500  }
0x84: {  	_ =	swait.ge [sflag:s25], $0x500  }
0x85: {  	[sflag:s25] =	ssyncset.done $0x0  }
0x86: {  	[sflag:s25] =	ssyncadd.s32 $0xFFFFFB00  }
0x87: {  	[hbm:s8], [sflag:s0] =	dma.local [spmem:s19], $0x500  }
0x88: {  	_ =	swait.ge [sflag:s25], $0x500  }
0x89: {  	[sflag:s25] =	ssyncset.done $0x0  }
0x8a: {  	[sflag:s25] =	ssyncadd.s32 $0xFFFFFB00  }
0x8b: {  	[hbm:s9], [sflag:s0] =	dma.local [spmem:s20], $0x500  }
0x8c: {  	_ =	swait.ge [sflag:s25], $0x500  }
0x8d: {  	[sflag:s25] =	ssyncset.done $0x0  }
0x8e: {  	[sflag:s25] =	ssyncadd.s32 $0xFFFFFB00  }
0x8f: {  	[hbm:s10], [sflag:s0] =	dma.local [spmem:s21], $0x500  }
0x90: {  	_ =	swait.ge [sflag:s25], $0x500  }
0x91: {  	[sflag:s25] =	ssyncset.done $0x0  }
0x92: {  	[sflag:s25] =	ssyncadd.s32 $0xFFFFFB00  }
0x93: {  	[hbm:s11], [sflag:s0] =	dma.local [spmem:s22], $0x500  }
0x94: {  	_ =	swait.ge [sflag:s25], $0x500  }
0x95: {  	[sflag:s25] =	ssyncset.done $0x0  }
0x96: {  	[sflag:s25] =	ssyncadd.s32 $0xFFFFFB00  }
0x97: {  	[hbm:s12], [sflag:s0] =	dma.local [spmem:s23], $0x500  }
0x98: {  	_ =	swait.ge [sflag:s25], $0x500  }
0x99: {  	[sflag:s25] =	ssyncset.done $0x0  }
0x9a: {  	[sflag:s25] =	ssyncadd.s32 $0xFFFFFB00  }
0x9b: {  	[hbm:s13], [sflag:s0] =	dma.local @!p0 [spmem:s24], $0x500  }
0x9c: {  	s0 =	simm.s32 @!p0 $0x2  }
0x9d: {  	_ =	swait.ge @!p0 [sflag:s0], $0x500  }
0x9e: {  	s30 =	sadd.s32 $0x1, s30;
	s31 =	rddreg [dreg:$0x3]  }
0x9f: {  	p1 =	sne.s32 s30, s31  }
.Ltmp3:
0xa0: {  	_ = 	snop;
	(pc) =	sbr.rel @p1 .LBB2_1-.Ltmp3, $3  }
0xa1: {  	_ =	sdelay $0x1  }
0xa2: {  	[sflag:s0] =	ssyncset.done @!p0 $0x0  }
0xa3: {  	[sflag:s0] =	ssyncadd.s32 @!p0 $0xFFFFFB00  }
0xa4: {  	_ =	sfence.sel $0x180000  }
0xa5: {  	[bflag:$0x0] =	sbarrier.arrive $0xFFFF  }
0xa6: {  	_ =	strace $0x90000050  }
0xa7: {  	[bflag:$0x2] =	sbarrier.arrive $0xFFFF  }
0xa8: {  	p0 =	sne.s32 s1, $0x0;
	s0 =	rddreg [dreg:$0x2]  }
0xa9: {  	s0 =	sadd.s32 @!p0 $0x100000, s0  }
0xaa: {  	[sflag:s0] =	ssyncadd.tile.s32 @!p0 $0x1;
	_ =	shalt  }
.Lfunc_end2:
_tile_overlayer_lowered:
.L_overlay_start_2:
0xab: {  	(tag) =	ssettag $0x2  }
0xac: {  	s0 =	rddreg [dreg:$0x0];
	s2 =	stileid.u32  }
0xad: {  	s1 =	rddreg [dreg:$0x1];
	p0 =	sne.s32 s2, $0x0  }
0xae: {  	s3 =	rddreg [dreg:$0x2];
	[bflag:$0x3] =	sbarrier.arrive $0xFFFF;
	s2 =	simm.s32 @!p0 $0x1C02  }
0xaf: {  	[timem:s3], [sflag:s2] =	dma.local @!p0 [hbm:s0], s1  }
0xb0: {  	s0 =	simm.s32 @!p0 $0x2  }
0xb1: {  	_ =	swait.ge @!p0 [sflag:s0], s1  }
0xb2: {  	s1 =	ssub.s32 @!p0 $0x0, s1;
	[sflag:s0] =	ssyncset.done @!p0 $0x0  }
0xb3: {  	[sflag:s0] =	ssyncadd.s32 @!p0 s1  }
0xb4: {  	[bflag:$0x3] =	sbarrier.arrive $0xFFFF  }
0xb5: {  	_ =	shalt  }

// kernel: kernel.16.cloned.1.call-start
scs
__scs_entry_jumppad:
0x0: {  	(pc) =	sbr.rel $0x88, $3  }
0x1: {  	(tag) =	ssettag $0x0;
	lr =	simm.s32 $0x1  }
0x2: {  	[smem:$0x3F90] =	sst lr;
	_ =	strace $0xD0000000  }
0x3: {  	_ = 	snop  }
0x4: {  	_ = 	snop  }
0x5: {  	_ = 	snop  }
0x6: {  	_ = 	snop  }
0x7: {  	_ = 	snop  }
__scs_overlays_trampoline_lowered:
0x8: {  	[smem:$0x3F9F] =	sst s0  }
0x9: {  	[smem:$0x3FA0] =	sst s1  }
0xa: {  	[smem:$0x3FA1] =	sst s2  }
0xb: {  	[smem:$0x3FA2] =	sst s3  }
0xc: {  	[smem:$0x3FA3] =	sst s4  }
0xd: {  	[smem:$0x3FA4] =	sst s5  }
0xe: {  	[smem:$0x3FA5] =	sst s6  }
0xf: {  	[smem:$0x3FA6] =	sst s7  }
0x10: {  	[smem:$0x3FA7] =	sst s8  }
0x11: {  	[smem:$0x3FA8] =	sst s9;
	s0 =	simm.s32 @!p0 $0x0  }
0x12: {  	s1 =	sld [smem:$0x3F8E];
	s0 =	simm.s32 @p0 $0x1  }
0x13: {  	[smem:$0x3FA9] =	sst s0;
	s0 =	simm.s32 @!p1 $0x0  }
0x14: {  	s2 =	sld [smem:$0x3F8D];
	s0 =	simm.s32 @p1 $0x1  }
0x15: {  	[smem:$0x3FAA] =	sst s0;
	s0 =	simm.s32 @!p2 $0x0  }
0x16: {  	s3 =	sld [smem:$0x3FDB];
	s0 =	simm.s32 @p2 $0x1  }
0x17: {  	s4 =	simm.s32 $0x1BF5;
	[smem:$0x3FAC] =	sst s0  }
0x18: {  	s0 =	sld [smem:$0x3F8F];
	_ =	swait.ge [sflag:s4], $0x0  }
0x19: {  	s7 =	sld [smem:$0x3F90]  }
0x1a: {  	s8 =	sadd.s32 $0xFFFFE003, lr  }
0x1b: {  	s9 =	sadd.s32 $0xFFFFFEF7, lr;
	s5 =	simm.s32 $0xFFFFFFFF;
	p2 =	slt.u32 s8, $0xFFFFF086  }
0x1c: {  	p1 =	slt.u32 s9, $0xF7A;
	s5 =	simm.s32 @!p2 $0x0  }
0x1d: {  	s5 =	simm.s32 @p1 $0x1;
	p0 =	seq.s32 s7, s2  }
0x1e: {  	s7 =	smul.u32 @!p0 $0xF7A, s2;
	p2 =	seq.s32 @!p0 s5, $0x0  }
0x1f: {  	s9 =	smul.u32 $0xF7A, s1;
	s8 =	simm.s32 @!p0 $0x1BF5;
	p2 =	por !p2, p0  }
0x20: {  	[sflag:s8] =	ssyncset.s32 @!p0 $0xFFFFF086;
	s6 =	sadd.s32 @!p0 s3, s7;
	s7 =	simm.s32 @!p0 $0x108  }
0x21: {  	s3 =	sadd.s32 s3, s9;
	s6 =	sadd.s32 @!p0 $0x88, s6;
	s7 =	simm.s32 @p2 $0x1082  }
0x22: {  	[simem:s7], [sflag:s8] =	dma.local @!p0 [hbm:s6], $0xF7A  }
0x23: {  	s9 =	sor.u32 $0xD0000000, s2;
	s6 =	simm.s32 $0x108;
	_ =	swait.ge @!p0 [sflag:s8], $0x0  }
0x24: {  	s3 =	sadd.s32 $0x88, s3;
	s6 =	simm.s32 @!p1 $0x1082;
	[sflag:s4] =	ssyncset.s32 $0xFFFFF086  }
0x25: {  	[simem:s6], [sflag:s4] =	dma.local [hbm:s3], $0xF7A  }
0x26: {  	[smem:$0x3F90] =	sst s1;
	(tag) =	ssettag s2;
	_ =	strace s9  }
0x27: {  	s1 =	sld [smem:$0x3FA0]  }
0x28: {  	s2 =	sld [smem:$0x3FA1]  }
0x29: {  	s4 =	sld [smem:$0x3FA3]  }
0x2a: {  	p0 =	seq.s32 s5, $0x0;
	s5 =	sld [smem:$0x3FA4]  }
0x2b: {  	s6 =	sld [smem:$0x3FA5]  }
0x2c: {  	s7 =	sld [smem:$0x3FA6]  }
0x2d: {  	s3 =	simm.s32 $0x108;
	s8 =	sld [smem:$0x3FA7]  }
0x2e: {  	s3 =	simm.s32 @!p0 $0x1082;
	s9 =	sld [smem:$0x3FA8]  }
0x2f: {  	lr =	sadd.s32 s0, s3;
	s0 =	sld [smem:$0x3F9F]  }
0x30: {  	s3 =	sld [smem:$0x3FA2]  }
0x31: {  	[smem:$0x3FAB] =	sst s10  }
0x32: {  	s10 =	sld [smem:$0x3FA9];
	_ =	sdelay $0x3  }
0x33: {  	p0 =	seq.s32 s10, $0x1;
	s10 =	sld [smem:$0x3FAB];
	_ =	sdelay $0x3  }
0x34: {  	[smem:$0x3FAB] =	sst s10  }
0x35: {  	s10 =	sld [smem:$0x3FAA];
	_ =	sdelay $0x3  }
0x36: {  	p1 =	seq.s32 s10, $0x1;
	s10 =	sld [smem:$0x3FAB];
	_ =	sdelay $0x3  }
0x37: {  	[smem:$0x3FAB] =	sst s10  }
0x38: {  	s10 =	sld [smem:$0x3FAC]  }
0x39: {  	_ = 	snop;
	(pc) =	sbr.ind lr, $3  }
0x3a: {  	_ = 	snop  }
0x3b: {  	_ = 	snop  }
0x3c: {  	p2 =	seq.s32 s10, $0x1;
	s10 =	sld [smem:$0x3FAB]  }
0x3d: {  	_ =	shalt  }
0x3e: {  	_ =	shalt  }
0x3f: {  	_ =	shalt  }
0x40: {  	_ =	shalt  }
0x41: {  	_ =	shalt  }
0x42: {  	_ =	shalt  }
0x43: {  	_ =	shalt  }
0x44: {  	_ =	shalt  }
0x45: {  	_ =	shalt  }
0x46: {  	_ =	shalt  }
0x47: {  	_ =	shalt  }
0x48: {  	_ =	shalt  }
0x49: {  	_ =	shalt  }
0x4a: {  	_ =	shalt  }
0x4b: {  	_ =	shalt  }
0x4c: {  	_ =	shalt  }
0x4d: {  	_ =	shalt  }
0x4e: {  	_ =	shalt  }
0x4f: {  	_ =	shalt  }
0x50: {  	_ =	shalt  }
0x51: {  	_ =	shalt  }
0x52: {  	_ =	shalt  }
0x53: {  	_ =	shalt  }
0x54: {  	_ =	shalt  }
0x55: {  	_ =	shalt  }
0x56: {  	_ =	shalt  }
0x57: {  	_ =	shalt  }
0x58: {  	_ =	shalt  }
0x59: {  	_ =	shalt  }
0x5a: {  	_ =	shalt  }
0x5b: {  	_ =	shalt  }
0x5c: {  	_ =	shalt  }
0x5d: {  	_ =	shalt  }
0x5e: {  	_ =	shalt  }
0x5f: {  	_ =	shalt  }
0x60: {  	_ =	shalt  }
0x61: {  	_ =	shalt  }
0x62: {  	_ =	shalt  }
0x63: {  	_ =	shalt  }
0x64: {  	_ =	shalt  }
0x65: {  	_ =	shalt  }
0x66: {  	_ =	shalt  }
0x67: {  	_ =	shalt  }
0x68: {  	_ =	shalt  }
0x69: {  	_ =	shalt  }
0x6a: {  	_ =	shalt  }
0x6b: {  	_ =	shalt  }
0x6c: {  	_ =	shalt  }
0x6d: {  	_ =	shalt  }
0x6e: {  	_ =	shalt  }
0x6f: {  	_ =	shalt  }
0x70: {  	_ =	shalt  }
0x71: {  	_ =	shalt  }
0x72: {  	_ =	shalt  }
0x73: {  	_ =	shalt  }
0x74: {  	_ =	shalt  }
0x75: {  	_ =	shalt  }
0x76: {  	_ =	shalt  }
0x77: {  	_ =	shalt  }
0x78: {  	_ =	shalt  }
0x79: {  	_ =	shalt  }
0x7a: {  	_ =	shalt  }
0x7b: {  	_ =	shalt  }
0x7c: {  	_ =	shalt  }
0x7d: {  	_ =	shalt  }
0x7e: {  	_ =	shalt  }
0x7f: {  	_ =	shalt  }
0x80: {  	_ =	shalt  }
0x81: {  	_ =	shalt  }
0x82: {  	_ =	shalt  }
0x83: {  	_ =	shalt  }
0x84: {  	_ =	shalt  }
0x85: {  	_ =	shalt  }
0x86: {  	_ =	shalt  }
0x87: {  	_ =	shalt  }
.Lfunc_end0:
.L_simem_size_0:
called_computation.4_lowered:
.L_overlay_start_0:
0x88: {  	s2 =	sld [smem:$0x3FD9]  }
0x89: {  	s3 =	sld [smem:$0x3FFE];
	_ =	sdelay $0x1  }
0x8a: {  	s1 =	srdreg.scid  }
0x8b: {  	s0 =	sand.u32 $0x1, s1  }
0x8c: {  	s16 =	sshll.u32 s0, $0xA;
	s2 =	sadd.s32 s3, s2  }
0x8d: {  	s2 =	sadd.s32 s2, s16  }
0x8e: {  	[smem:$0x3FB7] =	sst s2  }
0x8f: {  	_ = 	snop  }
0x90: {  	(tm) =	ssettm $0x1  }
0x91: {  	s17 =	sld [smem:$0x3FFB];
	_ =	sdelay $0x3  }
0x92: {  	_ =	strace s17  }
0x93: {  	s2 =	sld [smem:$0x3FFC];
	_ =	sdelay $0x3  }
0x94: {  	_ =	strace s2  }
0x95: {  	s2 =	sld [smem:$0x3FFD];
	_ =	sdelay $0x3  }
0x96: {  	_ =	strace s2  }
0x97: {  	_ =	strace $0x8FFFFFFF  }
0x98: {  	s18 =	sld [smem:$0x3FDB];
	_ =	sdelay $0x1  }
0x99: {  	s19 =	simm.s32 $_scs_section_size  }
0x9a: {  	s4 =	simm.s32 $_size__tile_overlayer_lowered;
	s5 =	simm.s32 $_tile_overlayer_lowered  }
0x9b: {  	s22 =	simm.s32 $0x1BFF;
	s21 =	sshll.u32 s5, $0x1;
	s2 =	sadd.s32 s19, s18  }
0x9c: {  	s6 =	simm.s32 $0x0;
	s20 =	sshll.u32 s4, $0x1;
	s4 =	sadd.s32 s21, s2  }
0x9d: {  	[timem:s6], [sflag:s22] =	dma.local [hbm:s4], s20  }
0x9e: {  	_ =	swait.ge [sflag:s22], s20  }
0x9f: {  	s3 =	ssub.s32 $0x0, s20;
	[sflag:s22] =	ssyncset.done $0x0  }
0xa0: {  	[sflag:s22] =	ssyncadd.s32 s3;
	_ =	sdelay $0x1  }
0xa1: {  	s23 =	simm.s32 $0x1B8B  }
0xa2: {  	_ =	swait.ge [sflag:s23], $0x1  }
0xa3: {  	[sflag:s23] =	ssyncset.done $0x0  }
0xa4: {  	s25 =	simm.s32 $0x1B8E;
	s24 =	sld [smem:$0x3FFE];
	[sflag:s23] =	ssyncadd.s32 $0xFFFFFFFF  }
0xa5: {  	s26 =	simm.s32 $execute0_lowered;
	[smem:$0x3FD2] =	sst s25  }
0xa6: {  	s4 =	sshll.u32 s26, $0x1;
	_ =	strace $0x80000052;
	[dreg:$0x1] =	wrdreg $0xFFFFFFFF  }
0xa7: {  	s28 =	simm.s32 $_size_execute0_lowered;
	s2 =	sadd.s32 s2, s4;
	[dreg:$0x0] =	wrdreg $0x0  }
0xa8: {  	s4 =	sshll.u32 s28, $0x1;
	[dreg:$0x2] =	wrdreg s2  }
0xa9: {  	[dreg:$0x3] =	wrdreg s4  }
0xaa: {  	[dreg:$0x4] =	wrdreg $0xC0  }
0xab: {  	_ =	task [dreg:s6], $0x5FFFF  }
0xac: {  	[dreg:$0x1] =	wrdreg $0xFFFFFFFF  }
0xad: {  	[dreg:$0x0] =	wrdreg $0x60  }
0xae: {  	[dreg:$0x2] =	wrdreg s24  }
0xaf: {  	[dreg:$0x3] =	wrdreg $0x41000  }
0xb0: {  	[dreg:$0x4] =	wrdreg $0x9  }
0xb1: {  	_ =	task.clear_ibuf [dreg:s6], $0x5FFFF;
	_ =	strace $0x90000052  }
0xb2: {  	s29 =	simm.s32 $0x9;
	_ =	strace $0x80000054  }
0xb3: {  	_ =	swait.ge [sflag:s29], $0x1  }
0xb4: {  	[sflag:s29] =	ssyncadd.s32 $0xFFFFFFFF  }
0xb5: {  	_ =	strace $0x90000054  }
0xb6: {  	_ =	sfence  }
0xb7: {  	s30 =	sld [smem:$0x0];
	_ =	sdelay $0x2  }
0xb8: {  	s31 =	sshll.u32 s1, $0xD;
	s1 =	sshrl.u32 s1, $0x2  }
0xb9: {  	s3 =	sand.u32 $0x4000, s31;
	s1 =	sadd.s32 s1, s30  }
0xba: {  	s0 =	sor.u32 s3, s0;
	s1 =	sshll.u32 s1, $0x11  }
0xbb: {  	s0 =	sor.u32 s1, s0  }
0xbc: {  	s0 =	sadd.s32 $0x8F2B, s0  }
0xbd: {  	[sflag:s0] =	ssyncadd.remote.s32 $0x1  }
0xbe: {  	_ =	sfence.sel $0xFFFF  }
0xbf: {  	[dreg:$0x0] =	wrdreg $0xFFFFFFFF;
	(pc) =	sbr.abs _section_cstart, $3  }
0xc0: {  	[dreg:$0x1] =	wrdreg $0xFFFFFFFF  }
0xc1: {  	_ =	task.clear_ibuf [dreg:s6], $0x2FFFF;
	_ =	strace $0x9FFFFFFF  }
0xc2: {  	(tm) =	ssettm $0x7FFFFFFF  }
0xc3: {  	_ =	shalt  }
tec
execute0_lowered:
.L_overlay_start_1:
0x0: {  	(tag) =	ssettag $0x1  }
0x1: {  	s5 =	rddreg [dreg:$0x0];
	s1 =	stileid.u32  }
0x2: {  	s2 =	rddreg [dreg:$0x1];
	s6 =	smul.u32 $0x500, s1  }
0x3: {  	s3 =	simm.s32 $0x0;
	s0 =	srdreg.scid;
	s9 =	smul.u32 $0x50, s1  }
0x4: {  	[smem:$0x7FF] =	sst s3;
	s0 =	sand.u32 $0x1, s0;
	s24 =	smul.u32 $0xA000, s1  }
0x5: {  	s4 =	sadd.s32 $0x12800, s5;
	s25 =	sor.u32 $0x10, s1;
	s28 =	smul.u32 $0x2710, s0  }
0x6: {  	s11 =	sor.u32 $0x20, s1;
	s22 =	sor.u32 $0x50, s1;
	s31 =	smul.u32 $0xA000, s25  }
0x7: {  	_ =	strace $0x80000053;
	s7 =	ssub.s32 $0x2, s0;
	s12 =	smul.u32 $0x50, s11  }
0x8: {  	s8 =	sshrl.u32 s7, $0x1;
	s0 =	sadd.s32 s6, s5;
	s5 =	sadd.s32 $0x60A00, s5  }
0x9: {  	s23 =	ssub.s32 s7, s8;
	s7 =	sshrl.u32 s24, $0x2;
	s26 =	sadd.s32 s28, s9  }
0xa: {  	s10 =	sshrl.u32 s31, $0x2;
	s13 =	sadd.s32 s28, s12;
	s12 =	smul.u32 $0xA000, s22  }
0xb: {  	s6 =	smax.u32 s23, $0x1;
	s17 =	sadd.s32 s7, s2;
	s8 =	sshll.u32 s26, $0x4  }
0xc: {  	s18 =	sadd.s32 s10, s2;
	[dreg:$0x3] =	wrdreg s6;
	s6 =	smul.u32 $0x50, s25  }
0xd: {  	s10 =	sor.u32 $0x30, s1;
	s7 =	sadd.s32 s5, s8;
	s8 =	smul.u32 $0xA000, s11  }
0xe: {  	s14 =	smul.u32 $0xA000, s10  }
0xf: {  	s29 =	simm.s32 $0x1;
	s15 =	sor.u32 $0x40, s1;
	s10 =	smul.u32 $0x50, s10  }
0x10: {  	s30 =	simm.s32 $0x0;
	s31 =	sshll.u32 s1, $0xB;
	s11 =	smul.u32 $0xA000, s15  }
0x11: {  	s23 =	sshrl.u32 s12, $0x2;
	s17 =	sshrl.u32 s17, $0x3;
	s18 =	sshrl.u32 s18, $0x3  }
0x12: {  	[dreg:$0x4] =	wrdreg s7;
	s6 =	sadd.s32 s28, s6;
	s8 =	sshrl.u32 s8, $0x2  }
0x13: {  	s9 =	sshrl.u32 s14, $0x2;
	s10 =	sadd.s32 s28, s10;
	s21 =	sshrl.u32 s11, $0x2  }
0x14: {  	s11 =	smul.u32 $0x50, s22;
	s6 =	sshll.u32 s6, $0x4;
	s19 =	sadd.s32 s8, s2  }
0x15: {  	s20 =	sadd.s32 s9, s2;
	s16 =	sshll.u32 s10, $0x4;
	s6 =	sadd.s32 s5, s6  }
0x16: {  	s21 =	sadd.s32 s21, s2;
	[dreg:$0x5] =	wrdreg s6;
	s6 =	sshll.u32 s13, $0x4  }
0x17: {  	s13 =	sor.u32 $0x60, s1;
	s8 =	sadd.s32 s5, s6;
	s6 =	smul.u32 $0x50, s15  }
0x18: {  	s9 =	sadd.s32 s5, s16;
	s11 =	sadd.s32 s28, s11;
	s24 =	smul.u32 $0xA000, s13  }
0x19: {  	s19 =	sshrl.u32 s19, $0x3;
	s13 =	smul.u32 $0x50, s13;
	s15 =	sor.u32 $0x70, s1  }
0x1a: {  	s20 =	sshrl.u32 s20, $0x3;
	s11 =	sshll.u32 s11, $0x4;
	s14 =	smul.u32 $0x50, s15  }
0x1b: {  	s21 =	sshrl.u32 s21, $0x3;
	s11 =	sadd.s32 s5, s11;
	s16 =	smul.u32 $0xA000, s15  }
0x1c: {  	p0 =	sgt.u32 s15, $0x7C;
	s15 =	sadd.s32 $0xD800, s0;
	s6 =	sadd.s32 s28, s6  }
0x1d: {  	s12 =	sshrl.u32 s24, $0x2;
	s13 =	sadd.s32 s28, s13;
	s6 =	sshll.u32 s6, $0x4  }
0x1e: {  	s13 =	sshll.u32 s13, $0x4;
	s14 =	sadd.s32 s28, s14;
	s26 =	sshrl.u32 s16, $0x2  }
0x1f: {  	v0 =	vmov s28;
	s16 =	sadd.s32 $0x3800, s0;
	s28 =	simm.s32 $0x100;
	s10 =	sadd.s32 s5, s6  }
0x20: {  	s6 =	sadd.s32 s23, s2;
	s23 =	sadd.s32 s12, s2;
	s12 =	sadd.s32 s5, s13  }
0x21: {  	s25 =	sshll.u32 s14, $0x4;
	s24 =	sadd.s32 s26, s2;
	s14 =	sadd.s32 s31, s2  }
0x22: {  	s26 =	simm.s32 $0x80;
	s13 =	sadd.s32 s5, s25;
	s22 =	sshrl.u32 s6, $0x3  }
0x23: {  	v1 =	vimm.f32 $0.0e+00;
	s23 =	sshrl.u32 s23, $0x3;
	s24 =	sshrl.u32 @!p0 s24, $0x3;
	s25 =	simm.s32 $0x2  }
.LBB2_1:
0x24: {  	s0 =	simm.s32 $0x0;
	s5 =	simm.s32 $0x0  }
.LBB2_2:
0x25: {  	p1 =	sne.s32 s5, $0x1FC0  }
.Ltmp0:
0x26: {  	_ = 	snop;
	(pc) =	sbr.rel @p1 .LBB2_2-.Ltmp0, $4  }
0x27: {  	s6 =	sand.u32 $0x1E00, s5  }
0x28: {  	s31 =	sand.u32 $0x70, s0;
	s6 =	sshrl.u32 s6, $0x2  }
0x29: {  	s6 =	sor.u32 s31, s6  }
0x2a: {  	s0 =	sadd.s32 $0x10, s0;
	s5 =	sadd.s32 $0x40, s5;
	[tilespmem:s6+$0x100] =	vst v1  }
0x2b: {  	s0 =	sadd.s32 $0x0, s1  }
0x2c: {  	p1 =	sgt.u32 s0, $0x278  }
0x2d: {  	s0 =	simm.s32 @!p1 $0x100;
	s6 =	simm.s32 @!p1 $0x2  }
0x2e: {  	[spmem:s14] =	stream.linear.scatter @!p1 [tilespmem:s0], [sflag:$0x2], $0x800, $0x38;
	[tilespmem:$0x17D80] =	vst v63  }
0x2f: {  	s31 =	simm.s32 $0x10;
	_ =	swait.ge @!p1 [sflag:s6], $0x800  }
0x30: {  	s5 =	simm.s32 $0x20;
	s0 =	sadd.s32 $0x8000, s14;
	[sflag:s6] =	ssyncset.done @!p1 $0x0  }
.LBB2_4:
0x31: {  	s7 =	sadd.s32 s31, s1;
	s31 =	smov.u32 s5;
	s5 =	sadd.s32 $0x10, s5  }
0x32: {  	[sflag:s6] =	ssyncadd.s32 @!p1 $0xFFFFF800;
	p2 =	sne.s32 s5, $0x280  }
.Ltmp1:
0x33: {  	p1 =	sgt.u32 s7, $0x278;
	(pc) =	sbr.rel @p2 .LBB2_4-.Ltmp1, $4  }
0x34: {  	s7 =	simm.s32 @!p1 $0x100;
	s6 =	simm.s32 @!p1 $0x2  }
0x35: {  	[spmem:s0] =	stream.linear.scatter @!p1 [tilespmem:s7], [sflag:$0x2], $0x800, $0x38;
	[tilespmem:$0x17D80] =	vst v63  }
0x36: {  	_ =	swait.ge @!p1 [sflag:s6], $0x800  }
0x37: {  	s0 =	sadd.s32 $0x8000, s0;
	[sflag:s6] =	ssyncset.done @!p1 $0x0  }
0x38: {  	s5 =	sadd.s32 s31, s1  }
0x39: {  	p2 =	sgt.u32 s5, $0x278  }
0x3a: {  	[sflag:s6] =	ssyncadd.s32 @!p1 $0xFFFFF800;
	s5 =	simm.s32 @!p2 $0x100;
	s6 =	simm.s32 @!p2 $0x2  }
0x3b: {  	[spmem:s0] =	stream.linear.scatter @!p2 [tilespmem:s5], [sflag:$0x2], $0x800, $0x38;
	[tilespmem:$0x17D80] =	vst v63  }
0x3c: {  	_ =	swait.ge @!p2 [sflag:s6], $0x800  }
0x3d: {  	[sflag:s6] =	ssyncset.done @!p2 $0x0  }
0x3e: {  	[sflag:s6] =	ssyncadd.s32 @!p2 $0xFFFFF800  }
0x3f: {  	s7 =	sadd.s32 $0x0, s16;
	[bflag:$0x0] =	sbarrier.arrive $0xFFFF  }
0x40: {  	[tilespmem:s3], [sflag:$0x2] =	stream.linear.gather [hbm4b:s7+s3], $0x80, $0x38;
	[tilespmem:$0x17D80] =	vst v63  }
0x41: {  	_ =	swait.ge [sflag:s25], $0x80  }
0x42: {  	[sflag:s25] =	ssyncset.done $0x0  }
0x43: {  	[sflag:s25] =	ssyncadd.s32 $0xFFFFFF80  }
0x44: {  	v2 =	vld [tilespmem:$0x70]  }
0x45: {  	v3 =	vld [tilespmem:$0x30]  }
0x46: {  	v6 =	vld [tilespmem:$0x20]  }
0x47: {  	v4 =	vld [tilespmem:$0x50]  }
0x48: {  	v5 =	vld [tilespmem:$0x60]  }
0x49: {  	v7 =	vld [tilespmem:$0x10];
	v2 =	vadd.s32 v0, v2  }
0x4a: {  	v8 =	vld [tilespmem:$0x40];
	v3 =	vadd.s32 v0, v3;
	[tilespmem:$0x70] =	vst v2  }
0x4b: {  	v63 =	vadd.s32 v0, v6;
	v2 =	vld [tilespmem:$0x0];
	[tilespmem:$0x30] =	vst v3  }
0x4c: {  	v3 =	vadd.s32 v0, v4;
	[tilespmem:$0x20] =	vst v63  }
0x4d: {  	[tilespmem:$0x50] =	vst v3;
	v3 =	vadd.s32 v0, v5  }
0x4e: {  	[tilespmem:$0x60] =	vst v3;
	v3 =	vadd.s32 v0, v7  }
0x4f: {  	[tilespmem:$0x10] =	vst v3;
	v3 =	vadd.s32 v0, v8  }
0x50: {  	[tilespmem:$0x40] =	vst v3;
	v2 =	vadd.s32 v0, v2  }
0x51: {  	[tilespmem:$0x0] =	vst v2  }
0x52: {  	[tilespmem:s28], [sflag:$0x1] =	stream.indirect.gather [hbm4b:s4+s26], $0x80, s3, s26, $0xb8;
	[tilespmem:$0x17D80] =	vst v63  }
0x53: {  	_ =	swait.ge [sflag:s29], $0x4000  }
0x54: {  	[sflag:s29] =	ssyncset.done $0x0  }
0x55: {  	s31 =	simm.s32 $0x10;
	s0 =	sadd.s32 $0x0, s15;
	[sflag:s29] =	ssyncadd.s32 $0xFFFFC000  }
.LBB2_6:
0x56: {  	[tilespmem:s26], [sflag:$0x2] =	stream.linear.gather [hbm4b:s0+s3], $0x80, $0x38;
	[tilespmem:$0x17D80] =	vst v63  }
0x57: {  	s0 =	smov.u32 s31  }
0x58: {  	p1 =	sne.s32 s31, $0x4F0;
	s31 =	sadd.s32 $0x10, s31;
	_ =	swait.ge [sflag:s25], $0x80  }
0x59: {  	[sflag:s25] =	ssyncset.done $0x0  }
0x5a: {  	[sflag:s25] =	ssyncadd.s32 $0xFFFFFF80  }
0x5b: {  	[spmem:s2] =	stream.indirect.scatter.add.f32 [tilespmem:s28], [sflag:$0x2], $0x80, s26, s26, $0xb8;
	[tilespmem:$0x17D80] =	vst v63  }
0x5c: {  	_ =	swait.ge [sflag:s25], $0x4000  }
0x5d: {  	[sflag:s25] =	ssyncset.done $0x0  }
0x5e: {  	s5 =	sadd.s32 s0, s16;
	[sflag:s25] =	ssyncadd.s32 $0xFFFFC000  }
0x5f: {  	[tilespmem:s3], [sflag:$0x2] =	stream.linear.gather [hbm4b:s5+s3], $0x80, $0x38;
	[tilespmem:$0x17D80] =	vst v63  }
0x60: {  	_ =	swait.ge [sflag:s25], $0x80  }
0x61: {  	[sflag:s25] =	ssyncset.done $0x0  }
0x62: {  	[sflag:s25] =	ssyncadd.s32 $0xFFFFFF80  }
0x63: {  	v2 =	vld [tilespmem:$0x70]  }
0x64: {  	v3 =	vld [tilespmem:$0x30]  }
0x65: {  	v4 =	vld [tilespmem:$0x50]  }
0x66: {  	v5 =	vld [tilespmem:$0x60]  }
0x67: {  	v6 =	vld [tilespmem:$0x20]  }
0x68: {  	v7 =	vld [tilespmem:$0x10];
	v2 =	vadd.s32 v0, v2  }
0x69: {  	v3 =	vadd.s32 v0, v3;
	v8 =	vld [tilespmem:$0x40];
	[tilespmem:$0x70] =	vst v2  }
0x6a: {  	v2 =	vld [tilespmem:$0x0];
	[tilespmem:$0x30] =	vst v3;
	v3 =	vadd.s32 v0, v4  }
0x6b: {  	[tilespmem:$0x50] =	vst v3;
	v3 =	vadd.s32 v0, v5  }
0x6c: {  	v4 =	vadd.s32 v0, v6;
	[tilespmem:$0x60] =	vst v3  }
0x6d: {  	v3 =	vadd.s32 v0, v7;
	[tilespmem:$0x20] =	vst v4  }
0x6e: {  	[tilespmem:$0x10] =	vst v3;
	v3 =	vadd.s32 v0, v8  }
0x6f: {  	v2 =	vadd.s32 v0, v2;
	[tilespmem:$0x40] =	vst v3  }
.Ltmp2:
0x70: {  	[tilespmem:$0x0] =	vst v2;
	(pc) =	sbr.rel @p1 .LBB2_6-.Ltmp2, $4  }
0x71: {  	[tilespmem:s28], [sflag:$0x1] =	stream.indirect.gather [hbm4b:s4+s26], $0x80, s3, s26, $0xb8;
	[tilespmem:$0x17D80] =	vst v63  }
0x72: {  	_ =	swait.ge [sflag:s29], $0x4000  }
0x73: {  	[sflag:s29] =	ssyncset.done $0x0  }
0x74: {  	s0 =	sadd.s32 s0, s15;
	[sflag:s29] =	ssyncadd.s32 $0xFFFFC000  }
0x75: {  	[tilespmem:s26], [sflag:$0x2] =	stream.linear.gather [hbm4b:s0+s3], $0x80, $0x38;
	[tilespmem:$0x17D80] =	vst v63  }
0x76: {  	_ =	swait.ge [sflag:s25], $0x80  }
0x77: {  	[sflag:s25] =	ssyncset.done $0x0  }
0x78: {  	[sflag:s25] =	ssyncadd.s32 $0xFFFFFF80  }
0x79: {  	[spmem:s2] =	stream.indirect.scatter.add.f32 [tilespmem:s28], [sflag:$0x2], $0x80, s26, s26, $0xb8;
	[tilespmem:$0x17D80] =	vst v63  }
0x7a: {  	_ =	swait.ge [sflag:s25], $0x4000  }
0x7b: {  	[sflag:s25] =	ssyncset.done $0x0  }
0x7c: {  	[sflag:s25] =	ssyncadd.s32 $0xFFFFC000  }
0x7d: {  	s6 =	sshll.u32 s1, $0x6;
	[bflag:$0x0] =	sbarrier.arrive $0xFFFF  }
0x7e: {  	s0 =	sor.u32 $0x1C02, s6;
	s5 =	rddreg [dreg:$0x4]  }
0x7f: {  	[hbm:s5], [sflag:s0] =	dma.local [spmem:s17], $0x500  }
0x80: {  	_ =	swait.ge [sflag:s25], $0x500  }
0x81: {  	[sflag:s25] =	ssyncset.done $0x0  }
0x82: {  	s7 =	rddreg [dreg:$0x5];
	[sflag:s25] =	ssyncadd.s32 $0xFFFFFB00  }
0x83: {  	[hbm:s7], [sflag:s0] =	dma.local [spmem:s18], $0x500  }
0x84: {  	_ =	swait.ge [sflag:s25], $0x500  }
0x85: {  	[sflag:s25] =	ssyncset.done $0x0  }
0x86: {  	[sflag:s25] =	ssyncadd.s32 $0xFFFFFB00  }
0x87: {  	[hbm:s8], [sflag:s0] =	dma.local [spmem:s19], $0x500  }
0x88: {  	_ =	swait.ge [sflag:s25], $0x500  }
0x89: {  	[sflag:s25] =	ssyncset.done $0x0  }
0x8a: {  	[sflag:s25] =	ssyncadd.s32 $0xFFFFFB00  }
0x8b: {  	[hbm:s9], [sflag:s0] =	dma.local [spmem:s20], $0x500  }
0x8c: {  	_ =	swait.ge [sflag:s25], $0x500  }
0x8d: {  	[sflag:s25] =	ssyncset.done $0x0  }
0x8e: {  	[sflag:s25] =	ssyncadd.s32 $0xFFFFFB00  }
0x8f: {  	[hbm:s10], [sflag:s0] =	dma.local [spmem:s21], $0x500  }
0x90: {  	_ =	swait.ge [sflag:s25], $0x500  }
0x91: {  	[sflag:s25] =	ssyncset.done $0x0  }
0x92: {  	[sflag:s25] =	ssyncadd.s32 $0xFFFFFB00  }
0x93: {  	[hbm:s11], [sflag:s0] =	dma.local [spmem:s22], $0x500  }
0x94: {  	_ =	swait.ge [sflag:s25], $0x500  }
0x95: {  	[sflag:s25] =	ssyncset.done $0x0  }
0x96: {  	[sflag:s25] =	ssyncadd.s32 $0xFFFFFB00  }
0x97: {  	[hbm:s12], [sflag:s0] =	dma.local [spmem:s23], $0x500  }
0x98: {  	_ =	swait.ge [sflag:s25], $0x500  }
0x99: {  	[sflag:s25] =	ssyncset.done $0x0  }
0x9a: {  	[sflag:s25] =	ssyncadd.s32 $0xFFFFFB00  }
0x9b: {  	[hbm:s13], [sflag:s0] =	dma.local @!p0 [spmem:s24], $0x500  }
0x9c: {  	s0 =	simm.s32 @!p0 $0x2  }
0x9d: {  	_ =	swait.ge @!p0 [sflag:s0], $0x500  }
0x9e: {  	s30 =	sadd.s32 $0x1, s30;
	s31 =	rddreg [dreg:$0x3]  }
0x9f: {  	p1 =	sne.s32 s30, s31  }
.Ltmp3:
0xa0: {  	_ = 	snop;
	(pc) =	sbr.rel @p1 .LBB2_1-.Ltmp3, $3  }
0xa1: {  	_ =	sdelay $0x1  }
0xa2: {  	[sflag:s0] =	ssyncset.done @!p0 $0x0  }
0xa3: {  	[sflag:s0] =	ssyncadd.s32 @!p0 $0xFFFFFB00  }
0xa4: {  	_ =	sfence.sel $0x180000  }
0xa5: {  	[bflag:$0x0] =	sbarrier.arrive $0xFFFF  }
0xa6: {  	_ =	strace $0x90000053  }
0xa7: {  	[bflag:$0x2] =	sbarrier.arrive $0xFFFF  }
0xa8: {  	p0 =	sne.s32 s1, $0x0;
	s0 =	rddreg [dreg:$0x2]  }
0xa9: {  	s0 =	sadd.s32 @!p0 $0x100000, s0  }
0xaa: {  	[sflag:s0] =	ssyncadd.tile.s32 @!p0 $0x1;
	_ =	shalt  }
.Lfunc_end2:
_tile_overlayer_lowered:
.L_overlay_start_2:
0xab: {  	(tag) =	ssettag $0x2  }
0xac: {  	s0 =	rddreg [dreg:$0x0];
	s2 =	stileid.u32  }
0xad: {  	s1 =	rddreg [dreg:$0x1];
	p0 =	sne.s32 s2, $0x0  }
0xae: {  	s3 =	rddreg [dreg:$0x2];
	[bflag:$0x3] =	sbarrier.arrive $0xFFFF;
	s2 =	simm.s32 @!p0 $0x1C02  }
0xaf: {  	[timem:s3], [sflag:s2] =	dma.local @!p0 [hbm:s0], s1  }
0xb0: {  	s0 =	simm.s32 @!p0 $0x2  }
0xb1: {  	_ =	swait.ge @!p0 [sflag:s0], s1  }
0xb2: {  	s1 =	ssub.s32 @!p0 $0x0, s1;
	[sflag:s0] =	ssyncset.done @!p0 $0x0  }
0xb3: {  	[sflag:s0] =	ssyncadd.s32 @!p0 s1  }
0xb4: {  	[bflag:$0x3] =	sbarrier.arrive $0xFFFF  }
0xb5: {  	_ =	shalt  }

</sc_bundles>
